<compile_context>
chip_gen: v7x
topology: tpu7x:2x2x1
jax: 0.10.2.dev20260603
libtpu: 0.0.44.dev20260713+nightly
codegen_flags: <defaults>
</compile_context>

<pallas_src>
import functools

import jax
import jax.numpy as jnp
from jax import lax
from jax.experimental import pallas as pl
from jax.experimental.pallas import tpu as pltpu
from jax.experimental.pallas import tpu_sc as plsc

_N = 1024
_D = 512
_TOPK = 10
_HALF = 5
_SIGMA = 1.0
_DELTA = 1.0

_NC = 2
_NS = 16
_NW = _NC * _NS
_ROWS_PER_W = _N // _NW
_LANES = 16
_CHUNKS = _N // _LANES


def _kernel_a(t_ref, idxc_ref, idxr_ref, key_ref, wp_ref):
    n = _N
    t = t_ref[...]
    t = t / jnp.maximum(jnp.sqrt(jnp.sum(t * t, axis=1, keepdims=True)), 1e-12)
    g = lax.dot_general(
        t, t, (((1,), (1,)), ((), ())), preferred_element_type=jnp.float32
    )
    d2t = jnp.maximum(2.0 - 2.0 * g, 0.0)
    tiny = d2t <= 1e-12
    wp_ref[...] = jnp.where(tiny, 1.0, jnp.exp(-d2t / _SIGMA))
    same = idxc_ref[...] == idxr_ref[...]
    col = lax.broadcasted_iota(jnp.int32, (n, n), 1)
    d2bits = lax.bitcast_convert_type(d2t, jnp.int32)
    key_ref[...] = jnp.where(same | tiny, 0, d2bits & ~jnp.int32(1023)) | col


def _merge16(a, b):
    m = jnp.minimum(a, lax.rev(b, dimensions=(0,)))
    out, _ = plsc.sort_key_val(m, m)
    return out


@functools.partial(
    pl.kernel,
    mesh=plsc.VectorSubcoreMesh(core_axis_name="c", subcore_axis_name="s"),
    out_type=jax.ShapeDtypeStruct((_N, _N), jnp.float32),
    compiler_params=pltpu.CompilerParams(needs_layout_passes=False),
    scratch_types=[
        pltpu.VMEM((_ROWS_PER_W, _N), jnp.int32),
        pltpu.VMEM((_ROWS_PER_W, _N), jnp.float32),
        pltpu.SemaphoreType.DMA,
    ],
)
def _sc_topk(key_hbm, rank_hbm, blk, rankblk, sem):
    wid = lax.axis_index("s") * _NC + lax.axis_index("c")
    base = wid * _ROWS_PER_W
    pltpu.sync_copy(key_hbm.at[pl.ds(base, _ROWS_PER_W)], blk)

    lane = lax.iota(jnp.int32, _LANES)
    ranks = (lane + 1).astype(jnp.float32)
    selmask = lane < _TOPK
    zero16 = jnp.zeros((_LANES,), jnp.float32)

    def row_body(r, carry):
        level = []
        for c in range(_CHUNKS):
            ck = blk[r, pl.ds(c * _LANES, _LANES)]
            sk, _ = plsc.sort_key_val(ck, ck)
            level.append(sk)
        while len(level) > 1:
            level = [
                _merge16(level[2 * i], level[2 * i + 1])
                for i in range(len(level) // 2)
            ]
        top = level[0]
        idxv = top & jnp.int32(1023)
        for c in range(_CHUNKS):
            rankblk[r, pl.ds(c * _LANES, _LANES)] = zero16
        rvec = lane * 0 + r
        plsc.store_scatter(rankblk, [rvec, idxv], ranks, mask=selmask)
        return carry

    lax.fori_loop(0, _ROWS_PER_W, row_body, 0)
    pltpu.sync_copy(rankblk, rank_hbm.at[pl.ds(base, _ROWS_PER_W)])


def _kernel_c(s_ref, wp_ref, rank_ref, out_ref):
    n = _N
    s = s_ref[...]
    s = s / jnp.maximum(jnp.sqrt(jnp.sum(s * s, axis=1, keepdims=True)), 1e-12)
    g = lax.dot_general(
        s, s, (((1,), (1,)), ((), ())), preferred_element_type=jnp.float32
    )
    d2s = jnp.maximum(2.0 - 2.0 * g, 0.0)
    s_dist = jnp.where(d2s > 1e-12, jnp.sqrt(jnp.maximum(d2s, 1e-12)), 0.0)
    s_dist = s_dist / jnp.mean(s_dist, axis=1, keepdims=True)

    rank = rank_ref[...]
    w_p = wp_ref[...]
    w_nn = (rank > 0.5).astype(jnp.float32)
    w_half = ((rank > 0.5) & (rank < _HALF + 0.5)).astype(jnp.float32)

    v = w_nn * w_nn.T
    cnt = jnp.sum(v, axis=0)
    m = lax.dot_general(
        v, v, (((1,), (0,)), ((), ())), preferred_element_type=jnp.float32
    )
    rc = 0.1 / jnp.maximum(cnt, 1.0)
    x_half = lax.dot_general(
        w_half, v * m * rc[:, None], (((1,), (0,)), ((), ())),
        preferred_element_type=jnp.float32,
    )

    rp = jnp.maximum(_DELTA - s_dist, 0.0)
    rp2 = rp * rp
    a2 = 0.5 * (s_dist * s_dist - rp2)
    f = rp2 + a2 * w_p + (a2 + a2.T) * x_half
    rowi = lax.broadcasted_iota(jnp.int32, (n, n), 0)
    col = lax.broadcasted_iota(jnp.int32, (n, n), 1)
    loss = jnp.sum(jnp.where(rowi == col, 0.0, f)) / float(n * (n - 1))
    out_ref[...] = jnp.reshape(loss, (1, 1))


def kernel(s_emb, t_emb, idx):
    idx_col = idx.reshape(_N, 1)
    idx_row = idx.reshape(1, _N)
    key, w_p = pl.pallas_call(
        _kernel_a,
        out_shape=(
            jax.ShapeDtypeStruct((_N, _N), jnp.int32),
            jax.ShapeDtypeStruct((_N, _N), jnp.float32),
        ),
    )(t_emb, idx_col, idx_row)
    rank = _sc_topk(key)
    out = pl.pallas_call(
        _kernel_c,
        out_shape=jax.ShapeDtypeStruct((1, 1), jnp.float32),
    )(s_emb, w_p, rank)
    return out[0, 0]

# --- scband reference (transcript-rebuilt; emitter-appended) ---
"""Pipeline reference for scband-rc-stml-91285234909293 (READ-ONLY COPY).

The authoritative reference and input builder live on the scoring server;
editing this copy changes nothing except your own understanding.
"""

import jax, jax.numpy as jnp
import numpy as np

SIGMA = 1.0
DELTA = 1.0
VIEW = 2
DISABLE_MU = True
TOPK = 10
N = 1024
D = 512


def _normalize(x, eps=1e-12):
    n = jnp.linalg.norm(x, axis=1, keepdims=True)
    return x / jnp.maximum(n, eps)


def _cdist(x, y):
    x2 = (x * x).sum(axis=1)[:, None]
    y2 = (y * y).sum(axis=1)[None, :]
    d2 = jnp.maximum(x2 + y2 - 2.0 * (x @ y.T), 0.0)
    return jnp.where(d2 > 1e-12, jnp.sqrt(jnp.maximum(d2, 1e-12)), 0.0)


def setup_inputs(seed: int = 0) -> dict:
    key = jax.random.key(seed)
    k1, k2, k3 = jax.random.split(key, 3)
    s_emb = jax.random.normal(k1, (N, D), dtype=jnp.float32)
    t_emb = jax.random.normal(k2, (N, D), dtype=jnp.float32)
    idx = jax.random.randint(k3, (N,), 0, 512, dtype=jnp.int32)
    return {"s_emb": s_emb, "t_emb": t_emb, "idx": idx}


def reference(s_emb, t_emb, idx):
    if DISABLE_MU:
        s_emb = _normalize(s_emb)
    t_emb = _normalize(t_emb)
    n = s_emb.shape[0]
    S_dist = _cdist(s_emb, s_emb)
    S_dist = S_dist / S_dist.mean(axis=1, keepdims=True)

    # torch.no_grad() block -> stop_gradient
    t = jax.lax.stop_gradient(t_emb)
    T_dist = _cdist(t, t)
    W_P = jnp.exp(-(T_dist ** 2) / SIGMA)
    same = idx[:, None] == idx[None, :]
    W_P_copy = jnp.where(same, 1.0, W_P)
    _, topk_index = jax.lax.top_k(W_P_copy, TOPK)
    half = int(np.around(TOPK / 2))
    topk_half_index = topk_index[:, :half]
    rows = jnp.arange(n)[:, None]
    W_NN = jnp.zeros_like(W_P).at[rows, topk_index].set(1.0)
    V = (((W_NN + W_NN.T) / 2.0) == 1.0).astype(jnp.float32)
    # vectorized form of the per-row loop:
    # W_C_tilda[i, j] = V[i, j] * (V @ V)[i, j] / V[i].sum()   (V is symmetric)
    cnt = V.sum(axis=1)
    M = V @ V
    W_C_tilda = jnp.where(cnt[:, None] > 0, V * M / jnp.maximum(cnt, 1.0)[:, None], 0.0)
    W_C_hat = W_C_tilda[topk_half_index].mean(axis=1)
    W_C = (W_C_hat + W_C_hat.T) / 2.0
    W = (W_P + W_C) / 2.0
    identity_matrix = jnp.eye(n, dtype=jnp.float32)
    pos_weight = W * (1.0 - identity_matrix)
    neg_weight = (1.0 - W) * (1.0 - identity_matrix)

    pull_losses = jnp.maximum(S_dist, 0.0) ** 2 * pos_weight
    push_losses = jnp.maximum(DELTA - S_dist, 0.0) ** 2 * neg_weight
    loss = (pull_losses.sum() + push_losses.sum()) / (n * (n - 1))
    return loss

if __name__ == "__main__":
    import jax
    _d = setup_inputs()
    print(jax.jit(kernel)(*tuple(_d.values())))

</pallas_src>

<mosaic_0001>
#map = affine_map<(d0, d1) -> (0, 0)>
module attributes {stable_mosaic.version = 14 : i64} {
  func.func @_sc_topk(%arg0: i32, %arg1: i32, %arg2: memref<1024x1024xi32, #tpu.memory_space<hbm>>, %arg3: memref<1024x1024xf32, #tpu.memory_space<hbm>>, %arg4: memref<32x1024xi32, #tpu.memory_space<vmem>>, %arg5: memref<32x1024xf32, #tpu.memory_space<vmem>>, %arg6: memref<!tpu.dma_semaphore, #tpu.memory_space<semaphore_mem>>) attributes {dimension_semantics = [#tpu.dimension_semantics<core_parallel>, #tpu.dimension_semantics<subcore_parallel>], iteration_bounds = array<i64: 2, 16>, scalar_prefetch = 0 : i64, scratch_operands = 3 : i64, tpu.core_type = #tpu.core_type<sc_vector_subcore>, window_params = [{transform_indices = #map}, {transform_indices = #map}]} {
    %mul3A = arith.constant 2 : i32
    %mul3A_0 = arith.muli %arg1, %mul3A : i32
    %add3A = arith.addi %mul3A_0, %arg0 : i32
    %mul3A_1 = arith.constant 32 : i32
    %mul3A_2 = arith.muli %add3A, %mul3A_1 : i32
    "tpu.region"() ({
      %run_scoped3A = tpu.sem_alloc : memref<!tpu.dma_semaphore, #tpu.memory_space<semaphore_mem>>
      %dma_start3A = arith.constant 0 : i32
      %dma_start3A_14 = tpu.memref_slice %arg2[%mul3A_2, %dma_start3A] : memref<1024x1024xi32, #tpu.memory_space<hbm>> -> memref<32x1024xi32, #tpu.memory_space<hbm>>
      %dma_start3A_15 = arith.constant 0 : i32
      %dma_start3A_16 = tpu.memref_slice %arg2[%mul3A_2, %dma_start3A_15] : memref<1024x1024xi32, #tpu.memory_space<hbm>> -> memref<32x1024xi32, #tpu.memory_space<hbm>>
      tpu.enqueue_dma source(%dma_start3A_16 : memref<32x1024xi32, #tpu.memory_space<hbm>>) target(%arg4 : memref<32x1024xi32, #tpu.memory_space<vmem>>) target_semaphore(%run_scoped3A : memref<!tpu.dma_semaphore, #tpu.memory_space<semaphore_mem>>)
      %dma_wait3A = arith.constant 0 : i32
      %dma_wait3A_17 = tpu.memref_slice %arg2[%mul3A_2, %dma_wait3A] : memref<1024x1024xi32, #tpu.memory_space<hbm>> -> memref<32x1024xi32, #tpu.memory_space<hbm>>
      %dma_wait3A_18 = arith.constant 0 : i32
      %dma_wait3A_19 = tpu.memref_slice %arg2[%mul3A_2, %dma_wait3A_18] : memref<1024x1024xi32, #tpu.memory_space<hbm>> -> memref<32x1024xi32, #tpu.memory_space<hbm>>
      tpu.wait_dma2 semaphore(%run_scoped3A : memref<!tpu.dma_semaphore, #tpu.memory_space<semaphore_mem>>) src(%dma_wait3A_19 : memref<32x1024xi32, #tpu.memory_space<hbm>>) dst(%arg4 : memref<32x1024xi32, #tpu.memory_space<vmem>>)
      tpu.yield
    }) : () -> ()
    %iota3A = tpu.iota {dimensions = array<i32: 0>} : vector<16xi32>
    %add3A_3 = arith.constant 1 : i32
    %add3A_4 = vector.broadcast %add3A_3 : i32 to vector<16xi32>
    %add3A_5 = arith.addi %iota3A, %add3A_4 : vector<16xi32>
    %convert_element_type3A = arith.sitofp %add3A_5 : vector<16xi32> to vector<16xf32>
    %lt3A = arith.constant 10 : i32
    %lt3A_6 = vector.broadcast %lt3A : i32 to vector<16xi32>
    %lt3A_7 = arith.cmpi slt, %iota3A, %lt3A_6 : vector<16xi32>
    %broadcast_in_dim3A = arith.constant 0.000000e+00 : f32
    %broadcast_in_dim3A_8 = vector.broadcast %broadcast_in_dim3A : f32 to vector<16xf32>
    %scan3A = arith.constant 0 : i32
    %scan3A_9 = arith.constant 0 : i32
    %scan3A_10 = arith.constant 32 : i32
    %scan3A_11 = arith.addi %scan3A_9, %scan3A_10 : i32
    %scan3A_12 = arith.constant 1 : i32
    scf.for %scan3A_14 = %scan3A_9 to %scan3A_11 step %scan3A_12  : i32 {
      %get3A = arith.index_cast %scan3A_14 : i32 to index
      %get3A_15 = arith.constant 0 : index
      %get3A_16 = tpu.vector_load %arg4[%get3A, %get3A_15] {strides = array<i32>} : memref<32x1024xi32, #tpu.memory_space<vmem>>, vector<16xi32>,
      %masked_sort3A = arith.constant dense<true> : vector<16xi1>
      %masked_sort3A_17 = arith.constant -2147483648 : i32
      %masked_sort3A_18 = vector.broadcast %masked_sort3A_17 : i32 to vector<16xi32>
      %masked_sort3A_19 = arith.xori %get3A_16, %masked_sort3A_18 : vector<16xi32>
      %masked_sort3A_20, %masked_sort3A_21, %masked_sort3A_22 = tpu.sort %masked_sort3A_19, %get3A_16 masked %masked_sort3A : (vector<16xi32>, vector<16xi32>, vector<16xi1>) -> (vector<16xi1>, vector<16xi32>, vector<16xi32>)
      %masked_sort3A_23 = arith.xori %masked_sort3A_21, %masked_sort3A_18 : vector<16xi32>
      %get3A_24 = arith.index_cast %scan3A_14 : i32 to index
      %get3A_25 = arith.constant 16 : index
      %get3A_26 = tpu.vector_load %arg4[%get3A_24, %get3A_25] {strides = array<i32>} : memref<32x1024xi32, #tpu.memory_space<vmem>>, vector<16xi32>,
      %masked_sort3A_27 = arith.constant dense<true> : vector<16xi1>
      %masked_sort3A_28 = arith.constant -2147483648 : i32
      %masked_sort3A_29 = vector.broadcast %masked_sort3A_28 : i32 to vector<16xi32>
      %masked_sort3A_30 = arith.xori %get3A_26, %masked_sort3A_29 : vector<16xi32>
      %masked_sort3A_31, %masked_sort3A_32, %masked_sort3A_33 = tpu.sort %masked_sort3A_30, %get3A_26 masked %masked_sort3A_27 : (vector<16xi32>, vector<16xi32>, vector<16xi1>) -> (vector<16xi1>, vector<16xi32>, vector<16xi32>)
      %masked_sort3A_34 = arith.xori %masked_sort3A_32, %masked_sort3A_29 : vector<16xi32>
      %get3A_35 = arith.index_cast %scan3A_14 : i32 to index
      %get3A_36 = arith.constant 32 : index
      %get3A_37 = tpu.vector_load %arg4[%get3A_35, %get3A_36] {strides = array<i32>} : memref<32x1024xi32, #tpu.memory_space<vmem>>, vector<16xi32>,
      %masked_sort3A_38 = arith.constant dense<true> : vector<16xi1>
      %masked_sort3A_39 = arith.constant -2147483648 : i32
      %masked_sort3A_40 = vector.broadcast %masked_sort3A_39 : i32 to vector<16xi32>
      %masked_sort3A_41 = arith.xori %get3A_37, %masked_sort3A_40 : vector<16xi32>
      %masked_sort3A_42, %masked_sort3A_43, %masked_sort3A_44 = tpu.sort %masked_sort3A_41, %get3A_37 masked %masked_sort3A_38 : (vector<16xi32>, vector<16xi32>, vector<16xi1>) -> (vector<16xi1>, vector<16xi32>, vector<16xi32>)
      %masked_sort3A_45 = arith.xori %masked_sort3A_43, %masked_sort3A_40 : vector<16xi32>
      %get3A_46 = arith.index_cast %scan3A_14 : i32 to index
      %get3A_47 = arith.constant 48 : index
      %get3A_48 = tpu.vector_load %arg4[%get3A_46, %get3A_47] {strides = array<i32>} : memref<32x1024xi32, #tpu.memory_space<vmem>>, vector<16xi32>,
      %masked_sort3A_49 = arith.constant dense<true> : vector<16xi1>
      %masked_sort3A_50 = arith.constant -2147483648 : i32
      %masked_sort3A_51 = vector.broadcast %masked_sort3A_50 : i32 to vector<16xi32>
      %masked_sort3A_52 = arith.xori %get3A_48, %masked_sort3A_51 : vector<16xi32>
      %masked_sort3A_53, %masked_sort3A_54, %masked_sort3A_55 = tpu.sort %masked_sort3A_52, %get3A_48 masked %masked_sort3A_49 : (vector<16xi32>, vector<16xi32>, vector<16xi1>) -> (vector<16xi1>, vector<16xi32>, vector<16xi32>)
      %masked_sort3A_56 = arith.xori %masked_sort3A_54, %masked_sort3A_51 : vector<16xi32>
      %get3A_57 = arith.index_cast %scan3A_14 : i32 to index
      %get3A_58 = arith.constant 64 : index
      %get3A_59 = tpu.vector_load %arg4[%get3A_57, %get3A_58] {strides = array<i32>} : memref<32x1024xi32, #tpu.memory_space<vmem>>, vector<16xi32>,
      %masked_sort3A_60 = arith.constant dense<true> : vector<16xi1>
      %masked_sort3A_61 = arith.constant -2147483648 : i32
      %masked_sort3A_62 = vector.broadcast %masked_sort3A_61 : i32 to vector<16xi32>
      %masked_sort3A_63 = arith.xori %get3A_59, %masked_sort3A_62 : vector<16xi32>
      %masked_sort3A_64, %masked_sort3A_65, %masked_sort3A_66 = tpu.sort %masked_sort3A_63, %get3A_59 masked %masked_sort3A_60 : (vector<16xi32>, vector<16xi32>, vector<16xi1>) -> (vector<16xi1>, vector<16xi32>, vector<16xi32>)
      %masked_sort3A_67 = arith.xori %masked_sort3A_65, %masked_sort3A_62 : vector<16xi32>
      %get3A_68 = arith.index_cast %scan3A_14 : i32 to index
      %get3A_69 = arith.constant 80 : index
      %get3A_70 = tpu.vector_load %arg4[%get3A_68, %get3A_69] {strides = array<i32>} : memref<32x1024xi32, #tpu.memory_space<vmem>>, vector<16xi32>,
      %masked_sort3A_71 = arith.constant dense<true> : vector<16xi1>
      %masked_sort3A_72 = arith.constant -2147483648 : i32
      %masked_sort3A_73 = vector.broadcast %masked_sort3A_72 : i32 to vector<16xi32>
      %masked_sort3A_74 = arith.xori %get3A_70, %masked_sort3A_73 : vector<16xi32>
      %masked_sort3A_75, %masked_sort3A_76, %masked_sort3A_77 = tpu.sort %masked_sort3A_74, %get3A_70 masked %masked_sort3A_71 : (vector<16xi32>, vector<16xi32>, vector<16xi1>) -> (vector<16xi1>, vector<16xi32>, vector<16xi32>)
      %masked_sort3A_78 = arith.xori %masked_sort3A_76, %masked_sort3A_73 : vector<16xi32>
      %get3A_79 = arith.index_cast %scan3A_14 : i32 to index
      %get3A_80 = arith.constant 96 : index
      %get3A_81 = tpu.vector_load %arg4[%get3A_79, %get3A_80] {strides = array<i32>} : memref<32x1024xi32, #tpu.memory_space<vmem>>, vector<16xi32>,
      %masked_sort3A_82 = arith.constant dense<true> : vector<16xi1>
      %masked_sort3A_83 = arith.constant -2147483648 : i32
      %masked_sort3A_84 = vector.broadcast %masked_sort3A_83 : i32 to vector<16xi32>
      %masked_sort3A_85 = arith.xori %get3A_81, %masked_sort3A_84 : vector<16xi32>
      %masked_sort3A_86, %masked_sort3A_87, %masked_sort3A_88 = tpu.sort %masked_sort3A_85, %get3A_81 masked %masked_sort3A_82 : (vector<16xi32>, vector<16xi32>, vector<16xi1>) -> (vector<16xi1>, vector<16xi32>, vector<16xi32>)
      %masked_sort3A_89 = arith.xori %masked_sort3A_87, %masked_sort3A_84 : vector<16xi32>
      %get3A_90 = arith.index_cast %scan3A_14 : i32 to index
      %get3A_91 = arith.constant 112 : index
      %get3A_92 = tpu.vector_load %arg4[%get3A_90, %get3A_91] {strides = array<i32>} : memref<32x1024xi32, #tpu.memory_space<vmem>>, vector<16xi32>,
      %masked_sort3A_93 = arith.constant dense<true> : vector<16xi1>
      %masked_sort3A_94 = arith.constant -2147483648 : i32
      %masked_sort3A_95 = vector.broadcast %masked_sort3A_94 : i32 to vector<16xi32>
      %masked_sort3A_96 = arith.xori %get3A_92, %masked_sort3A_95 : vector<16xi32>
      %masked_sort3A_97, %masked_sort3A_98, %masked_sort3A_99 = tpu.sort %masked_sort3A_96, %get3A_92 masked %masked_sort3A_93 : (vector<16xi32>, vector<16xi32>, vector<16xi1>) -> (vector<16xi1>, vector<16xi32>, vector<16xi32>)
      %masked_sort3A_100 = arith.xori %masked_sort3A_98, %masked_sort3A_95 : vector<16xi32>
      %get3A_101 = arith.index_cast %scan3A_14 : i32 to index
      %get3A_102 = arith.constant 128 : index
      %get3A_103 = tpu.vector_load %arg4[%get3A_101, %get3A_102] {strides = array<i32>} : memref<32x1024xi32, #tpu.memory_space<vmem>>, vector<16xi32>,
      %masked_sort3A_104 = arith.constant dense<true> : vector<16xi1>
      %masked_sort3A_105 = arith.constant -2147483648 : i32
      %masked_sort3A_106 = vector.broadcast %masked_sort3A_105 : i32 to vector<16xi32>
      %masked_sort3A_107 = arith.xori %get3A_103, %masked_sort3A_106 : vector<16xi32>
      %masked_sort3A_108, %masked_sort3A_109, %masked_sort3A_110 = tpu.sort %masked_sort3A_107, %get3A_103 masked %masked_sort3A_104 : (vector<16xi32>, vector<16xi32>, vector<16xi1>) -> (vector<16xi1>, vector<16xi32>, vector<16xi32>)
      %masked_sort3A_111 = arith.xori %masked_sort3A_109, %masked_sort3A_106 : vector<16xi32>
      %get3A_112 = arith.index_cast %scan3A_14 : i32 to index
      %get3A_113 = arith.constant 144 : index
      %get3A_114 = tpu.vector_load %arg4[%get3A_112, %get3A_113] {strides = array<i32>} : memref<32x1024xi32, #tpu.memory_space<vmem>>, vector<16xi32>,
      %masked_sort3A_115 = arith.constant dense<true> : vector<16xi1>
      %masked_sort3A_116 = arith.constant -2147483648 : i32
      %masked_sort3A_117 = vector.broadcast %masked_sort3A_116 : i32 to vector<16xi32>
      %masked_sort3A_118 = arith.xori %get3A_114, %masked_sort3A_117 : vector<16xi32>
      %masked_sort3A_119, %masked_sort3A_120, %masked_sort3A_121 = tpu.sort %masked_sort3A_118, %get3A_114 masked %masked_sort3A_115 : (vector<16xi32>, vector<16xi32>, vector<16xi1>) -> (vector<16xi1>, vector<16xi32>, vector<16xi32>)
      %masked_sort3A_122 = arith.xori %masked_sort3A_120, %masked_sort3A_117 : vector<16xi32>
      %get3A_123 = arith.index_cast %scan3A_14 : i32 to index
      %get3A_124 = arith.constant 160 : index
      %get3A_125 = tpu.vector_load %arg4[%get3A_123, %get3A_124] {strides = array<i32>} : memref<32x1024xi32, #tpu.memory_space<vmem>>, vector<16xi32>,
      %masked_sort3A_126 = arith.constant dense<true> : vector<16xi1>
      %masked_sort3A_127 = arith.constant -2147483648 : i32
      %masked_sort3A_128 = vector.broadcast %masked_sort3A_127 : i32 to vector<16xi32>
      %masked_sort3A_129 = arith.xori %get3A_125, %masked_sort3A_128 : vector<16xi32>
      %masked_sort3A_130, %masked_sort3A_131, %masked_sort3A_132 = tpu.sort %masked_sort3A_129, %get3A_125 masked %masked_sort3A_126 : (vector<16xi32>, vector<16xi32>, vector<16xi1>) -> (vector<16xi1>, vector<16xi32>, vector<16xi32>)
      %masked_sort3A_133 = arith.xori %masked_sort3A_131, %masked_sort3A_128 : vector<16xi32>
      %get3A_134 = arith.index_cast %scan3A_14 : i32 to index
      %get3A_135 = arith.constant 176 : index
      %get3A_136 = tpu.vector_load %arg4[%get3A_134, %get3A_135] {strides = array<i32>} : memref<32x1024xi32, #tpu.memory_space<vmem>>, vector<16xi32>,
      %masked_sort3A_137 = arith.constant dense<true> : vector<16xi1>
      %masked_sort3A_138 = arith.constant -2147483648 : i32
      %masked_sort3A_139 = vector.broadcast %masked_sort3A_138 : i32 to vector<16xi32>
      %masked_sort3A_140 = arith.xori %get3A_136, %masked_sort3A_139 : vector<16xi32>
      %masked_sort3A_141, %masked_sort3A_142, %masked_sort3A_143 = tpu.sort %masked_sort3A_140, %get3A_136 masked %masked_sort3A_137 : (vector<16xi32>, vector<16xi32>, vector<16xi1>) -> (vector<16xi1>, vector<16xi32>, vector<16xi32>)
      %masked_sort3A_144 = arith.xori %masked_sort3A_142, %masked_sort3A_139 : vector<16xi32>
      %get3A_145 = arith.index_cast %scan3A_14 : i32 to index
      %get3A_146 = arith.constant 192 : index
      %get3A_147 = tpu.vector_load %arg4[%get3A_145, %get3A_146] {strides = array<i32>} : memref<32x1024xi32, #tpu.memory_space<vmem>>, vector<16xi32>,
      %masked_sort3A_148 = arith.constant dense<true> : vector<16xi1>
      %masked_sort3A_149 = arith.constant -2147483648 : i32
      %masked_sort3A_150 = vector.broadcast %masked_sort3A_149 : i32 to vector<16xi32>
      %masked_sort3A_151 = arith.xori %get3A_147, %masked_sort3A_150 : vector<16xi32>
      %masked_sort3A_152, %masked_sort3A_153, %masked_sort3A_154 = tpu.sort %masked_sort3A_151, %get3A_147 masked %masked_sort3A_148 : (vector<16xi32>, vector<16xi32>, vector<16xi1>) -> (vector<16xi1>, vector<16xi32>, vector<16xi32>)
      %masked_sort3A_155 = arith.xori %masked_sort3A_153, %masked_sort3A_150 : vector<16xi32>
      %get3A_156 = arith.index_cast %scan3A_14 : i32 to index
      %get3A_157 = arith.constant 208 : index
      %get3A_158 = tpu.vector_load %arg4[%get3A_156, %get3A_157] {strides = array<i32>} : memref<32x1024xi32, #tpu.memory_space<vmem>>, vector<16xi32>,
      %masked_sort3A_159 = arith.constant dense<true> : vector<16xi1>
      %masked_sort3A_160 = arith.constant -2147483648 : i32
      %masked_sort3A_161 = vector.broadcast %masked_sort3A_160 : i32 to vector<16xi32>
      %masked_sort3A_162 = arith.xori %get3A_158, %masked_sort3A_161 : vector<16xi32>
      %masked_sort3A_163, %masked_sort3A_164, %masked_sort3A_165 = tpu.sort %masked_sort3A_162, %get3A_158 masked %masked_sort3A_159 : (vector<16xi32>, vector<16xi32>, vector<16xi1>) -> (vector<16xi1>, vector<16xi32>, vector<16xi32>)
      %masked_sort3A_166 = arith.xori %masked_sort3A_164, %masked_sort3A_161 : vector<16xi32>
      %get3A_167 = arith.index_cast %scan3A_14 : i32 to index
      %get3A_168 = arith.constant 224 : index
      %get3A_169 = tpu.vector_load %arg4[%get3A_167, %get3A_168] {strides = array<i32>} : memref<32x1024xi32, #tpu.memory_space<vmem>>, vector<16xi32>,
      %masked_sort3A_170 = arith.constant dense<true> : vector<16xi1>
      %masked_sort3A_171 = arith.constant -2147483648 : i32
      %masked_sort3A_172 = vector.broadcast %masked_sort3A_171 : i32 to vector<16xi32>
      %masked_sort3A_173 = arith.xori %get3A_169, %masked_sort3A_172 : vector<16xi32>
      %masked_sort3A_174, %masked_sort3A_175, %masked_sort3A_176 = tpu.sort %masked_sort3A_173, %get3A_169 masked %masked_sort3A_170 : (vector<16xi32>, vector<16xi32>, vector<16xi1>) -> (vector<16xi1>, vector<16xi32>, vector<16xi32>)
      %masked_sort3A_177 = arith.xori %masked_sort3A_175, %masked_sort3A_172 : vector<16xi32>
      %get3A_178 = arith.index_cast %scan3A_14 : i32 to index
      %get3A_179 = arith.constant 240 : index
      %get3A_180 = tpu.vector_load %arg4[%get3A_178, %get3A_179] {strides = array<i32>} : memref<32x1024xi32, #tpu.memory_space<vmem>>, vector<16xi32>,
      %masked_sort3A_181 = arith.constant dense<true> : vector<16xi1>
      %masked_sort3A_182 = arith.constant -2147483648 : i32
      %masked_sort3A_183 = vector.broadcast %masked_sort3A_182 : i32 to vector<16xi32>
      %masked_sort3A_184 = arith.xori %get3A_180, %masked_sort3A_183 : vector<16xi32>
      %masked_sort3A_185, %masked_sort3A_186, %masked_sort3A_187 = tpu.sort %masked_sort3A_184, %get3A_180 masked %masked_sort3A_181 : (vector<16xi32>, vector<16xi32>, vector<16xi1>) -> (vector<16xi1>, vector<16xi32>, vector<16xi32>)
      %masked_sort3A_188 = arith.xori %masked_sort3A_186, %masked_sort3A_183 : vector<16xi32>
      %get3A_189 = arith.index_cast %scan3A_14 : i32 to index
      %get3A_190 = arith.constant 256 : index
      %get3A_191 = tpu.vector_load %arg4[%get3A_189, %get3A_190] {strides = array<i32>} : memref<32x1024xi32, #tpu.memory_space<vmem>>, vector<16xi32>,
      %masked_sort3A_192 = arith.constant dense<true> : vector<16xi1>
      %masked_sort3A_193 = arith.constant -2147483648 : i32
      %masked_sort3A_194 = vector.broadcast %masked_sort3A_193 : i32 to vector<16xi32>
      %masked_sort3A_195 = arith.xori %get3A_191, %masked_sort3A_194 : vector<16xi32>
      %masked_sort3A_196, %masked_sort3A_197, %masked_sort3A_198 = tpu.sort %masked_sort3A_195, %get3A_191 masked %masked_sort3A_192 : (vector<16xi32>, vector<16xi32>, vector<16xi1>) -> (vector<16xi1>, vector<16xi32>, vector<16xi32>)
      %masked_sort3A_199 = arith.xori %masked_sort3A_197, %masked_sort3A_194 : vector<16xi32>
      %get3A_200 = arith.index_cast %scan3A_14 : i32 to index
      %get3A_201 = arith.constant 272 : index
      %get3A_202 = tpu.vector_load %arg4[%get3A_200, %get3A_201] {strides = array<i32>} : memref<32x1024xi32, #tpu.memory_space<vmem>>, vector<16xi32>,
      %masked_sort3A_203 = arith.constant dense<true> : vector<16xi1>
      %masked_sort3A_204 = arith.constant -2147483648 : i32
      %masked_sort3A_205 = vector.broadcast %masked_sort3A_204 : i32 to vector<16xi32>
      %masked_sort3A_206 = arith.xori %get3A_202, %masked_sort3A_205 : vector<16xi32>
      %masked_sort3A_207, %masked_sort3A_208, %masked_sort3A_209 = tpu.sort %masked_sort3A_206, %get3A_202 masked %masked_sort3A_203 : (vector<16xi32>, vector<16xi32>, vector<16xi1>) -> (vector<16xi1>, vector<16xi32>, vector<16xi32>)
      %masked_sort3A_210 = arith.xori %masked_sort3A_208, %masked_sort3A_205 : vector<16xi32>
      %get3A_211 = arith.index_cast %scan3A_14 : i32 to index
      %get3A_212 = arith.constant 288 : index
      %get3A_213 = tpu.vector_load %arg4[%get3A_211, %get3A_212] {strides = array<i32>} : memref<32x1024xi32, #tpu.memory_space<vmem>>, vector<16xi32>,
      %masked_sort3A_214 = arith.constant dense<true> : vector<16xi1>
      %masked_sort3A_215 = arith.constant -2147483648 : i32
      %masked_sort3A_216 = vector.broadcast %masked_sort3A_215 : i32 to vector<16xi32>
      %masked_sort3A_217 = arith.xori %get3A_213, %masked_sort3A_216 : vector<16xi32>
      %masked_sort3A_218, %masked_sort3A_219, %masked_sort3A_220 = tpu.sort %masked_sort3A_217, %get3A_213 masked %masked_sort3A_214 : (vector<16xi32>, vector<16xi32>, vector<16xi1>) -> (vector<16xi1>, vector<16xi32>, vector<16xi32>)
      %masked_sort3A_221 = arith.xori %masked_sort3A_219, %masked_sort3A_216 : vector<16xi32>
      %get3A_222 = arith.index_cast %scan3A_14 : i32 to index
      %get3A_223 = arith.constant 304 : index
      %get3A_224 = tpu.vector_load %arg4[%get3A_222, %get3A_223] {strides = array<i32>} : memref<32x1024xi32, #tpu.memory_space<vmem>>, vector<16xi32>,
      %masked_sort3A_225 = arith.constant dense<true> : vector<16xi1>
      %masked_sort3A_226 = arith.constant -2147483648 : i32
      %masked_sort3A_227 = vector.broadcast %masked_sort3A_226 : i32 to vector<16xi32>
      %masked_sort3A_228 = arith.xori %get3A_224, %masked_sort3A_227 : vector<16xi32>
      %masked_sort3A_229, %masked_sort3A_230, %masked_sort3A_231 = tpu.sort %masked_sort3A_228, %get3A_224 masked %masked_sort3A_225 : (vector<16xi32>, vector<16xi32>, vector<16xi1>) -> (vector<16xi1>, vector<16xi32>, vector<16xi32>)
      %masked_sort3A_232 = arith.xori %masked_sort3A_230, %masked_sort3A_227 : vector<16xi32>
      %get3A_233 = arith.index_cast %scan3A_14 : i32 to index
      %get3A_234 = arith.constant 320 : index
      %get3A_235 = tpu.vector_load %arg4[%get3A_233, %get3A_234] {strides = array<i32>} : memref<32x1024xi32, #tpu.memory_space<vmem>>, vector<16xi32>,
      %masked_sort3A_236 = arith.constant dense<true> : vector<16xi1>
      %masked_sort3A_237 = arith.constant -2147483648 : i32
      %masked_sort3A_238 = vector.broadcast %masked_sort3A_237 : i32 to vector<16xi32>
      %masked_sort3A_239 = arith.xori %get3A_235, %masked_sort3A_238 : vector<16xi32>
      %masked_sort3A_240, %masked_sort3A_241, %masked_sort3A_242 = tpu.sort %masked_sort3A_239, %get3A_235 masked %masked_sort3A_236 : (vector<16xi32>, vector<16xi32>, vector<16xi1>) -> (vector<16xi1>, vector<16xi32>, vector<16xi32>)
      %masked_sort3A_243 = arith.xori %masked_sort3A_241, %masked_sort3A_238 : vector<16xi32>
      %get3A_244 = arith.index_cast %scan3A_14 : i32 to index
      %get3A_245 = arith.constant 336 : index
      %get3A_246 = tpu.vector_load %arg4[%get3A_244, %get3A_245] {strides = array<i32>} : memref<32x1024xi32, #tpu.memory_space<vmem>>, vector<16xi32>,
      %masked_sort3A_247 = arith.constant dense<true> : vector<16xi1>
      %masked_sort3A_248 = arith.constant -2147483648 : i32
      %masked_sort3A_249 = vector.broadcast %masked_sort3A_248 : i32 to vector<16xi32>
      %masked_sort3A_250 = arith.xori %get3A_246, %masked_sort3A_249 : vector<16xi32>
      %masked_sort3A_251, %masked_sort3A_252, %masked_sort3A_253 = tpu.sort %masked_sort3A_250, %get3A_246 masked %masked_sort3A_247 : (vector<16xi32>, vector<16xi32>, vector<16xi1>) -> (vector<16xi1>, vector<16xi32>, vector<16xi32>)
      %masked_sort3A_254 = arith.xori %masked_sort3A_252, %masked_sort3A_249 : vector<16xi32>
      %get3A_255 = arith.index_cast %scan3A_14 : i32 to index
      %get3A_256 = arith.constant 352 : index
      %get3A_257 = tpu.vector_load %arg4[%get3A_255, %get3A_256] {strides = array<i32>} : memref<32x1024xi32, #tpu.memory_space<vmem>>, vector<16xi32>,
      %masked_sort3A_258 = arith.constant dense<true> : vector<16xi1>
      %masked_sort3A_259 = arith.constant -2147483648 : i32
      %masked_sort3A_260 = vector.broadcast %masked_sort3A_259 : i32 to vector<16xi32>
      %masked_sort3A_261 = arith.xori %get3A_257, %masked_sort3A_260 : vector<16xi32>
      %masked_sort3A_262, %masked_sort3A_263, %masked_sort3A_264 = tpu.sort %masked_sort3A_261, %get3A_257 masked %masked_sort3A_258 : (vector<16xi32>, vector<16xi32>, vector<16xi1>) -> (vector<16xi1>, vector<16xi32>, vector<16xi32>)
      %masked_sort3A_265 = arith.xori %masked_sort3A_263, %masked_sort3A_260 : vector<16xi32>
      %get3A_266 = arith.index_cast %scan3A_14 : i32 to index
      %get3A_267 = arith.constant 368 : index
      %get3A_268 = tpu.vector_load %arg4[%get3A_266, %get3A_267] {strides = array<i32>} : memref<32x1024xi32, #tpu.memory_space<vmem>>, vector<16xi32>,
      %masked_sort3A_269 = arith.constant dense<true> : vector<16xi1>
      %masked_sort3A_270 = arith.constant -2147483648 : i32
      %masked_sort3A_271 = vector.broadcast %masked_sort3A_270 : i32 to vector<16xi32>
      %masked_sort3A_272 = arith.xori %get3A_268, %masked_sort3A_271 : vector<16xi32>
      %masked_sort3A_273, %masked_sort3A_274, %masked_sort3A_275 = tpu.sort %masked_sort3A_272, %get3A_268 masked %masked_sort3A_269 : (vector<16xi32>, vector<16xi32>, vector<16xi1>) -> (vector<16xi1>, vector<16xi32>, vector<16xi32>)
      %masked_sort3A_276 = arith.xori %masked_sort3A_274, %masked_sort3A_271 : vector<16xi32>
      %get3A_277 = arith.index_cast %scan3A_14 : i32 to index
      %get3A_278 = arith.constant 384 : index
      %get3A_279 = tpu.vector_load %arg4[%get3A_277, %get3A_278] {strides = array<i32>} : memref<32x1024xi32, #tpu.memory_space<vmem>>, vector<16xi32>,
      %masked_sort3A_280 = arith.constant dense<true> : vector<16xi1>
      %masked_sort3A_281 = arith.constant -2147483648 : i32
      %masked_sort3A_282 = vector.broadcast %masked_sort3A_281 : i32 to vector<16xi32>
      %masked_sort3A_283 = arith.xori %get3A_279, %masked_sort3A_282 : vector<16xi32>
      %masked_sort3A_284, %masked_sort3A_285, %masked_sort3A_286 = tpu.sort %masked_sort3A_283, %get3A_279 masked %masked_sort3A_280 : (vector<16xi32>, vector<16xi32>, vector<16xi1>) -> (vector<16xi1>, vector<16xi32>, vector<16xi32>)
      %masked_sort3A_287 = arith.xori %masked_sort3A_285, %masked_sort3A_282 : vector<16xi32>
      %get3A_288 = arith.index_cast %scan3A_14 : i32 to index
      %get3A_289 = arith.constant 400 : index
      %get3A_290 = tpu.vector_load %arg4[%get3A_288, %get3A_289] {strides = array<i32>} : memref<32x1024xi32, #tpu.memory_space<vmem>>, vector<16xi32>,
      %masked_sort3A_291 = arith.constant dense<true> : vector<16xi1>
      %masked_sort3A_292 = arith.constant -2147483648 : i32
      %masked_sort3A_293 = vector.broadcast %masked_sort3A_292 : i32 to vector<16xi32>
      %masked_sort3A_294 = arith.xori %get3A_290, %masked_sort3A_293 : vector<16xi32>
      %masked_sort3A_295, %masked_sort3A_296, %masked_sort3A_297 = tpu.sort %masked_sort3A_294, %get3A_290 masked %masked_sort3A_291 : (vector<16xi32>, vector<16xi32>, vector<16xi1>) -> (vector<16xi1>, vector<16xi32>, vector<16xi32>)
      %masked_sort3A_298 = arith.xori %masked_sort3A_296, %masked_sort3A_293 : vector<16xi32>
      %get3A_299 = arith.index_cast %scan3A_14 : i32 to index
      %get3A_300 = arith.constant 416 : index
      %get3A_301 = tpu.vector_load %arg4[%get3A_299, %get3A_300] {strides = array<i32>} : memref<32x1024xi32, #tpu.memory_space<vmem>>, vector<16xi32>,
      %masked_sort3A_302 = arith.constant dense<true> : vector<16xi1>
      %masked_sort3A_303 = arith.constant -2147483648 : i32
      %masked_sort3A_304 = vector.broadcast %masked_sort3A_303 : i32 to vector<16xi32>
      %masked_sort3A_305 = arith.xori %get3A_301, %masked_sort3A_304 : vector<16xi32>
      %masked_sort3A_306, %masked_sort3A_307, %masked_sort3A_308 = tpu.sort %masked_sort3A_305, %get3A_301 masked %masked_sort3A_302 : (vector<16xi32>, vector<16xi32>, vector<16xi1>) -> (vector<16xi1>, vector<16xi32>, vector<16xi32>)
      %masked_sort3A_309 = arith.xori %masked_sort3A_307, %masked_sort3A_304 : vector<16xi32>
      %get3A_310 = arith.index_cast %scan3A_14 : i32 to index
      %get3A_311 = arith.constant 432 : index
      %get3A_312 = tpu.vector_load %arg4[%get3A_310, %get3A_311] {strides = array<i32>} : memref<32x1024xi32, #tpu.memory_space<vmem>>, vector<16xi32>,
      %masked_sort3A_313 = arith.constant dense<true> : vector<16xi1>
      %masked_sort3A_314 = arith.constant -2147483648 : i32
      %masked_sort3A_315 = vector.broadcast %masked_sort3A_314 : i32 to vector<16xi32>
      %masked_sort3A_316 = arith.xori %get3A_312, %masked_sort3A_315 : vector<16xi32>
      %masked_sort3A_317, %masked_sort3A_318, %masked_sort3A_319 = tpu.sort %masked_sort3A_316, %get3A_312 masked %masked_sort3A_313 : (vector<16xi32>, vector<16xi32>, vector<16xi1>) -> (vector<16xi1>, vector<16xi32>, vector<16xi32>)
      %masked_sort3A_320 = arith.xori %masked_sort3A_318, %masked_sort3A_315 : vector<16xi32>
      %get3A_321 = arith.index_cast %scan3A_14 : i32 to index
      %get3A_322 = arith.constant 448 : index
      %get3A_323 = tpu.vector_load %arg4[%get3A_321, %get3A_322] {strides = array<i32>} : memref<32x1024xi32, #tpu.memory_space<vmem>>, vector<16xi32>,
      %masked_sort3A_324 = arith.constant dense<true> : vector<16xi1>
      %masked_sort3A_325 = arith.constant -2147483648 : i32
      %masked_sort3A_326 = vector.broadcast %masked_sort3A_325 : i32 to vector<16xi32>
      %masked_sort3A_327 = arith.xori %get3A_323, %masked_sort3A_326 : vector<16xi32>
      %masked_sort3A_328, %masked_sort3A_329, %masked_sort3A_330 = tpu.sort %masked_sort3A_327, %get3A_323 masked %masked_sort3A_324 : (vector<16xi32>, vector<16xi32>, vector<16xi1>) -> (vector<16xi1>, vector<16xi32>, vector<16xi32>)
      %masked_sort3A_331 = arith.xori %masked_sort3A_329, %masked_sort3A_326 : vector<16xi32>
      %get3A_332 = arith.index_cast %scan3A_14 : i32 to index
      %get3A_333 = arith.constant 464 : index
      %get3A_334 = tpu.vector_load %arg4[%get3A_332, %get3A_333] {strides = array<i32>} : memref<32x1024xi32, #tpu.memory_space<vmem>>, vector<16xi32>,
      %masked_sort3A_335 = arith.constant dense<true> : vector<16xi1>
      %masked_sort3A_336 = arith.constant -2147483648 : i32
      %masked_sort3A_337 = vector.broadcast %masked_sort3A_336 : i32 to vector<16xi32>
      %masked_sort3A_338 = arith.xori %get3A_334, %masked_sort3A_337 : vector<16xi32>
      %masked_sort3A_339, %masked_sort3A_340, %masked_sort3A_341 = tpu.sort %masked_sort3A_338, %get3A_334 masked %masked_sort3A_335 : (vector<16xi32>, vector<16xi32>, vector<16xi1>) -> (vector<16xi1>, vector<16xi32>, vector<16xi32>)
      %masked_sort3A_342 = arith.xori %masked_sort3A_340, %masked_sort3A_337 : vector<16xi32>
      %get3A_343 = arith.index_cast %scan3A_14 : i32 to index
      %get3A_344 = arith.constant 480 : index
      %get3A_345 = tpu.vector_load %arg4[%get3A_343, %get3A_344] {strides = array<i32>} : memref<32x1024xi32, #tpu.memory_space<vmem>>, vector<16xi32>,
      %masked_sort3A_346 = arith.constant dense<true> : vector<16xi1>
      %masked_sort3A_347 = arith.constant -2147483648 : i32
      %masked_sort3A_348 = vector.broadcast %masked_sort3A_347 : i32 to vector<16xi32>
      %masked_sort3A_349 = arith.xori %get3A_345, %masked_sort3A_348 : vector<16xi32>
      %masked_sort3A_350, %masked_sort3A_351, %masked_sort3A_352 = tpu.sort %masked_sort3A_349, %get3A_345 masked %masked_sort3A_346 : (vector<16xi32>, vector<16xi32>, vector<16xi1>) -> (vector<16xi1>, vector<16xi32>, vector<16xi32>)
      %masked_sort3A_353 = arith.xori %masked_sort3A_351, %masked_sort3A_348 : vector<16xi32>
      %get3A_354 = arith.index_cast %scan3A_14 : i32 to index
      %get3A_355 = arith.constant 496 : index
      %get3A_356 = tpu.vector_load %arg4[%get3A_354, %get3A_355] {strides = array<i32>} : memref<32x1024xi32, #tpu.memory_space<vmem>>, vector<16xi32>,
      %masked_sort3A_357 = arith.constant dense<true> : vector<16xi1>
      %masked_sort3A_358 = arith.constant -2147483648 : i32
      %masked_sort3A_359 = vector.broadcast %masked_sort3A_358 : i32 to vector<16xi32>
      %masked_sort3A_360 = arith.xori %get3A_356, %masked_sort3A_359 : vector<16xi32>
      %masked_sort3A_361, %masked_sort3A_362, %masked_sort3A_363 = tpu.sort %masked_sort3A_360, %get3A_356 masked %masked_sort3A_357 : (vector<16xi32>, vector<16xi32>, vector<16xi1>) -> (vector<16xi1>, vector<16xi32>, vector<16xi32>)
      %masked_sort3A_364 = arith.xori %masked_sort3A_362, %masked_sort3A_359 : vector<16xi32>
      %get3A_365 = arith.index_cast %scan3A_14 : i32 to index
      %get3A_366 = arith.constant 512 : index
      %get3A_367 = tpu.vector_load %arg4[%get3A_365, %get3A_366] {strides = array<i32>} : memref<32x1024xi32, #tpu.memory_space<vmem>>, vector<16xi32>,
      %masked_sort3A_368 = arith.constant dense<true> : vector<16xi1>
      %masked_sort3A_369 = arith.constant -2147483648 : i32
      %masked_sort3A_370 = vector.broadcast %masked_sort3A_369 : i32 to vector<16xi32>
      %masked_sort3A_371 = arith.xori %get3A_367, %masked_sort3A_370 : vector<16xi32>
      %masked_sort3A_372, %masked_sort3A_373, %masked_sort3A_374 = tpu.sort %masked_sort3A_371, %get3A_367 masked %masked_sort3A_368 : (vector<16xi32>, vector<16xi32>, vector<16xi1>) -> (vector<16xi1>, vector<16xi32>, vector<16xi32>)
      %masked_sort3A_375 = arith.xori %masked_sort3A_373, %masked_sort3A_370 : vector<16xi32>
      %get3A_376 = arith.index_cast %scan3A_14 : i32 to index
      %get3A_377 = arith.constant 528 : index
      %get3A_378 = tpu.vector_load %arg4[%get3A_376, %get3A_377] {strides = array<i32>} : memref<32x1024xi32, #tpu.memory_space<vmem>>, vector<16xi32>,
      %masked_sort3A_379 = arith.constant dense<true> : vector<16xi1>
      %masked_sort3A_380 = arith.constant -2147483648 : i32
      %masked_sort3A_381 = vector.broadcast %masked_sort3A_380 : i32 to vector<16xi32>
      %masked_sort3A_382 = arith.xori %get3A_378, %masked_sort3A_381 : vector<16xi32>
      %masked_sort3A_383, %masked_sort3A_384, %masked_sort3A_385 = tpu.sort %masked_sort3A_382, %get3A_378 masked %masked_sort3A_379 : (vector<16xi32>, vector<16xi32>, vector<16xi1>) -> (vector<16xi1>, vector<16xi32>, vector<16xi32>)
      %masked_sort3A_386 = arith.xori %masked_sort3A_384, %masked_sort3A_381 : vector<16xi32>
      %get3A_387 = arith.index_cast %scan3A_14 : i32 to index
      %get3A_388 = arith.constant 544 : index
      %get3A_389 = tpu.vector_load %arg4[%get3A_387, %get3A_388] {strides = array<i32>} : memref<32x1024xi32, #tpu.memory_space<vmem>>, vector<16xi32>,
      %masked_sort3A_390 = arith.constant dense<true> : vector<16xi1>
      %masked_sort3A_391 = arith.constant -2147483648 : i32
      %masked_sort3A_392 = vector.broadcast %masked_sort3A_391 : i32 to vector<16xi32>
      %masked_sort3A_393 = arith.xori %get3A_389, %masked_sort3A_392 : vector<16xi32>
      %masked_sort3A_394, %masked_sort3A_395, %masked_sort3A_396 = tpu.sort %masked_sort3A_393, %get3A_389 masked %masked_sort3A_390 : (vector<16xi32>, vector<16xi32>, vector<16xi1>) -> (vector<16xi1>, vector<16xi32>, vector<16xi32>)
      %masked_sort3A_397 = arith.xori %masked_sort3A_395, %masked_sort3A_392 : vector<16xi32>
      %get3A_398 = arith.index_cast %scan3A_14 : i32 to index
      %get3A_399 = arith.constant 560 : index
      %get3A_400 = tpu.vector_load %arg4[%get3A_398, %get3A_399] {strides = array<i32>} : memref<32x1024xi32, #tpu.memory_space<vmem>>, vector<16xi32>,
      %masked_sort3A_401 = arith.constant dense<true> : vector<16xi1>
      %masked_sort3A_402 = arith.constant -2147483648 : i32
      %masked_sort3A_403 = vector.broadcast %masked_sort3A_402 : i32 to vector<16xi32>
      %masked_sort3A_404 = arith.xori %get3A_400, %masked_sort3A_403 : vector<16xi32>
      %masked_sort3A_405, %masked_sort3A_406, %masked_sort3A_407 = tpu.sort %masked_sort3A_404, %get3A_400 masked %masked_sort3A_401 : (vector<16xi32>, vector<16xi32>, vector<16xi1>) -> (vector<16xi1>, vector<16xi32>, vector<16xi32>)
      %masked_sort3A_408 = arith.xori %masked_sort3A_406, %masked_sort3A_403 : vector<16xi32>
      %get3A_409 = arith.index_cast %scan3A_14 : i32 to index
      %get3A_410 = arith.constant 576 : index
      %get3A_411 = tpu.vector_load %arg4[%get3A_409, %get3A_410] {strides = array<i32>} : memref<32x1024xi32, #tpu.memory_space<vmem>>, vector<16xi32>,
      %masked_sort3A_412 = arith.constant dense<true> : vector<16xi1>
      %masked_sort3A_413 = arith.constant -2147483648 : i32
      %masked_sort3A_414 = vector.broadcast %masked_sort3A_413 : i32 to vector<16xi32>
      %masked_sort3A_415 = arith.xori %get3A_411, %masked_sort3A_414 : vector<16xi32>
      %masked_sort3A_416, %masked_sort3A_417, %masked_sort3A_418 = tpu.sort %masked_sort3A_415, %get3A_411 masked %masked_sort3A_412 : (vector<16xi32>, vector<16xi32>, vector<16xi1>) -> (vector<16xi1>, vector<16xi32>, vector<16xi32>)
      %masked_sort3A_419 = arith.xori %masked_sort3A_417, %masked_sort3A_414 : vector<16xi32>
      %get3A_420 = arith.index_cast %scan3A_14 : i32 to index
      %get3A_421 = arith.constant 592 : index
      %get3A_422 = tpu.vector_load %arg4[%get3A_420, %get3A_421] {strides = array<i32>} : memref<32x1024xi32, #tpu.memory_space<vmem>>, vector<16xi32>,
      %masked_sort3A_423 = arith.constant dense<true> : vector<16xi1>
      %masked_sort3A_424 = arith.constant -2147483648 : i32
      %masked_sort3A_425 = vector.broadcast %masked_sort3A_424 : i32 to vector<16xi32>
      %masked_sort3A_426 = arith.xori %get3A_422, %masked_sort3A_425 : vector<16xi32>
      %masked_sort3A_427, %masked_sort3A_428, %masked_sort3A_429 = tpu.sort %masked_sort3A_426, %get3A_422 masked %masked_sort3A_423 : (vector<16xi32>, vector<16xi32>, vector<16xi1>) -> (vector<16xi1>, vector<16xi32>, vector<16xi32>)
      %masked_sort3A_430 = arith.xori %masked_sort3A_428, %masked_sort3A_425 : vector<16xi32>
      %get3A_431 = arith.index_cast %scan3A_14 : i32 to index
      %get3A_432 = arith.constant 608 : index
      %get3A_433 = tpu.vector_load %arg4[%get3A_431, %get3A_432] {strides = array<i32>} : memref<32x1024xi32, #tpu.memory_space<vmem>>, vector<16xi32>,
      %masked_sort3A_434 = arith.constant dense<true> : vector<16xi1>
      %masked_sort3A_435 = arith.constant -2147483648 : i32
      %masked_sort3A_436 = vector.broadcast %masked_sort3A_435 : i32 to vector<16xi32>
      %masked_sort3A_437 = arith.xori %get3A_433, %masked_sort3A_436 : vector<16xi32>
      %masked_sort3A_438, %masked_sort3A_439, %masked_sort3A_440 = tpu.sort %masked_sort3A_437, %get3A_433 masked %masked_sort3A_434 : (vector<16xi32>, vector<16xi32>, vector<16xi1>) -> (vector<16xi1>, vector<16xi32>, vector<16xi32>)
      %masked_sort3A_441 = arith.xori %masked_sort3A_439, %masked_sort3A_436 : vector<16xi32>
      %get3A_442 = arith.index_cast %scan3A_14 : i32 to index
      %get3A_443 = arith.constant 624 : index
      %get3A_444 = tpu.vector_load %arg4[%get3A_442, %get3A_443] {strides = array<i32>} : memref<32x1024xi32, #tpu.memory_space<vmem>>, vector<16xi32>,
      %masked_sort3A_445 = arith.constant dense<true> : vector<16xi1>
      %masked_sort3A_446 = arith.constant -2147483648 : i32
      %masked_sort3A_447 = vector.broadcast %masked_sort3A_446 : i32 to vector<16xi32>
      %masked_sort3A_448 = arith.xori %get3A_444, %masked_sort3A_447 : vector<16xi32>
      %masked_sort3A_449, %masked_sort3A_450, %masked_sort3A_451 = tpu.sort %masked_sort3A_448, %get3A_444 masked %masked_sort3A_445 : (vector<16xi32>, vector<16xi32>, vector<16xi1>) -> (vector<16xi1>, vector<16xi32>, vector<16xi32>)
      %masked_sort3A_452 = arith.xori %masked_sort3A_450, %masked_sort3A_447 : vector<16xi32>
      %get3A_453 = arith.index_cast %scan3A_14 : i32 to index
      %get3A_454 = arith.constant 640 : index
      %get3A_455 = tpu.vector_load %arg4[%get3A_453, %get3A_454] {strides = array<i32>} : memref<32x1024xi32, #tpu.memory_space<vmem>>, vector<16xi32>,
      %masked_sort3A_456 = arith.constant dense<true> : vector<16xi1>
      %masked_sort3A_457 = arith.constant -2147483648 : i32
      %masked_sort3A_458 = vector.broadcast %masked_sort3A_457 : i32 to vector<16xi32>
      %masked_sort3A_459 = arith.xori %get3A_455, %masked_sort3A_458 : vector<16xi32>
      %masked_sort3A_460, %masked_sort3A_461, %masked_sort3A_462 = tpu.sort %masked_sort3A_459, %get3A_455 masked %masked_sort3A_456 : (vector<16xi32>, vector<16xi32>, vector<16xi1>) -> (vector<16xi1>, vector<16xi32>, vector<16xi32>)
      %masked_sort3A_463 = arith.xori %masked_sort3A_461, %masked_sort3A_458 : vector<16xi32>
      %get3A_464 = arith.index_cast %scan3A_14 : i32 to index
      %get3A_465 = arith.constant 656 : index
      %get3A_466 = tpu.vector_load %arg4[%get3A_464, %get3A_465] {strides = array<i32>} : memref<32x1024xi32, #tpu.memory_space<vmem>>, vector<16xi32>,
      %masked_sort3A_467 = arith.constant dense<true> : vector<16xi1>
      %masked_sort3A_468 = arith.constant -2147483648 : i32
      %masked_sort3A_469 = vector.broadcast %masked_sort3A_468 : i32 to vector<16xi32>
      %masked_sort3A_470 = arith.xori %get3A_466, %masked_sort3A_469 : vector<16xi32>
      %masked_sort3A_471, %masked_sort3A_472, %masked_sort3A_473 = tpu.sort %masked_sort3A_470, %get3A_466 masked %masked_sort3A_467 : (vector<16xi32>, vector<16xi32>, vector<16xi1>) -> (vector<16xi1>, vector<16xi32>, vector<16xi32>)
      %masked_sort3A_474 = arith.xori %masked_sort3A_472, %masked_sort3A_469 : vector<16xi32>
      %get3A_475 = arith.index_cast %scan3A_14 : i32 to index
      %get3A_476 = arith.constant 672 : index
      %get3A_477 = tpu.vector_load %arg4[%get3A_475, %get3A_476] {strides = array<i32>} : memref<32x1024xi32, #tpu.memory_space<vmem>>, vector<16xi32>,
      %masked_sort3A_478 = arith.constant dense<true> : vector<16xi1>
      %masked_sort3A_479 = arith.constant -2147483648 : i32
      %masked_sort3A_480 = vector.broadcast %masked_sort3A_479 : i32 to vector<16xi32>
      %masked_sort3A_481 = arith.xori %get3A_477, %masked_sort3A_480 : vector<16xi32>
      %masked_sort3A_482, %masked_sort3A_483, %masked_sort3A_484 = tpu.sort %masked_sort3A_481, %get3A_477 masked %masked_sort3A_478 : (vector<16xi32>, vector<16xi32>, vector<16xi1>) -> (vector<16xi1>, vector<16xi32>, vector<16xi32>)
      %masked_sort3A_485 = arith.xori %masked_sort3A_483, %masked_sort3A_480 : vector<16xi32>
      %get3A_486 = arith.index_cast %scan3A_14 : i32 to index
      %get3A_487 = arith.constant 688 : index
      %get3A_488 = tpu.vector_load %arg4[%get3A_486, %get3A_487] {strides = array<i32>} : memref<32x1024xi32, #tpu.memory_space<vmem>>, vector<16xi32>,
      %masked_sort3A_489 = arith.constant dense<true> : vector<16xi1>
      %masked_sort3A_490 = arith.constant -2147483648 : i32
      %masked_sort3A_491 = vector.broadcast %masked_sort3A_490 : i32 to vector<16xi32>
      %masked_sort3A_492 = arith.xori %get3A_488, %masked_sort3A_491 : vector<16xi32>
      %masked_sort3A_493, %masked_sort3A_494, %masked_sort3A_495 = tpu.sort %masked_sort3A_492, %get3A_488 masked %masked_sort3A_489 : (vector<16xi32>, vector<16xi32>, vector<16xi1>) -> (vector<16xi1>, vector<16xi32>, vector<16xi32>)
      %masked_sort3A_496 = arith.xori %masked_sort3A_494, %masked_sort3A_491 : vector<16xi32>
      %get3A_497 = arith.index_cast %scan3A_14 : i32 to index
      %get3A_498 = arith.constant 704 : index
      %get3A_499 = tpu.vector_load %arg4[%get3A_497, %get3A_498] {strides = array<i32>} : memref<32x1024xi32, #tpu.memory_space<vmem>>, vector<16xi32>,
      %masked_sort3A_500 = arith.constant dense<true> : vector<16xi1>
      %masked_sort3A_501 = arith.constant -2147483648 : i32
      %masked_sort3A_502 = vector.broadcast %masked_sort3A_501 : i32 to vector<16xi32>
      %masked_sort3A_503 = arith.xori %get3A_499, %masked_sort3A_502 : vector<16xi32>
      %masked_sort3A_504, %masked_sort3A_505, %masked_sort3A_506 = tpu.sort %masked_sort3A_503, %get3A_499 masked %masked_sort3A_500 : (vector<16xi32>, vector<16xi32>, vector<16xi1>) -> (vector<16xi1>, vector<16xi32>, vector<16xi32>)
      %masked_sort3A_507 = arith.xori %masked_sort3A_505, %masked_sort3A_502 : vector<16xi32>
      %get3A_508 = arith.index_cast %scan3A_14 : i32 to index
      %get3A_509 = arith.constant 720 : index
      %get3A_510 = tpu.vector_load %arg4[%get3A_508, %get3A_509] {strides = array<i32>} : memref<32x1024xi32, #tpu.memory_space<vmem>>, vector<16xi32>,
      %masked_sort3A_511 = arith.constant dense<true> : vector<16xi1>
      %masked_sort3A_512 = arith.constant -2147483648 : i32
      %masked_sort3A_513 = vector.broadcast %masked_sort3A_512 : i32 to vector<16xi32>
      %masked_sort3A_514 = arith.xori %get3A_510, %masked_sort3A_513 : vector<16xi32>
      %masked_sort3A_515, %masked_sort3A_516, %masked_sort3A_517 = tpu.sort %masked_sort3A_514, %get3A_510 masked %masked_sort3A_511 : (vector<16xi32>, vector<16xi32>, vector<16xi1>) -> (vector<16xi1>, vector<16xi32>, vector<16xi32>)
      %masked_sort3A_518 = arith.xori %masked_sort3A_516, %masked_sort3A_513 : vector<16xi32>
      %get3A_519 = arith.index_cast %scan3A_14 : i32 to index
      %get3A_520 = arith.constant 736 : index
      %get3A_521 = tpu.vector_load %arg4[%get3A_519, %get3A_520] {strides = array<i32>} : memref<32x1024xi32, #tpu.memory_space<vmem>>, vector<16xi32>,
      %masked_sort3A_522 = arith.constant dense<true> : vector<16xi1>
      %masked_sort3A_523 = arith.constant -2147483648 : i32
      %masked_sort3A_524 = vector.broadcast %masked_sort3A_523 : i32 to vector<16xi32>
      %masked_sort3A_525 = arith.xori %get3A_521, %masked_sort3A_524 : vector<16xi32>
      %masked_sort3A_526, %masked_sort3A_527, %masked_sort3A_528 = tpu.sort %masked_sort3A_525, %get3A_521 masked %masked_sort3A_522 : (vector<16xi32>, vector<16xi32>, vector<16xi1>) -> (vector<16xi1>, vector<16xi32>, vector<16xi32>)
      %masked_sort3A_529 = arith.xori %masked_sort3A_527, %masked_sort3A_524 : vector<16xi32>
      %get3A_530 = arith.index_cast %scan3A_14 : i32 to index
      %get3A_531 = arith.constant 752 : index
      %get3A_532 = tpu.vector_load %arg4[%get3A_530, %get3A_531] {strides = array<i32>} : memref<32x1024xi32, #tpu.memory_space<vmem>>, vector<16xi32>,
      %masked_sort3A_533 = arith.constant dense<true> : vector<16xi1>
      %masked_sort3A_534 = arith.constant -2147483648 : i32
      %masked_sort3A_535 = vector.broadcast %masked_sort3A_534 : i32 to vector<16xi32>
      %masked_sort3A_536 = arith.xori %get3A_532, %masked_sort3A_535 : vector<16xi32>
      %masked_sort3A_537, %masked_sort3A_538, %masked_sort3A_539 = tpu.sort %masked_sort3A_536, %get3A_532 masked %masked_sort3A_533 : (vector<16xi32>, vector<16xi32>, vector<16xi1>) -> (vector<16xi1>, vector<16xi32>, vector<16xi32>)
      %masked_sort3A_540 = arith.xori %masked_sort3A_538, %masked_sort3A_535 : vector<16xi32>
      %get3A_541 = arith.index_cast %scan3A_14 : i32 to index
      %get3A_542 = arith.constant 768 : index
      %get3A_543 = tpu.vector_load %arg4[%get3A_541, %get3A_542] {strides = array<i32>} : memref<32x1024xi32, #tpu.memory_space<vmem>>, vector<16xi32>,
      %masked_sort3A_544 = arith.constant dense<true> : vector<16xi1>
      %masked_sort3A_545 = arith.constant -2147483648 : i32
      %masked_sort3A_546 = vector.broadcast %masked_sort3A_545 : i32 to vector<16xi32>
      %masked_sort3A_547 = arith.xori %get3A_543, %masked_sort3A_546 : vector<16xi32>
      %masked_sort3A_548, %masked_sort3A_549, %masked_sort3A_550 = tpu.sort %masked_sort3A_547, %get3A_543 masked %masked_sort3A_544 : (vector<16xi32>, vector<16xi32>, vector<16xi1>) -> (vector<16xi1>, vector<16xi32>, vector<16xi32>)
      %masked_sort3A_551 = arith.xori %masked_sort3A_549, %masked_sort3A_546 : vector<16xi32>
      %get3A_552 = arith.index_cast %scan3A_14 : i32 to index
      %get3A_553 = arith.constant 784 : index
      %get3A_554 = tpu.vector_load %arg4[%get3A_552, %get3A_553] {strides = array<i32>} : memref<32x1024xi32, #tpu.memory_space<vmem>>, vector<16xi32>,
      %masked_sort3A_555 = arith.constant dense<true> : vector<16xi1>
      %masked_sort3A_556 = arith.constant -2147483648 : i32
      %masked_sort3A_557 = vector.broadcast %masked_sort3A_556 : i32 to vector<16xi32>
      %masked_sort3A_558 = arith.xori %get3A_554, %masked_sort3A_557 : vector<16xi32>
      %masked_sort3A_559, %masked_sort3A_560, %masked_sort3A_561 = tpu.sort %masked_sort3A_558, %get3A_554 masked %masked_sort3A_555 : (vector<16xi32>, vector<16xi32>, vector<16xi1>) -> (vector<16xi1>, vector<16xi32>, vector<16xi32>)
      %masked_sort3A_562 = arith.xori %masked_sort3A_560, %masked_sort3A_557 : vector<16xi32>
      %get3A_563 = arith.index_cast %scan3A_14 : i32 to index
      %get3A_564 = arith.constant 800 : index
      %get3A_565 = tpu.vector_load %arg4[%get3A_563, %get3A_564] {strides = array<i32>} : memref<32x1024xi32, #tpu.memory_space<vmem>>, vector<16xi32>,
      %masked_sort3A_566 = arith.constant dense<true> : vector<16xi1>
      %masked_sort3A_567 = arith.constant -2147483648 : i32
      %masked_sort3A_568 = vector.broadcast %masked_sort3A_567 : i32 to vector<16xi32>
      %masked_sort3A_569 = arith.xori %get3A_565, %masked_sort3A_568 : vector<16xi32>
      %masked_sort3A_570, %masked_sort3A_571, %masked_sort3A_572 = tpu.sort %masked_sort3A_569, %get3A_565 masked %masked_sort3A_566 : (vector<16xi32>, vector<16xi32>, vector<16xi1>) -> (vector<16xi1>, vector<16xi32>, vector<16xi32>)
      %masked_sort3A_573 = arith.xori %masked_sort3A_571, %masked_sort3A_568 : vector<16xi32>
      %get3A_574 = arith.index_cast %scan3A_14 : i32 to index
      %get3A_575 = arith.constant 816 : index
      %get3A_576 = tpu.vector_load %arg4[%get3A_574, %get3A_575] {strides = array<i32>} : memref<32x1024xi32, #tpu.memory_space<vmem>>, vector<16xi32>,
      %masked_sort3A_577 = arith.constant dense<true> : vector<16xi1>
      %masked_sort3A_578 = arith.constant -2147483648 : i32
      %masked_sort3A_579 = vector.broadcast %masked_sort3A_578 : i32 to vector<16xi32>
      %masked_sort3A_580 = arith.xori %get3A_576, %masked_sort3A_579 : vector<16xi32>
      %masked_sort3A_581, %masked_sort3A_582, %masked_sort3A_583 = tpu.sort %masked_sort3A_580, %get3A_576 masked %masked_sort3A_577 : (vector<16xi32>, vector<16xi32>, vector<16xi1>) -> (vector<16xi1>, vector<16xi32>, vector<16xi32>)
      %masked_sort3A_584 = arith.xori %masked_sort3A_582, %masked_sort3A_579 : vector<16xi32>
      %get3A_585 = arith.index_cast %scan3A_14 : i32 to index
      %get3A_586 = arith.constant 832 : index
      %get3A_587 = tpu.vector_load %arg4[%get3A_585, %get3A_586] {strides = array<i32>} : memref<32x1024xi32, #tpu.memory_space<vmem>>, vector<16xi32>,
      %masked_sort3A_588 = arith.constant dense<true> : vector<16xi1>
      %masked_sort3A_589 = arith.constant -2147483648 : i32
      %masked_sort3A_590 = vector.broadcast %masked_sort3A_589 : i32 to vector<16xi32>
      %masked_sort3A_591 = arith.xori %get3A_587, %masked_sort3A_590 : vector<16xi32>
      %masked_sort3A_592, %masked_sort3A_593, %masked_sort3A_594 = tpu.sort %masked_sort3A_591, %get3A_587 masked %masked_sort3A_588 : (vector<16xi32>, vector<16xi32>, vector<16xi1>) -> (vector<16xi1>, vector<16xi32>, vector<16xi32>)
      %masked_sort3A_595 = arith.xori %masked_sort3A_593, %masked_sort3A_590 : vector<16xi32>
      %get3A_596 = arith.index_cast %scan3A_14 : i32 to index
      %get3A_597 = arith.constant 848 : index
      %get3A_598 = tpu.vector_load %arg4[%get3A_596, %get3A_597] {strides = array<i32>} : memref<32x1024xi32, #tpu.memory_space<vmem>>, vector<16xi32>,
      %masked_sort3A_599 = arith.constant dense<true> : vector<16xi1>
      %masked_sort3A_600 = arith.constant -2147483648 : i32
      %masked_sort3A_601 = vector.broadcast %masked_sort3A_600 : i32 to vector<16xi32>
      %masked_sort3A_602 = arith.xori %get3A_598, %masked_sort3A_601 : vector<16xi32>
      %masked_sort3A_603, %masked_sort3A_604, %masked_sort3A_605 = tpu.sort %masked_sort3A_602, %get3A_598 masked %masked_sort3A_599 : (vector<16xi32>, vector<16xi32>, vector<16xi1>) -> (vector<16xi1>, vector<16xi32>, vector<16xi32>)
      %masked_sort3A_606 = arith.xori %masked_sort3A_604, %masked_sort3A_601 : vector<16xi32>
      %get3A_607 = arith.index_cast %scan3A_14 : i32 to index
      %get3A_608 = arith.constant 864 : index
      %get3A_609 = tpu.vector_load %arg4[%get3A_607, %get3A_608] {strides = array<i32>} : memref<32x1024xi32, #tpu.memory_space<vmem>>, vector<16xi32>,
      %masked_sort3A_610 = arith.constant dense<true> : vector<16xi1>
      %masked_sort3A_611 = arith.constant -2147483648 : i32
      %masked_sort3A_612 = vector.broadcast %masked_sort3A_611 : i32 to vector<16xi32>
      %masked_sort3A_613 = arith.xori %get3A_609, %masked_sort3A_612 : vector<16xi32>
      %masked_sort3A_614, %masked_sort3A_615, %masked_sort3A_616 = tpu.sort %masked_sort3A_613, %get3A_609 masked %masked_sort3A_610 : (vector<16xi32>, vector<16xi32>, vector<16xi1>) -> (vector<16xi1>, vector<16xi32>, vector<16xi32>)
      %masked_sort3A_617 = arith.xori %masked_sort3A_615, %masked_sort3A_612 : vector<16xi32>
      %get3A_618 = arith.index_cast %scan3A_14 : i32 to index
      %get3A_619 = arith.constant 880 : index
      %get3A_620 = tpu.vector_load %arg4[%get3A_618, %get3A_619] {strides = array<i32>} : memref<32x1024xi32, #tpu.memory_space<vmem>>, vector<16xi32>,
      %masked_sort3A_621 = arith.constant dense<true> : vector<16xi1>
      %masked_sort3A_622 = arith.constant -2147483648 : i32
      %masked_sort3A_623 = vector.broadcast %masked_sort3A_622 : i32 to vector<16xi32>
      %masked_sort3A_624 = arith.xori %get3A_620, %masked_sort3A_623 : vector<16xi32>
      %masked_sort3A_625, %masked_sort3A_626, %masked_sort3A_627 = tpu.sort %masked_sort3A_624, %get3A_620 masked %masked_sort3A_621 : (vector<16xi32>, vector<16xi32>, vector<16xi1>) -> (vector<16xi1>, vector<16xi32>, vector<16xi32>)
      %masked_sort3A_628 = arith.xori %masked_sort3A_626, %masked_sort3A_623 : vector<16xi32>
      %get3A_629 = arith.index_cast %scan3A_14 : i32 to index
      %get3A_630 = arith.constant 896 : index
      %get3A_631 = tpu.vector_load %arg4[%get3A_629, %get3A_630] {strides = array<i32>} : memref<32x1024xi32, #tpu.memory_space<vmem>>, vector<16xi32>,
      %masked_sort3A_632 = arith.constant dense<true> : vector<16xi1>
      %masked_sort3A_633 = arith.constant -2147483648 : i32
      %masked_sort3A_634 = vector.broadcast %masked_sort3A_633 : i32 to vector<16xi32>
      %masked_sort3A_635 = arith.xori %get3A_631, %masked_sort3A_634 : vector<16xi32>
      %masked_sort3A_636, %masked_sort3A_637, %masked_sort3A_638 = tpu.sort %masked_sort3A_635, %get3A_631 masked %masked_sort3A_632 : (vector<16xi32>, vector<16xi32>, vector<16xi1>) -> (vector<16xi1>, vector<16xi32>, vector<16xi32>)
      %masked_sort3A_639 = arith.xori %masked_sort3A_637, %masked_sort3A_634 : vector<16xi32>
      %get3A_640 = arith.index_cast %scan3A_14 : i32 to index
      %get3A_641 = arith.constant 912 : index
      %get3A_642 = tpu.vector_load %arg4[%get3A_640, %get3A_641] {strides = array<i32>} : memref<32x1024xi32, #tpu.memory_space<vmem>>, vector<16xi32>,
      %masked_sort3A_643 = arith.constant dense<true> : vector<16xi1>
      %masked_sort3A_644 = arith.constant -2147483648 : i32
      %masked_sort3A_645 = vector.broadcast %masked_sort3A_644 : i32 to vector<16xi32>
      %masked_sort3A_646 = arith.xori %get3A_642, %masked_sort3A_645 : vector<16xi32>
      %masked_sort3A_647, %masked_sort3A_648, %masked_sort3A_649 = tpu.sort %masked_sort3A_646, %get3A_642 masked %masked_sort3A_643 : (vector<16xi32>, vector<16xi32>, vector<16xi1>) -> (vector<16xi1>, vector<16xi32>, vector<16xi32>)
      %masked_sort3A_650 = arith.xori %masked_sort3A_648, %masked_sort3A_645 : vector<16xi32>
      %get3A_651 = arith.index_cast %scan3A_14 : i32 to index
      %get3A_652 = arith.constant 928 : index
      %get3A_653 = tpu.vector_load %arg4[%get3A_651, %get3A_652] {strides = array<i32>} : memref<32x1024xi32, #tpu.memory_space<vmem>>, vector<16xi32>,
      %masked_sort3A_654 = arith.constant dense<true> : vector<16xi1>
      %masked_sort3A_655 = arith.constant -2147483648 : i32
      %masked_sort3A_656 = vector.broadcast %masked_sort3A_655 : i32 to vector<16xi32>
      %masked_sort3A_657 = arith.xori %get3A_653, %masked_sort3A_656 : vector<16xi32>
      %masked_sort3A_658, %masked_sort3A_659, %masked_sort3A_660 = tpu.sort %masked_sort3A_657, %get3A_653 masked %masked_sort3A_654 : (vector<16xi32>, vector<16xi32>, vector<16xi1>) -> (vector<16xi1>, vector<16xi32>, vector<16xi32>)
      %masked_sort3A_661 = arith.xori %masked_sort3A_659, %masked_sort3A_656 : vector<16xi32>
      %get3A_662 = arith.index_cast %scan3A_14 : i32 to index
      %get3A_663 = arith.constant 944 : index
      %get3A_664 = tpu.vector_load %arg4[%get3A_662, %get3A_663] {strides = array<i32>} : memref<32x1024xi32, #tpu.memory_space<vmem>>, vector<16xi32>,
      %masked_sort3A_665 = arith.constant dense<true> : vector<16xi1>
      %masked_sort3A_666 = arith.constant -2147483648 : i32
      %masked_sort3A_667 = vector.broadcast %masked_sort3A_666 : i32 to vector<16xi32>
      %masked_sort3A_668 = arith.xori %get3A_664, %masked_sort3A_667 : vector<16xi32>
      %masked_sort3A_669, %masked_sort3A_670, %masked_sort3A_671 = tpu.sort %masked_sort3A_668, %get3A_664 masked %masked_sort3A_665 : (vector<16xi32>, vector<16xi32>, vector<16xi1>) -> (vector<16xi1>, vector<16xi32>, vector<16xi32>)
      %masked_sort3A_672 = arith.xori %masked_sort3A_670, %masked_sort3A_667 : vector<16xi32>
      %get3A_673 = arith.index_cast %scan3A_14 : i32 to index
      %get3A_674 = arith.constant 960 : index
      %get3A_675 = tpu.vector_load %arg4[%get3A_673, %get3A_674] {strides = array<i32>} : memref<32x1024xi32, #tpu.memory_space<vmem>>, vector<16xi32>,
      %masked_sort3A_676 = arith.constant dense<true> : vector<16xi1>
      %masked_sort3A_677 = arith.constant -2147483648 : i32
      %masked_sort3A_678 = vector.broadcast %masked_sort3A_677 : i32 to vector<16xi32>
      %masked_sort3A_679 = arith.xori %get3A_675, %masked_sort3A_678 : vector<16xi32>
      %masked_sort3A_680, %masked_sort3A_681, %masked_sort3A_682 = tpu.sort %masked_sort3A_679, %get3A_675 masked %masked_sort3A_676 : (vector<16xi32>, vector<16xi32>, vector<16xi1>) -> (vector<16xi1>, vector<16xi32>, vector<16xi32>)
      %masked_sort3A_683 = arith.xori %masked_sort3A_681, %masked_sort3A_678 : vector<16xi32>
      %get3A_684 = arith.index_cast %scan3A_14 : i32 to index
      %get3A_685 = arith.constant 976 : index
      %get3A_686 = tpu.vector_load %arg4[%get3A_684, %get3A_685] {strides = array<i32>} : memref<32x1024xi32, #tpu.memory_space<vmem>>, vector<16xi32>,
      %masked_sort3A_687 = arith.constant dense<true> : vector<16xi1>
      %masked_sort3A_688 = arith.constant -2147483648 : i32
      %masked_sort3A_689 = vector.broadcast %masked_sort3A_688 : i32 to vector<16xi32>
      %masked_sort3A_690 = arith.xori %get3A_686, %masked_sort3A_689 : vector<16xi32>
      %masked_sort3A_691, %masked_sort3A_692, %masked_sort3A_693 = tpu.sort %masked_sort3A_690, %get3A_686 masked %masked_sort3A_687 : (vector<16xi32>, vector<16xi32>, vector<16xi1>) -> (vector<16xi1>, vector<16xi32>, vector<16xi32>)
      %masked_sort3A_694 = arith.xori %masked_sort3A_692, %masked_sort3A_689 : vector<16xi32>
      %get3A_695 = arith.index_cast %scan3A_14 : i32 to index
      %get3A_696 = arith.constant 992 : index
      %get3A_697 = tpu.vector_load %arg4[%get3A_695, %get3A_696] {strides = array<i32>} : memref<32x1024xi32, #tpu.memory_space<vmem>>, vector<16xi32>,
      %masked_sort3A_698 = arith.constant dense<true> : vector<16xi1>
      %masked_sort3A_699 = arith.constant -2147483648 : i32
      %masked_sort3A_700 = vector.broadcast %masked_sort3A_699 : i32 to vector<16xi32>
      %masked_sort3A_701 = arith.xori %get3A_697, %masked_sort3A_700 : vector<16xi32>
      %masked_sort3A_702, %masked_sort3A_703, %masked_sort3A_704 = tpu.sort %masked_sort3A_701, %get3A_697 masked %masked_sort3A_698 : (vector<16xi32>, vector<16xi32>, vector<16xi1>) -> (vector<16xi1>, vector<16xi32>, vector<16xi32>)
      %masked_sort3A_705 = arith.xori %masked_sort3A_703, %masked_sort3A_700 : vector<16xi32>
      %get3A_706 = arith.index_cast %scan3A_14 : i32 to index
      %get3A_707 = arith.constant 1008 : index
      %get3A_708 = tpu.vector_load %arg4[%get3A_706, %get3A_707] {strides = array<i32>} : memref<32x1024xi32, #tpu.memory_space<vmem>>, vector<16xi32>,
      %masked_sort3A_709 = arith.constant dense<true> : vector<16xi1>
      %masked_sort3A_710 = arith.constant -2147483648 : i32
      %masked_sort3A_711 = vector.broadcast %masked_sort3A_710 : i32 to vector<16xi32>
      %masked_sort3A_712 = arith.xori %get3A_708, %masked_sort3A_711 : vector<16xi32>
      %masked_sort3A_713, %masked_sort3A_714, %masked_sort3A_715 = tpu.sort %masked_sort3A_712, %get3A_708 masked %masked_sort3A_709 : (vector<16xi32>, vector<16xi32>, vector<16xi1>) -> (vector<16xi1>, vector<16xi32>, vector<16xi32>)
      %masked_sort3A_716 = arith.xori %masked_sort3A_714, %masked_sort3A_711 : vector<16xi32>
      %rev3A = arith.constant 15 : i32
      %rev3A_717 = vector.broadcast %rev3A : i32 to vector<16xi32>
      %rev3A_718 = tpu.iota {dimensions = array<i32: 0>} : vector<16xi32>
      %rev3A_719 = arith.subi %rev3A_717, %rev3A_718 : vector<16xi32>
      %rev3A_720 = tpu.dynamic_gather %masked_sort3A_34[%rev3A_719] in [0] : vector<16xi32>, vector<16xi32> -> vector<16xi32>
      %min3A = arith.minsi %masked_sort3A_23, %rev3A_720 : vector<16xi32>
      %masked_sort3A_721 = arith.constant dense<true> : vector<16xi1>
      %masked_sort3A_722 = arith.constant -2147483648 : i32
      %masked_sort3A_723 = vector.broadcast %masked_sort3A_722 : i32 to vector<16xi32>
      %masked_sort3A_724 = arith.xori %min3A, %masked_sort3A_723 : vector<16xi32>
      %masked_sort3A_725, %masked_sort3A_726, %masked_sort3A_727 = tpu.sort %masked_sort3A_724, %min3A masked %masked_sort3A_721 : (vector<16xi32>, vector<16xi32>, vector<16xi1>) -> (vector<16xi1>, vector<16xi32>, vector<16xi32>)
      %masked_sort3A_728 = arith.xori %masked_sort3A_726, %masked_sort3A_723 : vector<16xi32>
      %rev3A_729 = arith.constant 15 : i32
      %rev3A_730 = vector.broadcast %rev3A_729 : i32 to vector<16xi32>
      %rev3A_731 = tpu.iota {dimensions = array<i32: 0>} : vector<16xi32>
      %rev3A_732 = arith.subi %rev3A_730, %rev3A_731 : vector<16xi32>
      %rev3A_733 = tpu.dynamic_gather %masked_sort3A_56[%rev3A_732] in [0] : vector<16xi32>, vector<16xi32> -> vector<16xi32>
      %min3A_734 = arith.minsi %masked_sort3A_45, %rev3A_733 : vector<16xi32>
      %masked_sort3A_735 = arith.constant dense<true> : vector<16xi1>
      %masked_sort3A_736 = arith.constant -2147483648 : i32
      %masked_sort3A_737 = vector.broadcast %masked_sort3A_736 : i32 to vector<16xi32>
      %masked_sort3A_738 = arith.xori %min3A_734, %masked_sort3A_737 : vector<16xi32>
      %masked_sort3A_739, %masked_sort3A_740, %masked_sort3A_741 = tpu.sort %masked_sort3A_738, %min3A_734 masked %masked_sort3A_735 : (vector<16xi32>, vector<16xi32>, vector<16xi1>) -> (vector<16xi1>, vector<16xi32>, vector<16xi32>)
      %masked_sort3A_742 = arith.xori %masked_sort3A_740, %masked_sort3A_737 : vector<16xi32>
      %rev3A_743 = arith.constant 15 : i32
      %rev3A_744 = vector.broadcast %rev3A_743 : i32 to vector<16xi32>
      %rev3A_745 = tpu.iota {dimensions = array<i32: 0>} : vector<16xi32>
      %rev3A_746 = arith.subi %rev3A_744, %rev3A_745 : vector<16xi32>
      %rev3A_747 = tpu.dynamic_gather %masked_sort3A_78[%rev3A_746] in [0] : vector<16xi32>, vector<16xi32> -> vector<16xi32>
      %min3A_748 = arith.minsi %masked_sort3A_67, %rev3A_747 : vector<16xi32>
      %masked_sort3A_749 = arith.constant dense<true> : vector<16xi1>
      %masked_sort3A_750 = arith.constant -2147483648 : i32
      %masked_sort3A_751 = vector.broadcast %masked_sort3A_750 : i32 to vector<16xi32>
      %masked_sort3A_752 = arith.xori %min3A_748, %masked_sort3A_751 : vector<16xi32>
      %masked_sort3A_753, %masked_sort3A_754, %masked_sort3A_755 = tpu.sort %masked_sort3A_752, %min3A_748 masked %masked_sort3A_749 : (vector<16xi32>, vector<16xi32>, vector<16xi1>) -> (vector<16xi1>, vector<16xi32>, vector<16xi32>)
      %masked_sort3A_756 = arith.xori %masked_sort3A_754, %masked_sort3A_751 : vector<16xi32>
      %rev3A_757 = arith.constant 15 : i32
      %rev3A_758 = vector.broadcast %rev3A_757 : i32 to vector<16xi32>
      %rev3A_759 = tpu.iota {dimensions = array<i32: 0>} : vector<16xi32>
      %rev3A_760 = arith.subi %rev3A_758, %rev3A_759 : vector<16xi32>
      %rev3A_761 = tpu.dynamic_gather %masked_sort3A_100[%rev3A_760] in [0] : vector<16xi32>, vector<16xi32> -> vector<16xi32>
      %min3A_762 = arith.minsi %masked_sort3A_89, %rev3A_761 : vector<16xi32>
      %masked_sort3A_763 = arith.constant dense<true> : vector<16xi1>
      %masked_sort3A_764 = arith.constant -2147483648 : i32
      %masked_sort3A_765 = vector.broadcast %masked_sort3A_764 : i32 to vector<16xi32>
      %masked_sort3A_766 = arith.xori %min3A_762, %masked_sort3A_765 : vector<16xi32>
      %masked_sort3A_767, %masked_sort3A_768, %masked_sort3A_769 = tpu.sort %masked_sort3A_766, %min3A_762 masked %masked_sort3A_763 : (vector<16xi32>, vector<16xi32>, vector<16xi1>) -> (vector<16xi1>, vector<16xi32>, vector<16xi32>)
      %masked_sort3A_770 = arith.xori %masked_sort3A_768, %masked_sort3A_765 : vector<16xi32>
      %rev3A_771 = arith.constant 15 : i32
      %rev3A_772 = vector.broadcast %rev3A_771 : i32 to vector<16xi32>
      %rev3A_773 = tpu.iota {dimensions = array<i32: 0>} : vector<16xi32>
      %rev3A_774 = arith.subi %rev3A_772, %rev3A_773 : vector<16xi32>
      %rev3A_775 = tpu.dynamic_gather %masked_sort3A_122[%rev3A_774] in [0] : vector<16xi32>, vector<16xi32> -> vector<16xi32>
      %min3A_776 = arith.minsi %masked_sort3A_111, %rev3A_775 : vector<16xi32>
      %masked_sort3A_777 = arith.constant dense<true> : vector<16xi1>
      %masked_sort3A_778 = arith.constant -2147483648 : i32
      %masked_sort3A_779 = vector.broadcast %masked_sort3A_778 : i32 to vector<16xi32>
      %masked_sort3A_780 = arith.xori %min3A_776, %masked_sort3A_779 : vector<16xi32>
      %masked_sort3A_781, %masked_sort3A_782, %masked_sort3A_783 = tpu.sort %masked_sort3A_780, %min3A_776 masked %masked_sort3A_777 : (vector<16xi32>, vector<16xi32>, vector<16xi1>) -> (vector<16xi1>, vector<16xi32>, vector<16xi32>)
      %masked_sort3A_784 = arith.xori %masked_sort3A_782, %masked_sort3A_779 : vector<16xi32>
      %rev3A_785 = arith.constant 15 : i32
      %rev3A_786 = vector.broadcast %rev3A_785 : i32 to vector<16xi32>
      %rev3A_787 = tpu.iota {dimensions = array<i32: 0>} : vector<16xi32>
      %rev3A_788 = arith.subi %rev3A_786, %rev3A_787 : vector<16xi32>
      %rev3A_789 = tpu.dynamic_gather %masked_sort3A_144[%rev3A_788] in [0] : vector<16xi32>, vector<16xi32> -> vector<16xi32>
      %min3A_790 = arith.minsi %masked_sort3A_133, %rev3A_789 : vector<16xi32>
      %masked_sort3A_791 = arith.constant dense<true> : vector<16xi1>
      %masked_sort3A_792 = arith.constant -2147483648 : i32
      %masked_sort3A_793 = vector.broadcast %masked_sort3A_792 : i32 to vector<16xi32>
      %masked_sort3A_794 = arith.xori %min3A_790, %masked_sort3A_793 : vector<16xi32>
      %masked_sort3A_795, %masked_sort3A_796, %masked_sort3A_797 = tpu.sort %masked_sort3A_794, %min3A_790 masked %masked_sort3A_791 : (vector<16xi32>, vector<16xi32>, vector<16xi1>) -> (vector<16xi1>, vector<16xi32>, vector<16xi32>)
      %masked_sort3A_798 = arith.xori %masked_sort3A_796, %masked_sort3A_793 : vector<16xi32>
      %rev3A_799 = arith.constant 15 : i32
      %rev3A_800 = vector.broadcast %rev3A_799 : i32 to vector<16xi32>
      %rev3A_801 = tpu.iota {dimensions = array<i32: 0>} : vector<16xi32>
      %rev3A_802 = arith.subi %rev3A_800, %rev3A_801 : vector<16xi32>
      %rev3A_803 = tpu.dynamic_gather %masked_sort3A_166[%rev3A_802] in [0] : vector<16xi32>, vector<16xi32> -> vector<16xi32>
      %min3A_804 = arith.minsi %masked_sort3A_155, %rev3A_803 : vector<16xi32>
      %masked_sort3A_805 = arith.constant dense<true> : vector<16xi1>
      %masked_sort3A_806 = arith.constant -2147483648 : i32
      %masked_sort3A_807 = vector.broadcast %masked_sort3A_806 : i32 to vector<16xi32>
      %masked_sort3A_808 = arith.xori %min3A_804, %masked_sort3A_807 : vector<16xi32>
      %masked_sort3A_809, %masked_sort3A_810, %masked_sort3A_811 = tpu.sort %masked_sort3A_808, %min3A_804 masked %masked_sort3A_805 : (vector<16xi32>, vector<16xi32>, vector<16xi1>) -> (vector<16xi1>, vector<16xi32>, vector<16xi32>)
      %masked_sort3A_812 = arith.xori %masked_sort3A_810, %masked_sort3A_807 : vector<16xi32>
      %rev3A_813 = arith.constant 15 : i32
      %rev3A_814 = vector.broadcast %rev3A_813 : i32 to vector<16xi32>
      %rev3A_815 = tpu.iota {dimensions = array<i32: 0>} : vector<16xi32>
      %rev3A_816 = arith.subi %rev3A_814, %rev3A_815 : vector<16xi32>
      %rev3A_817 = tpu.dynamic_gather %masked_sort3A_188[%rev3A_816] in [0] : vector<16xi32>, vector<16xi32> -> vector<16xi32>
      %min3A_818 = arith.minsi %masked_sort3A_177, %rev3A_817 : vector<16xi32>
      %masked_sort3A_819 = arith.constant dense<true> : vector<16xi1>
      %masked_sort3A_820 = arith.constant -2147483648 : i32
      %masked_sort3A_821 = vector.broadcast %masked_sort3A_820 : i32 to vector<16xi32>
      %masked_sort3A_822 = arith.xori %min3A_818, %masked_sort3A_821 : vector<16xi32>
      %masked_sort3A_823, %masked_sort3A_824, %masked_sort3A_825 = tpu.sort %masked_sort3A_822, %min3A_818 masked %masked_sort3A_819 : (vector<16xi32>, vector<16xi32>, vector<16xi1>) -> (vector<16xi1>, vector<16xi32>, vector<16xi32>)
      %masked_sort3A_826 = arith.xori %masked_sort3A_824, %masked_sort3A_821 : vector<16xi32>
      %rev3A_827 = arith.constant 15 : i32
      %rev3A_828 = vector.broadcast %rev3A_827 : i32 to vector<16xi32>
      %rev3A_829 = tpu.iota {dimensions = array<i32: 0>} : vector<16xi32>
      %rev3A_830 = arith.subi %rev3A_828, %rev3A_829 : vector<16xi32>
      %rev3A_831 = tpu.dynamic_gather %masked_sort3A_210[%rev3A_830] in [0] : vector<16xi32>, vector<16xi32> -> vector<16xi32>
      %min3A_832 = arith.minsi %masked_sort3A_199, %rev3A_831 : vector<16xi32>
      %masked_sort3A_833 = arith.constant dense<true> : vector<16xi1>
      %masked_sort3A_834 = arith.constant -2147483648 : i32
      %masked_sort3A_835 = vector.broadcast %masked_sort3A_834 : i32 to vector<16xi32>
      %masked_sort3A_836 = arith.xori %min3A_832, %masked_sort3A_835 : vector<16xi32>
      %masked_sort3A_837, %masked_sort3A_838, %masked_sort3A_839 = tpu.sort %masked_sort3A_836, %min3A_832 masked %masked_sort3A_833 : (vector<16xi32>, vector<16xi32>, vector<16xi1>) -> (vector<16xi1>, vector<16xi32>, vector<16xi32>)
      %masked_sort3A_840 = arith.xori %masked_sort3A_838, %masked_sort3A_835 : vector<16xi32>
      %rev3A_841 = arith.constant 15 : i32
      %rev3A_842 = vector.broadcast %rev3A_841 : i32 to vector<16xi32>
      %rev3A_843 = tpu.iota {dimensions = array<i32: 0>} : vector<16xi32>
      %rev3A_844 = arith.subi %rev3A_842, %rev3A_843 : vector<16xi32>
      %rev3A_845 = tpu.dynamic_gather %masked_sort3A_232[%rev3A_844] in [0] : vector<16xi32>, vector<16xi32> -> vector<16xi32>
      %min3A_846 = arith.minsi %masked_sort3A_221, %rev3A_845 : vector<16xi32>
      %masked_sort3A_847 = arith.constant dense<true> : vector<16xi1>
      %masked_sort3A_848 = arith.constant -2147483648 : i32
      %masked_sort3A_849 = vector.broadcast %masked_sort3A_848 : i32 to vector<16xi32>
      %masked_sort3A_850 = arith.xori %min3A_846, %masked_sort3A_849 : vector<16xi32>
      %masked_sort3A_851, %masked_sort3A_852, %masked_sort3A_853 = tpu.sort %masked_sort3A_850, %min3A_846 masked %masked_sort3A_847 : (vector<16xi32>, vector<16xi32>, vector<16xi1>) -> (vector<16xi1>, vector<16xi32>, vector<16xi32>)
      %masked_sort3A_854 = arith.xori %masked_sort3A_852, %masked_sort3A_849 : vector<16xi32>
      %rev3A_855 = arith.constant 15 : i32
      %rev3A_856 = vector.broadcast %rev3A_855 : i32 to vector<16xi32>
      %rev3A_857 = tpu.iota {dimensions = array<i32: 0>} : vector<16xi32>
      %rev3A_858 = arith.subi %rev3A_856, %rev3A_857 : vector<16xi32>
      %rev3A_859 = tpu.dynamic_gather %masked_sort3A_254[%rev3A_858] in [0] : vector<16xi32>, vector<16xi32> -> vector<16xi32>
      %min3A_860 = arith.minsi %masked_sort3A_243, %rev3A_859 : vector<16xi32>
      %masked_sort3A_861 = arith.constant dense<true> : vector<16xi1>
      %masked_sort3A_862 = arith.constant -2147483648 : i32
      %masked_sort3A_863 = vector.broadcast %masked_sort3A_862 : i32 to vector<16xi32>
      %masked_sort3A_864 = arith.xori %min3A_860, %masked_sort3A_863 : vector<16xi32>
      %masked_sort3A_865, %masked_sort3A_866, %masked_sort3A_867 = tpu.sort %masked_sort3A_864, %min3A_860 masked %masked_sort3A_861 : (vector<16xi32>, vector<16xi32>, vector<16xi1>) -> (vector<16xi1>, vector<16xi32>, vector<16xi32>)
      %masked_sort3A_868 = arith.xori %masked_sort3A_866, %masked_sort3A_863 : vector<16xi32>
      %rev3A_869 = arith.constant 15 : i32
      %rev3A_870 = vector.broadcast %rev3A_869 : i32 to vector<16xi32>
      %rev3A_871 = tpu.iota {dimensions = array<i32: 0>} : vector<16xi32>
      %rev3A_872 = arith.subi %rev3A_870, %rev3A_871 : vector<16xi32>
      %rev3A_873 = tpu.dynamic_gather %masked_sort3A_276[%rev3A_872] in [0] : vector<16xi32>, vector<16xi32> -> vector<16xi32>
      %min3A_874 = arith.minsi %masked_sort3A_265, %rev3A_873 : vector<16xi32>
      %masked_sort3A_875 = arith.constant dense<true> : vector<16xi1>
      %masked_sort3A_876 = arith.constant -2147483648 : i32
      %masked_sort3A_877 = vector.broadcast %masked_sort3A_876 : i32 to vector<16xi32>
      %masked_sort3A_878 = arith.xori %min3A_874, %masked_sort3A_877 : vector<16xi32>
      %masked_sort3A_879, %masked_sort3A_880, %masked_sort3A_881 = tpu.sort %masked_sort3A_878, %min3A_874 masked %masked_sort3A_875 : (vector<16xi32>, vector<16xi32>, vector<16xi1>) -> (vector<16xi1>, vector<16xi32>, vector<16xi32>)
      %masked_sort3A_882 = arith.xori %masked_sort3A_880, %masked_sort3A_877 : vector<16xi32>
      %rev3A_883 = arith.constant 15 : i32
      %rev3A_884 = vector.broadcast %rev3A_883 : i32 to vector<16xi32>
      %rev3A_885 = tpu.iota {dimensions = array<i32: 0>} : vector<16xi32>
      %rev3A_886 = arith.subi %rev3A_884, %rev3A_885 : vector<16xi32>
      %rev3A_887 = tpu.dynamic_gather %masked_sort3A_298[%rev3A_886] in [0] : vector<16xi32>, vector<16xi32> -> vector<16xi32>
      %min3A_888 = arith.minsi %masked_sort3A_287, %rev3A_887 : vector<16xi32>
      %masked_sort3A_889 = arith.constant dense<true> : vector<16xi1>
      %masked_sort3A_890 = arith.constant -2147483648 : i32
      %masked_sort3A_891 = vector.broadcast %masked_sort3A_890 : i32 to vector<16xi32>
      %masked_sort3A_892 = arith.xori %min3A_888, %masked_sort3A_891 : vector<16xi32>
      %masked_sort3A_893, %masked_sort3A_894, %masked_sort3A_895 = tpu.sort %masked_sort3A_892, %min3A_888 masked %masked_sort3A_889 : (vector<16xi32>, vector<16xi32>, vector<16xi1>) -> (vector<16xi1>, vector<16xi32>, vector<16xi32>)
      %masked_sort3A_896 = arith.xori %masked_sort3A_894, %masked_sort3A_891 : vector<16xi32>
      %rev3A_897 = arith.constant 15 : i32
      %rev3A_898 = vector.broadcast %rev3A_897 : i32 to vector<16xi32>
      %rev3A_899 = tpu.iota {dimensions = array<i32: 0>} : vector<16xi32>
      %rev3A_900 = arith.subi %rev3A_898, %rev3A_899 : vector<16xi32>
      %rev3A_901 = tpu.dynamic_gather %masked_sort3A_320[%rev3A_900] in [0] : vector<16xi32>, vector<16xi32> -> vector<16xi32>
      %min3A_902 = arith.minsi %masked_sort3A_309, %rev3A_901 : vector<16xi32>
      %masked_sort3A_903 = arith.constant dense<true> : vector<16xi1>
      %masked_sort3A_904 = arith.constant -2147483648 : i32
      %masked_sort3A_905 = vector.broadcast %masked_sort3A_904 : i32 to vector<16xi32>
      %masked_sort3A_906 = arith.xori %min3A_902, %masked_sort3A_905 : vector<16xi32>
      %masked_sort3A_907, %masked_sort3A_908, %masked_sort3A_909 = tpu.sort %masked_sort3A_906, %min3A_902 masked %masked_sort3A_903 : (vector<16xi32>, vector<16xi32>, vector<16xi1>) -> (vector<16xi1>, vector<16xi32>, vector<16xi32>)
      %masked_sort3A_910 = arith.xori %masked_sort3A_908, %masked_sort3A_905 : vector<16xi32>
      %rev3A_911 = arith.constant 15 : i32
      %rev3A_912 = vector.broadcast %rev3A_911 : i32 to vector<16xi32>
      %rev3A_913 = tpu.iota {dimensions = array<i32: 0>} : vector<16xi32>
      %rev3A_914 = arith.subi %rev3A_912, %rev3A_913 : vector<16xi32>
      %rev3A_915 = tpu.dynamic_gather %masked_sort3A_342[%rev3A_914] in [0] : vector<16xi32>, vector<16xi32> -> vector<16xi32>
      %min3A_916 = arith.minsi %masked_sort3A_331, %rev3A_915 : vector<16xi32>
      %masked_sort3A_917 = arith.constant dense<true> : vector<16xi1>
      %masked_sort3A_918 = arith.constant -2147483648 : i32
      %masked_sort3A_919 = vector.broadcast %masked_sort3A_918 : i32 to vector<16xi32>
      %masked_sort3A_920 = arith.xori %min3A_916, %masked_sort3A_919 : vector<16xi32>
      %masked_sort3A_921, %masked_sort3A_922, %masked_sort3A_923 = tpu.sort %masked_sort3A_920, %min3A_916 masked %masked_sort3A_917 : (vector<16xi32>, vector<16xi32>, vector<16xi1>) -> (vector<16xi1>, vector<16xi32>, vector<16xi32>)
      %masked_sort3A_924 = arith.xori %masked_sort3A_922, %masked_sort3A_919 : vector<16xi32>
      %rev3A_925 = arith.constant 15 : i32
      %rev3A_926 = vector.broadcast %rev3A_925 : i32 to vector<16xi32>
      %rev3A_927 = tpu.iota {dimensions = array<i32: 0>} : vector<16xi32>
      %rev3A_928 = arith.subi %rev3A_926, %rev3A_927 : vector<16xi32>
      %rev3A_929 = tpu.dynamic_gather %masked_sort3A_364[%rev3A_928] in [0] : vector<16xi32>, vector<16xi32> -> vector<16xi32>
      %min3A_930 = arith.minsi %masked_sort3A_353, %rev3A_929 : vector<16xi32>
      %masked_sort3A_931 = arith.constant dense<true> : vector<16xi1>
      %masked_sort3A_932 = arith.constant -2147483648 : i32
      %masked_sort3A_933 = vector.broadcast %masked_sort3A_932 : i32 to vector<16xi32>
      %masked_sort3A_934 = arith.xori %min3A_930, %masked_sort3A_933 : vector<16xi32>
      %masked_sort3A_935, %masked_sort3A_936, %masked_sort3A_937 = tpu.sort %masked_sort3A_934, %min3A_930 masked %masked_sort3A_931 : (vector<16xi32>, vector<16xi32>, vector<16xi1>) -> (vector<16xi1>, vector<16xi32>, vector<16xi32>)
      %masked_sort3A_938 = arith.xori %masked_sort3A_936, %masked_sort3A_933 : vector<16xi32>
      %rev3A_939 = arith.constant 15 : i32
      %rev3A_940 = vector.broadcast %rev3A_939 : i32 to vector<16xi32>
      %rev3A_941 = tpu.iota {dimensions = array<i32: 0>} : vector<16xi32>
      %rev3A_942 = arith.subi %rev3A_940, %rev3A_941 : vector<16xi32>
      %rev3A_943 = tpu.dynamic_gather %masked_sort3A_386[%rev3A_942] in [0] : vector<16xi32>, vector<16xi32> -> vector<16xi32>
      %min3A_944 = arith.minsi %masked_sort3A_375, %rev3A_943 : vector<16xi32>
      %masked_sort3A_945 = arith.constant dense<true> : vector<16xi1>
      %masked_sort3A_946 = arith.constant -2147483648 : i32
      %masked_sort3A_947 = vector.broadcast %masked_sort3A_946 : i32 to vector<16xi32>
      %masked_sort3A_948 = arith.xori %min3A_944, %masked_sort3A_947 : vector<16xi32>
      %masked_sort3A_949, %masked_sort3A_950, %masked_sort3A_951 = tpu.sort %masked_sort3A_948, %min3A_944 masked %masked_sort3A_945 : (vector<16xi32>, vector<16xi32>, vector<16xi1>) -> (vector<16xi1>, vector<16xi32>, vector<16xi32>)
      %masked_sort3A_952 = arith.xori %masked_sort3A_950, %masked_sort3A_947 : vector<16xi32>
      %rev3A_953 = arith.constant 15 : i32
      %rev3A_954 = vector.broadcast %rev3A_953 : i32 to vector<16xi32>
      %rev3A_955 = tpu.iota {dimensions = array<i32: 0>} : vector<16xi32>
      %rev3A_956 = arith.subi %rev3A_954, %rev3A_955 : vector<16xi32>
      %rev3A_957 = tpu.dynamic_gather %masked_sort3A_408[%rev3A_956] in [0] : vector<16xi32>, vector<16xi32> -> vector<16xi32>
      %min3A_958 = arith.minsi %masked_sort3A_397, %rev3A_957 : vector<16xi32>
      %masked_sort3A_959 = arith.constant dense<true> : vector<16xi1>
      %masked_sort3A_960 = arith.constant -2147483648 : i32
      %masked_sort3A_961 = vector.broadcast %masked_sort3A_960 : i32 to vector<16xi32>
      %masked_sort3A_962 = arith.xori %min3A_958, %masked_sort3A_961 : vector<16xi32>
      %masked_sort3A_963, %masked_sort3A_964, %masked_sort3A_965 = tpu.sort %masked_sort3A_962, %min3A_958 masked %masked_sort3A_959 : (vector<16xi32>, vector<16xi32>, vector<16xi1>) -> (vector<16xi1>, vector<16xi32>, vector<16xi32>)
      %masked_sort3A_966 = arith.xori %masked_sort3A_964, %masked_sort3A_961 : vector<16xi32>
      %rev3A_967 = arith.constant 15 : i32
      %rev3A_968 = vector.broadcast %rev3A_967 : i32 to vector<16xi32>
      %rev3A_969 = tpu.iota {dimensions = array<i32: 0>} : vector<16xi32>
      %rev3A_970 = arith.subi %rev3A_968, %rev3A_969 : vector<16xi32>
      %rev3A_971 = tpu.dynamic_gather %masked_sort3A_430[%rev3A_970] in [0] : vector<16xi32>, vector<16xi32> -> vector<16xi32>
      %min3A_972 = arith.minsi %masked_sort3A_419, %rev3A_971 : vector<16xi32>
      %masked_sort3A_973 = arith.constant dense<true> : vector<16xi1>
      %masked_sort3A_974 = arith.constant -2147483648 : i32
      %masked_sort3A_975 = vector.broadcast %masked_sort3A_974 : i32 to vector<16xi32>
      %masked_sort3A_976 = arith.xori %min3A_972, %masked_sort3A_975 : vector<16xi32>
      %masked_sort3A_977, %masked_sort3A_978, %masked_sort3A_979 = tpu.sort %masked_sort3A_976, %min3A_972 masked %masked_sort3A_973 : (vector<16xi32>, vector<16xi32>, vector<16xi1>) -> (vector<16xi1>, vector<16xi32>, vector<16xi32>)
      %masked_sort3A_980 = arith.xori %masked_sort3A_978, %masked_sort3A_975 : vector<16xi32>
      %rev3A_981 = arith.constant 15 : i32
      %rev3A_982 = vector.broadcast %rev3A_981 : i32 to vector<16xi32>
      %rev3A_983 = tpu.iota {dimensions = array<i32: 0>} : vector<16xi32>
      %rev3A_984 = arith.subi %rev3A_982, %rev3A_983 : vector<16xi32>
      %rev3A_985 = tpu.dynamic_gather %masked_sort3A_452[%rev3A_984] in [0] : vector<16xi32>, vector<16xi32> -> vector<16xi32>
      %min3A_986 = arith.minsi %masked_sort3A_441, %rev3A_985 : vector<16xi32>
      %masked_sort3A_987 = arith.constant dense<true> : vector<16xi1>
      %masked_sort3A_988 = arith.constant -2147483648 : i32
      %masked_sort3A_989 = vector.broadcast %masked_sort3A_988 : i32 to vector<16xi32>
      %masked_sort3A_990 = arith.xori %min3A_986, %masked_sort3A_989 : vector<16xi32>
      %masked_sort3A_991, %masked_sort3A_992, %masked_sort3A_993 = tpu.sort %masked_sort3A_990, %min3A_986 masked %masked_sort3A_987 : (vector<16xi32>, vector<16xi32>, vector<16xi1>) -> (vector<16xi1>, vector<16xi32>, vector<16xi32>)
      %masked_sort3A_994 = arith.xori %masked_sort3A_992, %masked_sort3A_989 : vector<16xi32>
      %rev3A_995 = arith.constant 15 : i32
      %rev3A_996 = vector.broadcast %rev3A_995 : i32 to vector<16xi32>
      %rev3A_997 = tpu.iota {dimensions = array<i32: 0>} : vector<16xi32>
      %rev3A_998 = arith.subi %rev3A_996, %rev3A_997 : vector<16xi32>
      %rev3A_999 = tpu.dynamic_gather %masked_sort3A_474[%rev3A_998] in [0] : vector<16xi32>, vector<16xi32> -> vector<16xi32>
      %min3A_1000 = arith.minsi %masked_sort3A_463, %rev3A_999 : vector<16xi32>
      %masked_sort3A_1001 = arith.constant dense<true> : vector<16xi1>
      %masked_sort3A_1002 = arith.constant -2147483648 : i32
      %masked_sort3A_1003 = vector.broadcast %masked_sort3A_1002 : i32 to vector<16xi32>
      %masked_sort3A_1004 = arith.xori %min3A_1000, %masked_sort3A_1003 : vector<16xi32>
      %masked_sort3A_1005, %masked_sort3A_1006, %masked_sort3A_1007 = tpu.sort %masked_sort3A_1004, %min3A_1000 masked %masked_sort3A_1001 : (vector<16xi32>, vector<16xi32>, vector<16xi1>) -> (vector<16xi1>, vector<16xi32>, vector<16xi32>)
      %masked_sort3A_1008 = arith.xori %masked_sort3A_1006, %masked_sort3A_1003 : vector<16xi32>
      %rev3A_1009 = arith.constant 15 : i32
      %rev3A_1010 = vector.broadcast %rev3A_1009 : i32 to vector<16xi32>
      %rev3A_1011 = tpu.iota {dimensions = array<i32: 0>} : vector<16xi32>
      %rev3A_1012 = arith.subi %rev3A_1010, %rev3A_1011 : vector<16xi32>
      %rev3A_1013 = tpu.dynamic_gather %masked_sort3A_496[%rev3A_1012] in [0] : vector<16xi32>, vector<16xi32> -> vector<16xi32>
      %min3A_1014 = arith.minsi %masked_sort3A_485, %rev3A_1013 : vector<16xi32>
      %masked_sort3A_1015 = arith.constant dense<true> : vector<16xi1>
      %masked_sort3A_1016 = arith.constant -2147483648 : i32
      %masked_sort3A_1017 = vector.broadcast %masked_sort3A_1016 : i32 to vector<16xi32>
      %masked_sort3A_1018 = arith.xori %min3A_1014, %masked_sort3A_1017 : vector<16xi32>
      %masked_sort3A_1019, %masked_sort3A_1020, %masked_sort3A_1021 = tpu.sort %masked_sort3A_1018, %min3A_1014 masked %masked_sort3A_1015 : (vector<16xi32>, vector<16xi32>, vector<16xi1>) -> (vector<16xi1>, vector<16xi32>, vector<16xi32>)
      %masked_sort3A_1022 = arith.xori %masked_sort3A_1020, %masked_sort3A_1017 : vector<16xi32>
      %rev3A_1023 = arith.constant 15 : i32
      %rev3A_1024 = vector.broadcast %rev3A_1023 : i32 to vector<16xi32>
      %rev3A_1025 = tpu.iota {dimensions = array<i32: 0>} : vector<16xi32>
      %rev3A_1026 = arith.subi %rev3A_1024, %rev3A_1025 : vector<16xi32>
      %rev3A_1027 = tpu.dynamic_gather %masked_sort3A_518[%rev3A_1026] in [0] : vector<16xi32>, vector<16xi32> -> vector<16xi32>
      %min3A_1028 = arith.minsi %masked_sort3A_507, %rev3A_1027 : vector<16xi32>
      %masked_sort3A_1029 = arith.constant dense<true> : vector<16xi1>
      %masked_sort3A_1030 = arith.constant -2147483648 : i32
      %masked_sort3A_1031 = vector.broadcast %masked_sort3A_1030 : i32 to vector<16xi32>
      %masked_sort3A_1032 = arith.xori %min3A_1028, %masked_sort3A_1031 : vector<16xi32>
      %masked_sort3A_1033, %masked_sort3A_1034, %masked_sort3A_1035 = tpu.sort %masked_sort3A_1032, %min3A_1028 masked %masked_sort3A_1029 : (vector<16xi32>, vector<16xi32>, vector<16xi1>) -> (vector<16xi1>, vector<16xi32>, vector<16xi32>)
      %masked_sort3A_1036 = arith.xori %masked_sort3A_1034, %masked_sort3A_1031 : vector<16xi32>
      %rev3A_1037 = arith.constant 15 : i32
      %rev3A_1038 = vector.broadcast %rev3A_1037 : i32 to vector<16xi32>
      %rev3A_1039 = tpu.iota {dimensions = array<i32: 0>} : vector<16xi32>
      %rev3A_1040 = arith.subi %rev3A_1038, %rev3A_1039 : vector<16xi32>
      %rev3A_1041 = tpu.dynamic_gather %masked_sort3A_540[%rev3A_1040] in [0] : vector<16xi32>, vector<16xi32> -> vector<16xi32>
      %min3A_1042 = arith.minsi %masked_sort3A_529, %rev3A_1041 : vector<16xi32>
      %masked_sort3A_1043 = arith.constant dense<true> : vector<16xi1>
      %masked_sort3A_1044 = arith.constant -2147483648 : i32
      %masked_sort3A_1045 = vector.broadcast %masked_sort3A_1044 : i32 to vector<16xi32>
      %masked_sort3A_1046 = arith.xori %min3A_1042, %masked_sort3A_1045 : vector<16xi32>
      %masked_sort3A_1047, %masked_sort3A_1048, %masked_sort3A_1049 = tpu.sort %masked_sort3A_1046, %min3A_1042 masked %masked_sort3A_1043 : (vector<16xi32>, vector<16xi32>, vector<16xi1>) -> (vector<16xi1>, vector<16xi32>, vector<16xi32>)
      %masked_sort3A_1050 = arith.xori %masked_sort3A_1048, %masked_sort3A_1045 : vector<16xi32>
      %rev3A_1051 = arith.constant 15 : i32
      %rev3A_1052 = vector.broadcast %rev3A_1051 : i32 to vector<16xi32>
      %rev3A_1053 = tpu.iota {dimensions = array<i32: 0>} : vector<16xi32>
      %rev3A_1054 = arith.subi %rev3A_1052, %rev3A_1053 : vector<16xi32>
      %rev3A_1055 = tpu.dynamic_gather %masked_sort3A_562[%rev3A_1054] in [0] : vector<16xi32>, vector<16xi32> -> vector<16xi32>
      %min3A_1056 = arith.minsi %masked_sort3A_551, %rev3A_1055 : vector<16xi32>
      %masked_sort3A_1057 = arith.constant dense<true> : vector<16xi1>
      %masked_sort3A_1058 = arith.constant -2147483648 : i32
      %masked_sort3A_1059 = vector.broadcast %masked_sort3A_1058 : i32 to vector<16xi32>
      %masked_sort3A_1060 = arith.xori %min3A_1056, %masked_sort3A_1059 : vector<16xi32>
      %masked_sort3A_1061, %masked_sort3A_1062, %masked_sort3A_1063 = tpu.sort %masked_sort3A_1060, %min3A_1056 masked %masked_sort3A_1057 : (vector<16xi32>, vector<16xi32>, vector<16xi1>) -> (vector<16xi1>, vector<16xi32>, vector<16xi32>)
      %masked_sort3A_1064 = arith.xori %masked_sort3A_1062, %masked_sort3A_1059 : vector<16xi32>
      %rev3A_1065 = arith.constant 15 : i32
      %rev3A_1066 = vector.broadcast %rev3A_1065 : i32 to vector<16xi32>
      %rev3A_1067 = tpu.iota {dimensions = array<i32: 0>} : vector<16xi32>
      %rev3A_1068 = arith.subi %rev3A_1066, %rev3A_1067 : vector<16xi32>
      %rev3A_1069 = tpu.dynamic_gather %masked_sort3A_584[%rev3A_1068] in [0] : vector<16xi32>, vector<16xi32> -> vector<16xi32>
      %min3A_1070 = arith.minsi %masked_sort3A_573, %rev3A_1069 : vector<16xi32>
      %masked_sort3A_1071 = arith.constant dense<true> : vector<16xi1>
      %masked_sort3A_1072 = arith.constant -2147483648 : i32
      %masked_sort3A_1073 = vector.broadcast %masked_sort3A_1072 : i32 to vector<16xi32>
      %masked_sort3A_1074 = arith.xori %min3A_1070, %masked_sort3A_1073 : vector<16xi32>
      %masked_sort3A_1075, %masked_sort3A_1076, %masked_sort3A_1077 = tpu.sort %masked_sort3A_1074, %min3A_1070 masked %masked_sort3A_1071 : (vector<16xi32>, vector<16xi32>, vector<16xi1>) -> (vector<16xi1>, vector<16xi32>, vector<16xi32>)
      %masked_sort3A_1078 = arith.xori %masked_sort3A_1076, %masked_sort3A_1073 : vector<16xi32>
      %rev3A_1079 = arith.constant 15 : i32
      %rev3A_1080 = vector.broadcast %rev3A_1079 : i32 to vector<16xi32>
      %rev3A_1081 = tpu.iota {dimensions = array<i32: 0>} : vector<16xi32>
      %rev3A_1082 = arith.subi %rev3A_1080, %rev3A_1081 : vector<16xi32>
      %rev3A_1083 = tpu.dynamic_gather %masked_sort3A_606[%rev3A_1082] in [0] : vector<16xi32>, vector<16xi32> -> vector<16xi32>
      %min3A_1084 = arith.minsi %masked_sort3A_595, %rev3A_1083 : vector<16xi32>
      %masked_sort3A_1085 = arith.constant dense<true> : vector<16xi1>
      %masked_sort3A_1086 = arith.constant -2147483648 : i32
      %masked_sort3A_1087 = vector.broadcast %masked_sort3A_1086 : i32 to vector<16xi32>
      %masked_sort3A_1088 = arith.xori %min3A_1084, %masked_sort3A_1087 : vector<16xi32>
      %masked_sort3A_1089, %masked_sort3A_1090, %masked_sort3A_1091 = tpu.sort %masked_sort3A_1088, %min3A_1084 masked %masked_sort3A_1085 : (vector<16xi32>, vector<16xi32>, vector<16xi1>) -> (vector<16xi1>, vector<16xi32>, vector<16xi32>)
      %masked_sort3A_1092 = arith.xori %masked_sort3A_1090, %masked_sort3A_1087 : vector<16xi32>
      %rev3A_1093 = arith.constant 15 : i32
      %rev3A_1094 = vector.broadcast %rev3A_1093 : i32 to vector<16xi32>
      %rev3A_1095 = tpu.iota {dimensions = array<i32: 0>} : vector<16xi32>
      %rev3A_1096 = arith.subi %rev3A_1094, %rev3A_1095 : vector<16xi32>
      %rev3A_1097 = tpu.dynamic_gather %masked_sort3A_628[%rev3A_1096] in [0] : vector<16xi32>, vector<16xi32> -> vector<16xi32>
      %min3A_1098 = arith.minsi %masked_sort3A_617, %rev3A_1097 : vector<16xi32>
      %masked_sort3A_1099 = arith.constant dense<true> : vector<16xi1>
      %masked_sort3A_1100 = arith.constant -2147483648 : i32
      %masked_sort3A_1101 = vector.broadcast %masked_sort3A_1100 : i32 to vector<16xi32>
      %masked_sort3A_1102 = arith.xori %min3A_1098, %masked_sort3A_1101 : vector<16xi32>
      %masked_sort3A_1103, %masked_sort3A_1104, %masked_sort3A_1105 = tpu.sort %masked_sort3A_1102, %min3A_1098 masked %masked_sort3A_1099 : (vector<16xi32>, vector<16xi32>, vector<16xi1>) -> (vector<16xi1>, vector<16xi32>, vector<16xi32>)
      %masked_sort3A_1106 = arith.xori %masked_sort3A_1104, %masked_sort3A_1101 : vector<16xi32>
      %rev3A_1107 = arith.constant 15 : i32
      %rev3A_1108 = vector.broadcast %rev3A_1107 : i32 to vector<16xi32>
      %rev3A_1109 = tpu.iota {dimensions = array<i32: 0>} : vector<16xi32>
      %rev3A_1110 = arith.subi %rev3A_1108, %rev3A_1109 : vector<16xi32>
      %rev3A_1111 = tpu.dynamic_gather %masked_sort3A_650[%rev3A_1110] in [0] : vector<16xi32>, vector<16xi32> -> vector<16xi32>
      %min3A_1112 = arith.minsi %masked_sort3A_639, %rev3A_1111 : vector<16xi32>
      %masked_sort3A_1113 = arith.constant dense<true> : vector<16xi1>
      %masked_sort3A_1114 = arith.constant -2147483648 : i32
      %masked_sort3A_1115 = vector.broadcast %masked_sort3A_1114 : i32 to vector<16xi32>
      %masked_sort3A_1116 = arith.xori %min3A_1112, %masked_sort3A_1115 : vector<16xi32>
      %masked_sort3A_1117, %masked_sort3A_1118, %masked_sort3A_1119 = tpu.sort %masked_sort3A_1116, %min3A_1112 masked %masked_sort3A_1113 : (vector<16xi32>, vector<16xi32>, vector<16xi1>) -> (vector<16xi1>, vector<16xi32>, vector<16xi32>)
      %masked_sort3A_1120 = arith.xori %masked_sort3A_1118, %masked_sort3A_1115 : vector<16xi32>
      %rev3A_1121 = arith.constant 15 : i32
      %rev3A_1122 = vector.broadcast %rev3A_1121 : i32 to vector<16xi32>
      %rev3A_1123 = tpu.iota {dimensions = array<i32: 0>} : vector<16xi32>
      %rev3A_1124 = arith.subi %rev3A_1122, %rev3A_1123 : vector<16xi32>
      %rev3A_1125 = tpu.dynamic_gather %masked_sort3A_672[%rev3A_1124] in [0] : vector<16xi32>, vector<16xi32> -> vector<16xi32>
      %min3A_1126 = arith.minsi %masked_sort3A_661, %rev3A_1125 : vector<16xi32>
      %masked_sort3A_1127 = arith.constant dense<true> : vector<16xi1>
      %masked_sort3A_1128 = arith.constant -2147483648 : i32
      %masked_sort3A_1129 = vector.broadcast %masked_sort3A_1128 : i32 to vector<16xi32>
      %masked_sort3A_1130 = arith.xori %min3A_1126, %masked_sort3A_1129 : vector<16xi32>
      %masked_sort3A_1131, %masked_sort3A_1132, %masked_sort3A_1133 = tpu.sort %masked_sort3A_1130, %min3A_1126 masked %masked_sort3A_1127 : (vector<16xi32>, vector<16xi32>, vector<16xi1>) -> (vector<16xi1>, vector<16xi32>, vector<16xi32>)
      %masked_sort3A_1134 = arith.xori %masked_sort3A_1132, %masked_sort3A_1129 : vector<16xi32>
      %rev3A_1135 = arith.constant 15 : i32
      %rev3A_1136 = vector.broadcast %rev3A_1135 : i32 to vector<16xi32>
      %rev3A_1137 = tpu.iota {dimensions = array<i32: 0>} : vector<16xi32>
      %rev3A_1138 = arith.subi %rev3A_1136, %rev3A_1137 : vector<16xi32>
      %rev3A_1139 = tpu.dynamic_gather %masked_sort3A_694[%rev3A_1138] in [0] : vector<16xi32>, vector<16xi32> -> vector<16xi32>
      %min3A_1140 = arith.minsi %masked_sort3A_683, %rev3A_1139 : vector<16xi32>
      %masked_sort3A_1141 = arith.constant dense<true> : vector<16xi1>
      %masked_sort3A_1142 = arith.constant -2147483648 : i32
      %masked_sort3A_1143 = vector.broadcast %masked_sort3A_1142 : i32 to vector<16xi32>
      %masked_sort3A_1144 = arith.xori %min3A_1140, %masked_sort3A_1143 : vector<16xi32>
      %masked_sort3A_1145, %masked_sort3A_1146, %masked_sort3A_1147 = tpu.sort %masked_sort3A_1144, %min3A_1140 masked %masked_sort3A_1141 : (vector<16xi32>, vector<16xi32>, vector<16xi1>) -> (vector<16xi1>, vector<16xi32>, vector<16xi32>)
      %masked_sort3A_1148 = arith.xori %masked_sort3A_1146, %masked_sort3A_1143 : vector<16xi32>
      %rev3A_1149 = arith.constant 15 : i32
      %rev3A_1150 = vector.broadcast %rev3A_1149 : i32 to vector<16xi32>
      %rev3A_1151 = tpu.iota {dimensions = array<i32: 0>} : vector<16xi32>
      %rev3A_1152 = arith.subi %rev3A_1150, %rev3A_1151 : vector<16xi32>
      %rev3A_1153 = tpu.dynamic_gather %masked_sort3A_716[%rev3A_1152] in [0] : vector<16xi32>, vector<16xi32> -> vector<16xi32>
      %min3A_1154 = arith.minsi %masked_sort3A_705, %rev3A_1153 : vector<16xi32>
      %masked_sort3A_1155 = arith.constant dense<true> : vector<16xi1>
      %masked_sort3A_1156 = arith.constant -2147483648 : i32
      %masked_sort3A_1157 = vector.broadcast %masked_sort3A_1156 : i32 to vector<16xi32>
      %masked_sort3A_1158 = arith.xori %min3A_1154, %masked_sort3A_1157 : vector<16xi32>
      %masked_sort3A_1159, %masked_sort3A_1160, %masked_sort3A_1161 = tpu.sort %masked_sort3A_1158, %min3A_1154 masked %masked_sort3A_1155 : (vector<16xi32>, vector<16xi32>, vector<16xi1>) -> (vector<16xi1>, vector<16xi32>, vector<16xi32>)
      %masked_sort3A_1162 = arith.xori %masked_sort3A_1160, %masked_sort3A_1157 : vector<16xi32>
      %rev3A_1163 = arith.constant 15 : i32
      %rev3A_1164 = vector.broadcast %rev3A_1163 : i32 to vector<16xi32>
      %rev3A_1165 = tpu.iota {dimensions = array<i32: 0>} : vector<16xi32>
      %rev3A_1166 = arith.subi %rev3A_1164, %rev3A_1165 : vector<16xi32>
      %rev3A_1167 = tpu.dynamic_gather %masked_sort3A_742[%rev3A_1166] in [0] : vector<16xi32>, vector<16xi32> -> vector<16xi32>
      %min3A_1168 = arith.minsi %masked_sort3A_728, %rev3A_1167 : vector<16xi32>
      %masked_sort3A_1169 = arith.constant dense<true> : vector<16xi1>
      %masked_sort3A_1170 = arith.constant -2147483648 : i32
      %masked_sort3A_1171 = vector.broadcast %masked_sort3A_1170 : i32 to vector<16xi32>
      %masked_sort3A_1172 = arith.xori %min3A_1168, %masked_sort3A_1171 : vector<16xi32>
      %masked_sort3A_1173, %masked_sort3A_1174, %masked_sort3A_1175 = tpu.sort %masked_sort3A_1172, %min3A_1168 masked %masked_sort3A_1169 : (vector<16xi32>, vector<16xi32>, vector<16xi1>) -> (vector<16xi1>, vector<16xi32>, vector<16xi32>)
      %masked_sort3A_1176 = arith.xori %masked_sort3A_1174, %masked_sort3A_1171 : vector<16xi32>
      %rev3A_1177 = arith.constant 15 : i32
      %rev3A_1178 = vector.broadcast %rev3A_1177 : i32 to vector<16xi32>
      %rev3A_1179 = tpu.iota {dimensions = array<i32: 0>} : vector<16xi32>
      %rev3A_1180 = arith.subi %rev3A_1178, %rev3A_1179 : vector<16xi32>
      %rev3A_1181 = tpu.dynamic_gather %masked_sort3A_770[%rev3A_1180] in [0] : vector<16xi32>, vector<16xi32> -> vector<16xi32>
      %min3A_1182 = arith.minsi %masked_sort3A_756, %rev3A_1181 : vector<16xi32>
      %masked_sort3A_1183 = arith.constant dense<true> : vector<16xi1>
      %masked_sort3A_1184 = arith.constant -2147483648 : i32
      %masked_sort3A_1185 = vector.broadcast %masked_sort3A_1184 : i32 to vector<16xi32>
      %masked_sort3A_1186 = arith.xori %min3A_1182, %masked_sort3A_1185 : vector<16xi32>
      %masked_sort3A_1187, %masked_sort3A_1188, %masked_sort3A_1189 = tpu.sort %masked_sort3A_1186, %min3A_1182 masked %masked_sort3A_1183 : (vector<16xi32>, vector<16xi32>, vector<16xi1>) -> (vector<16xi1>, vector<16xi32>, vector<16xi32>)
      %masked_sort3A_1190 = arith.xori %masked_sort3A_1188, %masked_sort3A_1185 : vector<16xi32>
      %rev3A_1191 = arith.constant 15 : i32
      %rev3A_1192 = vector.broadcast %rev3A_1191 : i32 to vector<16xi32>
      %rev3A_1193 = tpu.iota {dimensions = array<i32: 0>} : vector<16xi32>
      %rev3A_1194 = arith.subi %rev3A_1192, %rev3A_1193 : vector<16xi32>
      %rev3A_1195 = tpu.dynamic_gather %masked_sort3A_798[%rev3A_1194] in [0] : vector<16xi32>, vector<16xi32> -> vector<16xi32>
      %min3A_1196 = arith.minsi %masked_sort3A_784, %rev3A_1195 : vector<16xi32>
      %masked_sort3A_1197 = arith.constant dense<true> : vector<16xi1>
      %masked_sort3A_1198 = arith.constant -2147483648 : i32
      %masked_sort3A_1199 = vector.broadcast %masked_sort3A_1198 : i32 to vector<16xi32>
      %masked_sort3A_1200 = arith.xori %min3A_1196, %masked_sort3A_1199 : vector<16xi32>
      %masked_sort3A_1201, %masked_sort3A_1202, %masked_sort3A_1203 = tpu.sort %masked_sort3A_1200, %min3A_1196 masked %masked_sort3A_1197 : (vector<16xi32>, vector<16xi32>, vector<16xi1>) -> (vector<16xi1>, vector<16xi32>, vector<16xi32>)
      %masked_sort3A_1204 = arith.xori %masked_sort3A_1202, %masked_sort3A_1199 : vector<16xi32>
      %rev3A_1205 = arith.constant 15 : i32
      %rev3A_1206 = vector.broadcast %rev3A_1205 : i32 to vector<16xi32>
      %rev3A_1207 = tpu.iota {dimensions = array<i32: 0>} : vector<16xi32>
      %rev3A_1208 = arith.subi %rev3A_1206, %rev3A_1207 : vector<16xi32>
      %rev3A_1209 = tpu.dynamic_gather %masked_sort3A_826[%rev3A_1208] in [0] : vector<16xi32>, vector<16xi32> -> vector<16xi32>
      %min3A_1210 = arith.minsi %masked_sort3A_812, %rev3A_1209 : vector<16xi32>
      %masked_sort3A_1211 = arith.constant dense<true> : vector<16xi1>
      %masked_sort3A_1212 = arith.constant -2147483648 : i32
      %masked_sort3A_1213 = vector.broadcast %masked_sort3A_1212 : i32 to vector<16xi32>
      %masked_sort3A_1214 = arith.xori %min3A_1210, %masked_sort3A_1213 : vector<16xi32>
      %masked_sort3A_1215, %masked_sort3A_1216, %masked_sort3A_1217 = tpu.sort %masked_sort3A_1214, %min3A_1210 masked %masked_sort3A_1211 : (vector<16xi32>, vector<16xi32>, vector<16xi1>) -> (vector<16xi1>, vector<16xi32>, vector<16xi32>)
      %masked_sort3A_1218 = arith.xori %masked_sort3A_1216, %masked_sort3A_1213 : vector<16xi32>
      %rev3A_1219 = arith.constant 15 : i32
      %rev3A_1220 = vector.broadcast %rev3A_1219 : i32 to vector<16xi32>
      %rev3A_1221 = tpu.iota {dimensions = array<i32: 0>} : vector<16xi32>
      %rev3A_1222 = arith.subi %rev3A_1220, %rev3A_1221 : vector<16xi32>
      %rev3A_1223 = tpu.dynamic_gather %masked_sort3A_854[%rev3A_1222] in [0] : vector<16xi32>, vector<16xi32> -> vector<16xi32>
      %min3A_1224 = arith.minsi %masked_sort3A_840, %rev3A_1223 : vector<16xi32>
      %masked_sort3A_1225 = arith.constant dense<true> : vector<16xi1>
      %masked_sort3A_1226 = arith.constant -2147483648 : i32
      %masked_sort3A_1227 = vector.broadcast %masked_sort3A_1226 : i32 to vector<16xi32>
      %masked_sort3A_1228 = arith.xori %min3A_1224, %masked_sort3A_1227 : vector<16xi32>
      %masked_sort3A_1229, %masked_sort3A_1230, %masked_sort3A_1231 = tpu.sort %masked_sort3A_1228, %min3A_1224 masked %masked_sort3A_1225 : (vector<16xi32>, vector<16xi32>, vector<16xi1>) -> (vector<16xi1>, vector<16xi32>, vector<16xi32>)
      %masked_sort3A_1232 = arith.xori %masked_sort3A_1230, %masked_sort3A_1227 : vector<16xi32>
      %rev3A_1233 = arith.constant 15 : i32
      %rev3A_1234 = vector.broadcast %rev3A_1233 : i32 to vector<16xi32>
      %rev3A_1235 = tpu.iota {dimensions = array<i32: 0>} : vector<16xi32>
      %rev3A_1236 = arith.subi %rev3A_1234, %rev3A_1235 : vector<16xi32>
      %rev3A_1237 = tpu.dynamic_gather %masked_sort3A_882[%rev3A_1236] in [0] : vector<16xi32>, vector<16xi32> -> vector<16xi32>
      %min3A_1238 = arith.minsi %masked_sort3A_868, %rev3A_1237 : vector<16xi32>
      %masked_sort3A_1239 = arith.constant dense<true> : vector<16xi1>
      %masked_sort3A_1240 = arith.constant -2147483648 : i32
      %masked_sort3A_1241 = vector.broadcast %masked_sort3A_1240 : i32 to vector<16xi32>
      %masked_sort3A_1242 = arith.xori %min3A_1238, %masked_sort3A_1241 : vector<16xi32>
      %masked_sort3A_1243, %masked_sort3A_1244, %masked_sort3A_1245 = tpu.sort %masked_sort3A_1242, %min3A_1238 masked %masked_sort3A_1239 : (vector<16xi32>, vector<16xi32>, vector<16xi1>) -> (vector<16xi1>, vector<16xi32>, vector<16xi32>)
      %masked_sort3A_1246 = arith.xori %masked_sort3A_1244, %masked_sort3A_1241 : vector<16xi32>
      %rev3A_1247 = arith.constant 15 : i32
      %rev3A_1248 = vector.broadcast %rev3A_1247 : i32 to vector<16xi32>
      %rev3A_1249 = tpu.iota {dimensions = array<i32: 0>} : vector<16xi32>
      %rev3A_1250 = arith.subi %rev3A_1248, %rev3A_1249 : vector<16xi32>
      %rev3A_1251 = tpu.dynamic_gather %masked_sort3A_910[%rev3A_1250] in [0] : vector<16xi32>, vector<16xi32> -> vector<16xi32>
      %min3A_1252 = arith.minsi %masked_sort3A_896, %rev3A_1251 : vector<16xi32>
      %masked_sort3A_1253 = arith.constant dense<true> : vector<16xi1>
      %masked_sort3A_1254 = arith.constant -2147483648 : i32
      %masked_sort3A_1255 = vector.broadcast %masked_sort3A_1254 : i32 to vector<16xi32>
      %masked_sort3A_1256 = arith.xori %min3A_1252, %masked_sort3A_1255 : vector<16xi32>
      %masked_sort3A_1257, %masked_sort3A_1258, %masked_sort3A_1259 = tpu.sort %masked_sort3A_1256, %min3A_1252 masked %masked_sort3A_1253 : (vector<16xi32>, vector<16xi32>, vector<16xi1>) -> (vector<16xi1>, vector<16xi32>, vector<16xi32>)
      %masked_sort3A_1260 = arith.xori %masked_sort3A_1258, %masked_sort3A_1255 : vector<16xi32>
      %rev3A_1261 = arith.constant 15 : i32
      %rev3A_1262 = vector.broadcast %rev3A_1261 : i32 to vector<16xi32>
      %rev3A_1263 = tpu.iota {dimensions = array<i32: 0>} : vector<16xi32>
      %rev3A_1264 = arith.subi %rev3A_1262, %rev3A_1263 : vector<16xi32>
      %rev3A_1265 = tpu.dynamic_gather %masked_sort3A_938[%rev3A_1264] in [0] : vector<16xi32>, vector<16xi32> -> vector<16xi32>
      %min3A_1266 = arith.minsi %masked_sort3A_924, %rev3A_1265 : vector<16xi32>
      %masked_sort3A_1267 = arith.constant dense<true> : vector<16xi1>
      %masked_sort3A_1268 = arith.constant -2147483648 : i32
      %masked_sort3A_1269 = vector.broadcast %masked_sort3A_1268 : i32 to vector<16xi32>
      %masked_sort3A_1270 = arith.xori %min3A_1266, %masked_sort3A_1269 : vector<16xi32>
      %masked_sort3A_1271, %masked_sort3A_1272, %masked_sort3A_1273 = tpu.sort %masked_sort3A_1270, %min3A_1266 masked %masked_sort3A_1267 : (vector<16xi32>, vector<16xi32>, vector<16xi1>) -> (vector<16xi1>, vector<16xi32>, vector<16xi32>)
      %masked_sort3A_1274 = arith.xori %masked_sort3A_1272, %masked_sort3A_1269 : vector<16xi32>
      %rev3A_1275 = arith.constant 15 : i32
      %rev3A_1276 = vector.broadcast %rev3A_1275 : i32 to vector<16xi32>
      %rev3A_1277 = tpu.iota {dimensions = array<i32: 0>} : vector<16xi32>
      %rev3A_1278 = arith.subi %rev3A_1276, %rev3A_1277 : vector<16xi32>
      %rev3A_1279 = tpu.dynamic_gather %masked_sort3A_966[%rev3A_1278] in [0] : vector<16xi32>, vector<16xi32> -> vector<16xi32>
      %min3A_1280 = arith.minsi %masked_sort3A_952, %rev3A_1279 : vector<16xi32>
      %masked_sort3A_1281 = arith.constant dense<true> : vector<16xi1>
      %masked_sort3A_1282 = arith.constant -2147483648 : i32
      %masked_sort3A_1283 = vector.broadcast %masked_sort3A_1282 : i32 to vector<16xi32>
      %masked_sort3A_1284 = arith.xori %min3A_1280, %masked_sort3A_1283 : vector<16xi32>
      %masked_sort3A_1285, %masked_sort3A_1286, %masked_sort3A_1287 = tpu.sort %masked_sort3A_1284, %min3A_1280 masked %masked_sort3A_1281 : (vector<16xi32>, vector<16xi32>, vector<16xi1>) -> (vector<16xi1>, vector<16xi32>, vector<16xi32>)
      %masked_sort3A_1288 = arith.xori %masked_sort3A_1286, %masked_sort3A_1283 : vector<16xi32>
      %rev3A_1289 = arith.constant 15 : i32
      %rev3A_1290 = vector.broadcast %rev3A_1289 : i32 to vector<16xi32>
      %rev3A_1291 = tpu.iota {dimensions = array<i32: 0>} : vector<16xi32>
      %rev3A_1292 = arith.subi %rev3A_1290, %rev3A_1291 : vector<16xi32>
      %rev3A_1293 = tpu.dynamic_gather %masked_sort3A_994[%rev3A_1292] in [0] : vector<16xi32>, vector<16xi32> -> vector<16xi32>
      %min3A_1294 = arith.minsi %masked_sort3A_980, %rev3A_1293 : vector<16xi32>
      %masked_sort3A_1295 = arith.constant dense<true> : vector<16xi1>
      %masked_sort3A_1296 = arith.constant -2147483648 : i32
      %masked_sort3A_1297 = vector.broadcast %masked_sort3A_1296 : i32 to vector<16xi32>
      %masked_sort3A_1298 = arith.xori %min3A_1294, %masked_sort3A_1297 : vector<16xi32>
      %masked_sort3A_1299, %masked_sort3A_1300, %masked_sort3A_1301 = tpu.sort %masked_sort3A_1298, %min3A_1294 masked %masked_sort3A_1295 : (vector<16xi32>, vector<16xi32>, vector<16xi1>) -> (vector<16xi1>, vector<16xi32>, vector<16xi32>)
      %masked_sort3A_1302 = arith.xori %masked_sort3A_1300, %masked_sort3A_1297 : vector<16xi32>
      %rev3A_1303 = arith.constant 15 : i32
      %rev3A_1304 = vector.broadcast %rev3A_1303 : i32 to vector<16xi32>
      %rev3A_1305 = tpu.iota {dimensions = array<i32: 0>} : vector<16xi32>
      %rev3A_1306 = arith.subi %rev3A_1304, %rev3A_1305 : vector<16xi32>
      %rev3A_1307 = tpu.dynamic_gather %masked_sort3A_1022[%rev3A_1306] in [0] : vector<16xi32>, vector<16xi32> -> vector<16xi32>
      %min3A_1308 = arith.minsi %masked_sort3A_1008, %rev3A_1307 : vector<16xi32>
      %masked_sort3A_1309 = arith.constant dense<true> : vector<16xi1>
      %masked_sort3A_1310 = arith.constant -2147483648 : i32
      %masked_sort3A_1311 = vector.broadcast %masked_sort3A_1310 : i32 to vector<16xi32>
      %masked_sort3A_1312 = arith.xori %min3A_1308, %masked_sort3A_1311 : vector<16xi32>
      %masked_sort3A_1313, %masked_sort3A_1314, %masked_sort3A_1315 = tpu.sort %masked_sort3A_1312, %min3A_1308 masked %masked_sort3A_1309 : (vector<16xi32>, vector<16xi32>, vector<16xi1>) -> (vector<16xi1>, vector<16xi32>, vector<16xi32>)
      %masked_sort3A_1316 = arith.xori %masked_sort3A_1314, %masked_sort3A_1311 : vector<16xi32>
      %rev3A_1317 = arith.constant 15 : i32
      %rev3A_1318 = vector.broadcast %rev3A_1317 : i32 to vector<16xi32>
      %rev3A_1319 = tpu.iota {dimensions = array<i32: 0>} : vector<16xi32>
      %rev3A_1320 = arith.subi %rev3A_1318, %rev3A_1319 : vector<16xi32>
      %rev3A_1321 = tpu.dynamic_gather %masked_sort3A_1050[%rev3A_1320] in [0] : vector<16xi32>, vector<16xi32> -> vector<16xi32>
      %min3A_1322 = arith.minsi %masked_sort3A_1036, %rev3A_1321 : vector<16xi32>
      %masked_sort3A_1323 = arith.constant dense<true> : vector<16xi1>
      %masked_sort3A_1324 = arith.constant -2147483648 : i32
      %masked_sort3A_1325 = vector.broadcast %masked_sort3A_1324 : i32 to vector<16xi32>
      %masked_sort3A_1326 = arith.xori %min3A_1322, %masked_sort3A_1325 : vector<16xi32>
      %masked_sort3A_1327, %masked_sort3A_1328, %masked_sort3A_1329 = tpu.sort %masked_sort3A_1326, %min3A_1322 masked %masked_sort3A_1323 : (vector<16xi32>, vector<16xi32>, vector<16xi1>) -> (vector<16xi1>, vector<16xi32>, vector<16xi32>)
      %masked_sort3A_1330 = arith.xori %masked_sort3A_1328, %masked_sort3A_1325 : vector<16xi32>
      %rev3A_1331 = arith.constant 15 : i32
      %rev3A_1332 = vector.broadcast %rev3A_1331 : i32 to vector<16xi32>
      %rev3A_1333 = tpu.iota {dimensions = array<i32: 0>} : vector<16xi32>
      %rev3A_1334 = arith.subi %rev3A_1332, %rev3A_1333 : vector<16xi32>
      %rev3A_1335 = tpu.dynamic_gather %masked_sort3A_1078[%rev3A_1334] in [0] : vector<16xi32>, vector<16xi32> -> vector<16xi32>
      %min3A_1336 = arith.minsi %masked_sort3A_1064, %rev3A_1335 : vector<16xi32>
      %masked_sort3A_1337 = arith.constant dense<true> : vector<16xi1>
      %masked_sort3A_1338 = arith.constant -2147483648 : i32
      %masked_sort3A_1339 = vector.broadcast %masked_sort3A_1338 : i32 to vector<16xi32>
      %masked_sort3A_1340 = arith.xori %min3A_1336, %masked_sort3A_1339 : vector<16xi32>
      %masked_sort3A_1341, %masked_sort3A_1342, %masked_sort3A_1343 = tpu.sort %masked_sort3A_1340, %min3A_1336 masked %masked_sort3A_1337 : (vector<16xi32>, vector<16xi32>, vector<16xi1>) -> (vector<16xi1>, vector<16xi32>, vector<16xi32>)
      %masked_sort3A_1344 = arith.xori %masked_sort3A_1342, %masked_sort3A_1339 : vector<16xi32>
      %rev3A_1345 = arith.constant 15 : i32
      %rev3A_1346 = vector.broadcast %rev3A_1345 : i32 to vector<16xi32>
      %rev3A_1347 = tpu.iota {dimensions = array<i32: 0>} : vector<16xi32>
      %rev3A_1348 = arith.subi %rev3A_1346, %rev3A_1347 : vector<16xi32>
      %rev3A_1349 = tpu.dynamic_gather %masked_sort3A_1106[%rev3A_1348] in [0] : vector<16xi32>, vector<16xi32> -> vector<16xi32>
      %min3A_1350 = arith.minsi %masked_sort3A_1092, %rev3A_1349 : vector<16xi32>
      %masked_sort3A_1351 = arith.constant dense<true> : vector<16xi1>
      %masked_sort3A_1352 = arith.constant -2147483648 : i32
      %masked_sort3A_1353 = vector.broadcast %masked_sort3A_1352 : i32 to vector<16xi32>
      %masked_sort3A_1354 = arith.xori %min3A_1350, %masked_sort3A_1353 : vector<16xi32>
      %masked_sort3A_1355, %masked_sort3A_1356, %masked_sort3A_1357 = tpu.sort %masked_sort3A_1354, %min3A_1350 masked %masked_sort3A_1351 : (vector<16xi32>, vector<16xi32>, vector<16xi1>) -> (vector<16xi1>, vector<16xi32>, vector<16xi32>)
      %masked_sort3A_1358 = arith.xori %masked_sort3A_1356, %masked_sort3A_1353 : vector<16xi32>
      %rev3A_1359 = arith.constant 15 : i32
      %rev3A_1360 = vector.broadcast %rev3A_1359 : i32 to vector<16xi32>
      %rev3A_1361 = tpu.iota {dimensions = array<i32: 0>} : vector<16xi32>
      %rev3A_1362 = arith.subi %rev3A_1360, %rev3A_1361 : vector<16xi32>
      %rev3A_1363 = tpu.dynamic_gather %masked_sort3A_1134[%rev3A_1362] in [0] : vector<16xi32>, vector<16xi32> -> vector<16xi32>
      %min3A_1364 = arith.minsi %masked_sort3A_1120, %rev3A_1363 : vector<16xi32>
      %masked_sort3A_1365 = arith.constant dense<true> : vector<16xi1>
      %masked_sort3A_1366 = arith.constant -2147483648 : i32
      %masked_sort3A_1367 = vector.broadcast %masked_sort3A_1366 : i32 to vector<16xi32>
      %masked_sort3A_1368 = arith.xori %min3A_1364, %masked_sort3A_1367 : vector<16xi32>
      %masked_sort3A_1369, %masked_sort3A_1370, %masked_sort3A_1371 = tpu.sort %masked_sort3A_1368, %min3A_1364 masked %masked_sort3A_1365 : (vector<16xi32>, vector<16xi32>, vector<16xi1>) -> (vector<16xi1>, vector<16xi32>, vector<16xi32>)
      %masked_sort3A_1372 = arith.xori %masked_sort3A_1370, %masked_sort3A_1367 : vector<16xi32>
      %rev3A_1373 = arith.constant 15 : i32
      %rev3A_1374 = vector.broadcast %rev3A_1373 : i32 to vector<16xi32>
      %rev3A_1375 = tpu.iota {dimensions = array<i32: 0>} : vector<16xi32>
      %rev3A_1376 = arith.subi %rev3A_1374, %rev3A_1375 : vector<16xi32>
      %rev3A_1377 = tpu.dynamic_gather %masked_sort3A_1162[%rev3A_1376] in [0] : vector<16xi32>, vector<16xi32> -> vector<16xi32>
      %min3A_1378 = arith.minsi %masked_sort3A_1148, %rev3A_1377 : vector<16xi32>
      %masked_sort3A_1379 = arith.constant dense<true> : vector<16xi1>
      %masked_sort3A_1380 = arith.constant -2147483648 : i32
      %masked_sort3A_1381 = vector.broadcast %masked_sort3A_1380 : i32 to vector<16xi32>
      %masked_sort3A_1382 = arith.xori %min3A_1378, %masked_sort3A_1381 : vector<16xi32>
      %masked_sort3A_1383, %masked_sort3A_1384, %masked_sort3A_1385 = tpu.sort %masked_sort3A_1382, %min3A_1378 masked %masked_sort3A_1379 : (vector<16xi32>, vector<16xi32>, vector<16xi1>) -> (vector<16xi1>, vector<16xi32>, vector<16xi32>)
      %masked_sort3A_1386 = arith.xori %masked_sort3A_1384, %masked_sort3A_1381 : vector<16xi32>
      %rev3A_1387 = arith.constant 15 : i32
      %rev3A_1388 = vector.broadcast %rev3A_1387 : i32 to vector<16xi32>
      %rev3A_1389 = tpu.iota {dimensions = array<i32: 0>} : vector<16xi32>
      %rev3A_1390 = arith.subi %rev3A_1388, %rev3A_1389 : vector<16xi32>
      %rev3A_1391 = tpu.dynamic_gather %masked_sort3A_1190[%rev3A_1390] in [0] : vector<16xi32>, vector<16xi32> -> vector<16xi32>
      %min3A_1392 = arith.minsi %masked_sort3A_1176, %rev3A_1391 : vector<16xi32>
      %masked_sort3A_1393 = arith.constant dense<true> : vector<16xi1>
      %masked_sort3A_1394 = arith.constant -2147483648 : i32
      %masked_sort3A_1395 = vector.broadcast %masked_sort3A_1394 : i32 to vector<16xi32>
      %masked_sort3A_1396 = arith.xori %min3A_1392, %masked_sort3A_1395 : vector<16xi32>
      %masked_sort3A_1397, %masked_sort3A_1398, %masked_sort3A_1399 = tpu.sort %masked_sort3A_1396, %min3A_1392 masked %masked_sort3A_1393 : (vector<16xi32>, vector<16xi32>, vector<16xi1>) -> (vector<16xi1>, vector<16xi32>, vector<16xi32>)
      %masked_sort3A_1400 = arith.xori %masked_sort3A_1398, %masked_sort3A_1395 : vector<16xi32>
      %rev3A_1401 = arith.constant 15 : i32
      %rev3A_1402 = vector.broadcast %rev3A_1401 : i32 to vector<16xi32>
      %rev3A_1403 = tpu.iota {dimensions = array<i32: 0>} : vector<16xi32>
      %rev3A_1404 = arith.subi %rev3A_1402, %rev3A_1403 : vector<16xi32>
      %rev3A_1405 = tpu.dynamic_gather %masked_sort3A_1218[%rev3A_1404] in [0] : vector<16xi32>, vector<16xi32> -> vector<16xi32>
      %min3A_1406 = arith.minsi %masked_sort3A_1204, %rev3A_1405 : vector<16xi32>
      %masked_sort3A_1407 = arith.constant dense<true> : vector<16xi1>
      %masked_sort3A_1408 = arith.constant -2147483648 : i32
      %masked_sort3A_1409 = vector.broadcast %masked_sort3A_1408 : i32 to vector<16xi32>
      %masked_sort3A_1410 = arith.xori %min3A_1406, %masked_sort3A_1409 : vector<16xi32>
      %masked_sort3A_1411, %masked_sort3A_1412, %masked_sort3A_1413 = tpu.sort %masked_sort3A_1410, %min3A_1406 masked %masked_sort3A_1407 : (vector<16xi32>, vector<16xi32>, vector<16xi1>) -> (vector<16xi1>, vector<16xi32>, vector<16xi32>)
      %masked_sort3A_1414 = arith.xori %masked_sort3A_1412, %masked_sort3A_1409 : vector<16xi32>
      %rev3A_1415 = arith.constant 15 : i32
      %rev3A_1416 = vector.broadcast %rev3A_1415 : i32 to vector<16xi32>
      %rev3A_1417 = tpu.iota {dimensions = array<i32: 0>} : vector<16xi32>
      %rev3A_1418 = arith.subi %rev3A_1416, %rev3A_1417 : vector<16xi32>
      %rev3A_1419 = tpu.dynamic_gather %masked_sort3A_1246[%rev3A_1418] in [0] : vector<16xi32>, vector<16xi32> -> vector<16xi32>
      %min3A_1420 = arith.minsi %masked_sort3A_1232, %rev3A_1419 : vector<16xi32>
      %masked_sort3A_1421 = arith.constant dense<true> : vector<16xi1>
      %masked_sort3A_1422 = arith.constant -2147483648 : i32
      %masked_sort3A_1423 = vector.broadcast %masked_sort3A_1422 : i32 to vector<16xi32>
      %masked_sort3A_1424 = arith.xori %min3A_1420, %masked_sort3A_1423 : vector<16xi32>
      %masked_sort3A_1425, %masked_sort3A_1426, %masked_sort3A_1427 = tpu.sort %masked_sort3A_1424, %min3A_1420 masked %masked_sort3A_1421 : (vector<16xi32>, vector<16xi32>, vector<16xi1>) -> (vector<16xi1>, vector<16xi32>, vector<16xi32>)
      %masked_sort3A_1428 = arith.xori %masked_sort3A_1426, %masked_sort3A_1423 : vector<16xi32>
      %rev3A_1429 = arith.constant 15 : i32
      %rev3A_1430 = vector.broadcast %rev3A_1429 : i32 to vector<16xi32>
      %rev3A_1431 = tpu.iota {dimensions = array<i32: 0>} : vector<16xi32>
      %rev3A_1432 = arith.subi %rev3A_1430, %rev3A_1431 : vector<16xi32>
      %rev3A_1433 = tpu.dynamic_gather %masked_sort3A_1274[%rev3A_1432] in [0] : vector<16xi32>, vector<16xi32> -> vector<16xi32>
      %min3A_1434 = arith.minsi %masked_sort3A_1260, %rev3A_1433 : vector<16xi32>
      %masked_sort3A_1435 = arith.constant dense<true> : vector<16xi1>
      %masked_sort3A_1436 = arith.constant -2147483648 : i32
      %masked_sort3A_1437 = vector.broadcast %masked_sort3A_1436 : i32 to vector<16xi32>
      %masked_sort3A_1438 = arith.xori %min3A_1434, %masked_sort3A_1437 : vector<16xi32>
      %masked_sort3A_1439, %masked_sort3A_1440, %masked_sort3A_1441 = tpu.sort %masked_sort3A_1438, %min3A_1434 masked %masked_sort3A_1435 : (vector<16xi32>, vector<16xi32>, vector<16xi1>) -> (vector<16xi1>, vector<16xi32>, vector<16xi32>)
      %masked_sort3A_1442 = arith.xori %masked_sort3A_1440, %masked_sort3A_1437 : vector<16xi32>
      %rev3A_1443 = arith.constant 15 : i32
      %rev3A_1444 = vector.broadcast %rev3A_1443 : i32 to vector<16xi32>
      %rev3A_1445 = tpu.iota {dimensions = array<i32: 0>} : vector<16xi32>
      %rev3A_1446 = arith.subi %rev3A_1444, %rev3A_1445 : vector<16xi32>
      %rev3A_1447 = tpu.dynamic_gather %masked_sort3A_1302[%rev3A_1446] in [0] : vector<16xi32>, vector<16xi32> -> vector<16xi32>
      %min3A_1448 = arith.minsi %masked_sort3A_1288, %rev3A_1447 : vector<16xi32>
      %masked_sort3A_1449 = arith.constant dense<true> : vector<16xi1>
      %masked_sort3A_1450 = arith.constant -2147483648 : i32
      %masked_sort3A_1451 = vector.broadcast %masked_sort3A_1450 : i32 to vector<16xi32>
      %masked_sort3A_1452 = arith.xori %min3A_1448, %masked_sort3A_1451 : vector<16xi32>
      %masked_sort3A_1453, %masked_sort3A_1454, %masked_sort3A_1455 = tpu.sort %masked_sort3A_1452, %min3A_1448 masked %masked_sort3A_1449 : (vector<16xi32>, vector<16xi32>, vector<16xi1>) -> (vector<16xi1>, vector<16xi32>, vector<16xi32>)
      %masked_sort3A_1456 = arith.xori %masked_sort3A_1454, %masked_sort3A_1451 : vector<16xi32>
      %rev3A_1457 = arith.constant 15 : i32
      %rev3A_1458 = vector.broadcast %rev3A_1457 : i32 to vector<16xi32>
      %rev3A_1459 = tpu.iota {dimensions = array<i32: 0>} : vector<16xi32>
      %rev3A_1460 = arith.subi %rev3A_1458, %rev3A_1459 : vector<16xi32>
      %rev3A_1461 = tpu.dynamic_gather %masked_sort3A_1330[%rev3A_1460] in [0] : vector<16xi32>, vector<16xi32> -> vector<16xi32>
      %min3A_1462 = arith.minsi %masked_sort3A_1316, %rev3A_1461 : vector<16xi32>
      %masked_sort3A_1463 = arith.constant dense<true> : vector<16xi1>
      %masked_sort3A_1464 = arith.constant -2147483648 : i32
      %masked_sort3A_1465 = vector.broadcast %masked_sort3A_1464 : i32 to vector<16xi32>
      %masked_sort3A_1466 = arith.xori %min3A_1462, %masked_sort3A_1465 : vector<16xi32>
      %masked_sort3A_1467, %masked_sort3A_1468, %masked_sort3A_1469 = tpu.sort %masked_sort3A_1466, %min3A_1462 masked %masked_sort3A_1463 : (vector<16xi32>, vector<16xi32>, vector<16xi1>) -> (vector<16xi1>, vector<16xi32>, vector<16xi32>)
      %masked_sort3A_1470 = arith.xori %masked_sort3A_1468, %masked_sort3A_1465 : vector<16xi32>
      %rev3A_1471 = arith.constant 15 : i32
      %rev3A_1472 = vector.broadcast %rev3A_1471 : i32 to vector<16xi32>
      %rev3A_1473 = tpu.iota {dimensions = array<i32: 0>} : vector<16xi32>
      %rev3A_1474 = arith.subi %rev3A_1472, %rev3A_1473 : vector<16xi32>
      %rev3A_1475 = tpu.dynamic_gather %masked_sort3A_1358[%rev3A_1474] in [0] : vector<16xi32>, vector<16xi32> -> vector<16xi32>
      %min3A_1476 = arith.minsi %masked_sort3A_1344, %rev3A_1475 : vector<16xi32>
      %masked_sort3A_1477 = arith.constant dense<true> : vector<16xi1>
      %masked_sort3A_1478 = arith.constant -2147483648 : i32
      %masked_sort3A_1479 = vector.broadcast %masked_sort3A_1478 : i32 to vector<16xi32>
      %masked_sort3A_1480 = arith.xori %min3A_1476, %masked_sort3A_1479 : vector<16xi32>
      %masked_sort3A_1481, %masked_sort3A_1482, %masked_sort3A_1483 = tpu.sort %masked_sort3A_1480, %min3A_1476 masked %masked_sort3A_1477 : (vector<16xi32>, vector<16xi32>, vector<16xi1>) -> (vector<16xi1>, vector<16xi32>, vector<16xi32>)
      %masked_sort3A_1484 = arith.xori %masked_sort3A_1482, %masked_sort3A_1479 : vector<16xi32>
      %rev3A_1485 = arith.constant 15 : i32
      %rev3A_1486 = vector.broadcast %rev3A_1485 : i32 to vector<16xi32>
      %rev3A_1487 = tpu.iota {dimensions = array<i32: 0>} : vector<16xi32>
      %rev3A_1488 = arith.subi %rev3A_1486, %rev3A_1487 : vector<16xi32>
      %rev3A_1489 = tpu.dynamic_gather %masked_sort3A_1386[%rev3A_1488] in [0] : vector<16xi32>, vector<16xi32> -> vector<16xi32>
      %min3A_1490 = arith.minsi %masked_sort3A_1372, %rev3A_1489 : vector<16xi32>
      %masked_sort3A_1491 = arith.constant dense<true> : vector<16xi1>
      %masked_sort3A_1492 = arith.constant -2147483648 : i32
      %masked_sort3A_1493 = vector.broadcast %masked_sort3A_1492 : i32 to vector<16xi32>
      %masked_sort3A_1494 = arith.xori %min3A_1490, %masked_sort3A_1493 : vector<16xi32>
      %masked_sort3A_1495, %masked_sort3A_1496, %masked_sort3A_1497 = tpu.sort %masked_sort3A_1494, %min3A_1490 masked %masked_sort3A_1491 : (vector<16xi32>, vector<16xi32>, vector<16xi1>) -> (vector<16xi1>, vector<16xi32>, vector<16xi32>)
      %masked_sort3A_1498 = arith.xori %masked_sort3A_1496, %masked_sort3A_1493 : vector<16xi32>
      %rev3A_1499 = arith.constant 15 : i32
      %rev3A_1500 = vector.broadcast %rev3A_1499 : i32 to vector<16xi32>
      %rev3A_1501 = tpu.iota {dimensions = array<i32: 0>} : vector<16xi32>
      %rev3A_1502 = arith.subi %rev3A_1500, %rev3A_1501 : vector<16xi32>
      %rev3A_1503 = tpu.dynamic_gather %masked_sort3A_1414[%rev3A_1502] in [0] : vector<16xi32>, vector<16xi32> -> vector<16xi32>
      %min3A_1504 = arith.minsi %masked_sort3A_1400, %rev3A_1503 : vector<16xi32>
      %masked_sort3A_1505 = arith.constant dense<true> : vector<16xi1>
      %masked_sort3A_1506 = arith.constant -2147483648 : i32
      %masked_sort3A_1507 = vector.broadcast %masked_sort3A_1506 : i32 to vector<16xi32>
      %masked_sort3A_1508 = arith.xori %min3A_1504, %masked_sort3A_1507 : vector<16xi32>
      %masked_sort3A_1509, %masked_sort3A_1510, %masked_sort3A_1511 = tpu.sort %masked_sort3A_1508, %min3A_1504 masked %masked_sort3A_1505 : (vector<16xi32>, vector<16xi32>, vector<16xi1>) -> (vector<16xi1>, vector<16xi32>, vector<16xi32>)
      %masked_sort3A_1512 = arith.xori %masked_sort3A_1510, %masked_sort3A_1507 : vector<16xi32>
      %rev3A_1513 = arith.constant 15 : i32
      %rev3A_1514 = vector.broadcast %rev3A_1513 : i32 to vector<16xi32>
      %rev3A_1515 = tpu.iota {dimensions = array<i32: 0>} : vector<16xi32>
      %rev3A_1516 = arith.subi %rev3A_1514, %rev3A_1515 : vector<16xi32>
      %rev3A_1517 = tpu.dynamic_gather %masked_sort3A_1442[%rev3A_1516] in [0] : vector<16xi32>, vector<16xi32> -> vector<16xi32>
      %min3A_1518 = arith.minsi %masked_sort3A_1428, %rev3A_1517 : vector<16xi32>
      %masked_sort3A_1519 = arith.constant dense<true> : vector<16xi1>
      %masked_sort3A_1520 = arith.constant -2147483648 : i32
      %masked_sort3A_1521 = vector.broadcast %masked_sort3A_1520 : i32 to vector<16xi32>
      %masked_sort3A_1522 = arith.xori %min3A_1518, %masked_sort3A_1521 : vector<16xi32>
      %masked_sort3A_1523, %masked_sort3A_1524, %masked_sort3A_1525 = tpu.sort %masked_sort3A_1522, %min3A_1518 masked %masked_sort3A_1519 : (vector<16xi32>, vector<16xi32>, vector<16xi1>) -> (vector<16xi1>, vector<16xi32>, vector<16xi32>)
      %masked_sort3A_1526 = arith.xori %masked_sort3A_1524, %masked_sort3A_1521 : vector<16xi32>
      %rev3A_1527 = arith.constant 15 : i32
      %rev3A_1528 = vector.broadcast %rev3A_1527 : i32 to vector<16xi32>
      %rev3A_1529 = tpu.iota {dimensions = array<i32: 0>} : vector<16xi32>
      %rev3A_1530 = arith.subi %rev3A_1528, %rev3A_1529 : vector<16xi32>
      %rev3A_1531 = tpu.dynamic_gather %masked_sort3A_1470[%rev3A_1530] in [0] : vector<16xi32>, vector<16xi32> -> vector<16xi32>
      %min3A_1532 = arith.minsi %masked_sort3A_1456, %rev3A_1531 : vector<16xi32>
      %masked_sort3A_1533 = arith.constant dense<true> : vector<16xi1>
      %masked_sort3A_1534 = arith.constant -2147483648 : i32
      %masked_sort3A_1535 = vector.broadcast %masked_sort3A_1534 : i32 to vector<16xi32>
      %masked_sort3A_1536 = arith.xori %min3A_1532, %masked_sort3A_1535 : vector<16xi32>
      %masked_sort3A_1537, %masked_sort3A_1538, %masked_sort3A_1539 = tpu.sort %masked_sort3A_1536, %min3A_1532 masked %masked_sort3A_1533 : (vector<16xi32>, vector<16xi32>, vector<16xi1>) -> (vector<16xi1>, vector<16xi32>, vector<16xi32>)
      %masked_sort3A_1540 = arith.xori %masked_sort3A_1538, %masked_sort3A_1535 : vector<16xi32>
      %rev3A_1541 = arith.constant 15 : i32
      %rev3A_1542 = vector.broadcast %rev3A_1541 : i32 to vector<16xi32>
      %rev3A_1543 = tpu.iota {dimensions = array<i32: 0>} : vector<16xi32>
      %rev3A_1544 = arith.subi %rev3A_1542, %rev3A_1543 : vector<16xi32>
      %rev3A_1545 = tpu.dynamic_gather %masked_sort3A_1498[%rev3A_1544] in [0] : vector<16xi32>, vector<16xi32> -> vector<16xi32>
      %min3A_1546 = arith.minsi %masked_sort3A_1484, %rev3A_1545 : vector<16xi32>
      %masked_sort3A_1547 = arith.constant dense<true> : vector<16xi1>
      %masked_sort3A_1548 = arith.constant -2147483648 : i32
      %masked_sort3A_1549 = vector.broadcast %masked_sort3A_1548 : i32 to vector<16xi32>
      %masked_sort3A_1550 = arith.xori %min3A_1546, %masked_sort3A_1549 : vector<16xi32>
      %masked_sort3A_1551, %masked_sort3A_1552, %masked_sort3A_1553 = tpu.sort %masked_sort3A_1550, %min3A_1546 masked %masked_sort3A_1547 : (vector<16xi32>, vector<16xi32>, vector<16xi1>) -> (vector<16xi1>, vector<16xi32>, vector<16xi32>)
      %masked_sort3A_1554 = arith.xori %masked_sort3A_1552, %masked_sort3A_1549 : vector<16xi32>
      %rev3A_1555 = arith.constant 15 : i32
      %rev3A_1556 = vector.broadcast %rev3A_1555 : i32 to vector<16xi32>
      %rev3A_1557 = tpu.iota {dimensions = array<i32: 0>} : vector<16xi32>
      %rev3A_1558 = arith.subi %rev3A_1556, %rev3A_1557 : vector<16xi32>
      %rev3A_1559 = tpu.dynamic_gather %masked_sort3A_1526[%rev3A_1558] in [0] : vector<16xi32>, vector<16xi32> -> vector<16xi32>
      %min3A_1560 = arith.minsi %masked_sort3A_1512, %rev3A_1559 : vector<16xi32>
      %masked_sort3A_1561 = arith.constant dense<true> : vector<16xi1>
      %masked_sort3A_1562 = arith.constant -2147483648 : i32
      %masked_sort3A_1563 = vector.broadcast %masked_sort3A_1562 : i32 to vector<16xi32>
      %masked_sort3A_1564 = arith.xori %min3A_1560, %masked_sort3A_1563 : vector<16xi32>
      %masked_sort3A_1565, %masked_sort3A_1566, %masked_sort3A_1567 = tpu.sort %masked_sort3A_1564, %min3A_1560 masked %masked_sort3A_1561 : (vector<16xi32>, vector<16xi32>, vector<16xi1>) -> (vector<16xi1>, vector<16xi32>, vector<16xi32>)
      %masked_sort3A_1568 = arith.xori %masked_sort3A_1566, %masked_sort3A_1563 : vector<16xi32>
      %rev3A_1569 = arith.constant 15 : i32
      %rev3A_1570 = vector.broadcast %rev3A_1569 : i32 to vector<16xi32>
      %rev3A_1571 = tpu.iota {dimensions = array<i32: 0>} : vector<16xi32>
      %rev3A_1572 = arith.subi %rev3A_1570, %rev3A_1571 : vector<16xi32>
      %rev3A_1573 = tpu.dynamic_gather %masked_sort3A_1554[%rev3A_1572] in [0] : vector<16xi32>, vector<16xi32> -> vector<16xi32>
      %min3A_1574 = arith.minsi %masked_sort3A_1540, %rev3A_1573 : vector<16xi32>
      %masked_sort3A_1575 = arith.constant dense<true> : vector<16xi1>
      %masked_sort3A_1576 = arith.constant -2147483648 : i32
      %masked_sort3A_1577 = vector.broadcast %masked_sort3A_1576 : i32 to vector<16xi32>
      %masked_sort3A_1578 = arith.xori %min3A_1574, %masked_sort3A_1577 : vector<16xi32>
      %masked_sort3A_1579, %masked_sort3A_1580, %masked_sort3A_1581 = tpu.sort %masked_sort3A_1578, %min3A_1574 masked %masked_sort3A_1575 : (vector<16xi32>, vector<16xi32>, vector<16xi1>) -> (vector<16xi1>, vector<16xi32>, vector<16xi32>)
      %masked_sort3A_1582 = arith.xori %masked_sort3A_1580, %masked_sort3A_1577 : vector<16xi32>
      %rev3A_1583 = arith.constant 15 : i32
      %rev3A_1584 = vector.broadcast %rev3A_1583 : i32 to vector<16xi32>
      %rev3A_1585 = tpu.iota {dimensions = array<i32: 0>} : vector<16xi32>
      %rev3A_1586 = arith.subi %rev3A_1584, %rev3A_1585 : vector<16xi32>
      %rev3A_1587 = tpu.dynamic_gather %masked_sort3A_1582[%rev3A_1586] in [0] : vector<16xi32>, vector<16xi32> -> vector<16xi32>
      %min3A_1588 = arith.minsi %masked_sort3A_1568, %rev3A_1587 : vector<16xi32>
      %masked_sort3A_1589 = arith.constant dense<true> : vector<16xi1>
      %masked_sort3A_1590 = arith.constant -2147483648 : i32
      %masked_sort3A_1591 = vector.broadcast %masked_sort3A_1590 : i32 to vector<16xi32>
      %masked_sort3A_1592 = arith.xori %min3A_1588, %masked_sort3A_1591 : vector<16xi32>
      %masked_sort3A_1593, %masked_sort3A_1594, %masked_sort3A_1595 = tpu.sort %masked_sort3A_1592, %min3A_1588 masked %masked_sort3A_1589 : (vector<16xi32>, vector<16xi32>, vector<16xi1>) -> (vector<16xi1>, vector<16xi32>, vector<16xi32>)
      %masked_sort3A_1596 = arith.xori %masked_sort3A_1594, %masked_sort3A_1591 : vector<16xi32>
      %and3A = arith.constant 1023 : i32
      %and3A_1597 = vector.broadcast %and3A : i32 to vector<16xi32>
      %and3A_1598 = arith.andi %masked_sort3A_1596, %and3A_1597 : vector<16xi32>
      %swap3A = arith.index_cast %scan3A_14 : i32 to index
      %swap3A_1599 = arith.constant 0 : index
      %swap3A_1600 = tpu.vector_load %arg5[%swap3A, %swap3A_1599] {strides = array<i32>} : memref<32x1024xf32, #tpu.memory_space<vmem>>, vector<16xf32>,
      tpu.vector_store %arg5[%swap3A, %swap3A_1599], %broadcast_in_dim3A_8 {strides = array<i32>} : memref<32x1024xf32, #tpu.memory_space<vmem>>, vector<16xf32>,
      %swap3A_1601 = arith.index_cast %scan3A_14 : i32 to index
      %swap3A_1602 = arith.constant 16 : index
      %swap3A_1603 = tpu.vector_load %arg5[%swap3A_1601, %swap3A_1602] {strides = array<i32>} : memref<32x1024xf32, #tpu.memory_space<vmem>>, vector<16xf32>,
      tpu.vector_store %arg5[%swap3A_1601, %swap3A_1602], %broadcast_in_dim3A_8 {strides = array<i32>} : memref<32x1024xf32, #tpu.memory_space<vmem>>, vector<16xf32>,
      %swap3A_1604 = arith.index_cast %scan3A_14 : i32 to index
      %swap3A_1605 = arith.constant 32 : index
      %swap3A_1606 = tpu.vector_load %arg5[%swap3A_1604, %swap3A_1605] {strides = array<i32>} : memref<32x1024xf32, #tpu.memory_space<vmem>>, vector<16xf32>,
      tpu.vector_store %arg5[%swap3A_1604, %swap3A_1605], %broadcast_in_dim3A_8 {strides = array<i32>} : memref<32x1024xf32, #tpu.memory_space<vmem>>, vector<16xf32>,
      %swap3A_1607 = arith.index_cast %scan3A_14 : i32 to index
      %swap3A_1608 = arith.constant 48 : index
      %swap3A_1609 = tpu.vector_load %arg5[%swap3A_1607, %swap3A_1608] {strides = array<i32>} : memref<32x1024xf32, #tpu.memory_space<vmem>>, vector<16xf32>,
      tpu.vector_store %arg5[%swap3A_1607, %swap3A_1608], %broadcast_in_dim3A_8 {strides = array<i32>} : memref<32x1024xf32, #tpu.memory_space<vmem>>, vector<16xf32>,
      %swap3A_1610 = arith.index_cast %scan3A_14 : i32 to index
      %swap3A_1611 = arith.constant 64 : index
      %swap3A_1612 = tpu.vector_load %arg5[%swap3A_1610, %swap3A_1611] {strides = array<i32>} : memref<32x1024xf32, #tpu.memory_space<vmem>>, vector<16xf32>,
      tpu.vector_store %arg5[%swap3A_1610, %swap3A_1611], %broadcast_in_dim3A_8 {strides = array<i32>} : memref<32x1024xf32, #tpu.memory_space<vmem>>, vector<16xf32>,
      %swap3A_1613 = arith.index_cast %scan3A_14 : i32 to index
      %swap3A_1614 = arith.constant 80 : index
      %swap3A_1615 = tpu.vector_load %arg5[%swap3A_1613, %swap3A_1614] {strides = array<i32>} : memref<32x1024xf32, #tpu.memory_space<vmem>>, vector<16xf32>,
      tpu.vector_store %arg5[%swap3A_1613, %swap3A_1614], %broadcast_in_dim3A_8 {strides = array<i32>} : memref<32x1024xf32, #tpu.memory_space<vmem>>, vector<16xf32>,
      %swap3A_1616 = arith.index_cast %scan3A_14 : i32 to index
      %swap3A_1617 = arith.constant 96 : index
      %swap3A_1618 = tpu.vector_load %arg5[%swap3A_1616, %swap3A_1617] {strides = array<i32>} : memref<32x1024xf32, #tpu.memory_space<vmem>>, vector<16xf32>,
      tpu.vector_store %arg5[%swap3A_1616, %swap3A_1617], %broadcast_in_dim3A_8 {strides = array<i32>} : memref<32x1024xf32, #tpu.memory_space<vmem>>, vector<16xf32>,
      %swap3A_1619 = arith.index_cast %scan3A_14 : i32 to index
      %swap3A_1620 = arith.constant 112 : index
      %swap3A_1621 = tpu.vector_load %arg5[%swap3A_1619, %swap3A_1620] {strides = array<i32>} : memref<32x1024xf32, #tpu.memory_space<vmem>>, vector<16xf32>,
      tpu.vector_store %arg5[%swap3A_1619, %swap3A_1620], %broadcast_in_dim3A_8 {strides = array<i32>} : memref<32x1024xf32, #tpu.memory_space<vmem>>, vector<16xf32>,
      %swap3A_1622 = arith.index_cast %scan3A_14 : i32 to index
      %swap3A_1623 = arith.constant 128 : index
      %swap3A_1624 = tpu.vector_load %arg5[%swap3A_1622, %swap3A_1623] {strides = array<i32>} : memref<32x1024xf32, #tpu.memory_space<vmem>>, vector<16xf32>,
      tpu.vector_store %arg5[%swap3A_1622, %swap3A_1623], %broadcast_in_dim3A_8 {strides = array<i32>} : memref<32x1024xf32, #tpu.memory_space<vmem>>, vector<16xf32>,
      %swap3A_1625 = arith.index_cast %scan3A_14 : i32 to index
      %swap3A_1626 = arith.constant 144 : index
      %swap3A_1627 = tpu.vector_load %arg5[%swap3A_1625, %swap3A_1626] {strides = array<i32>} : memref<32x1024xf32, #tpu.memory_space<vmem>>, vector<16xf32>,
      tpu.vector_store %arg5[%swap3A_1625, %swap3A_1626], %broadcast_in_dim3A_8 {strides = array<i32>} : memref<32x1024xf32, #tpu.memory_space<vmem>>, vector<16xf32>,
      %swap3A_1628 = arith.index_cast %scan3A_14 : i32 to index
      %swap3A_1629 = arith.constant 160 : index
      %swap3A_1630 = tpu.vector_load %arg5[%swap3A_1628, %swap3A_1629] {strides = array<i32>} : memref<32x1024xf32, #tpu.memory_space<vmem>>, vector<16xf32>,
      tpu.vector_store %arg5[%swap3A_1628, %swap3A_1629], %broadcast_in_dim3A_8 {strides = array<i32>} : memref<32x1024xf32, #tpu.memory_space<vmem>>, vector<16xf32>,
      %swap3A_1631 = arith.index_cast %scan3A_14 : i32 to index
      %swap3A_1632 = arith.constant 176 : index
      %swap3A_1633 = tpu.vector_load %arg5[%swap3A_1631, %swap3A_1632] {strides = array<i32>} : memref<32x1024xf32, #tpu.memory_space<vmem>>, vector<16xf32>,
      tpu.vector_store %arg5[%swap3A_1631, %swap3A_1632], %broadcast_in_dim3A_8 {strides = array<i32>} : memref<32x1024xf32, #tpu.memory_space<vmem>>, vector<16xf32>,
      %swap3A_1634 = arith.index_cast %scan3A_14 : i32 to index
      %swap3A_1635 = arith.constant 192 : index
      %swap3A_1636 = tpu.vector_load %arg5[%swap3A_1634, %swap3A_1635] {strides = array<i32>} : memref<32x1024xf32, #tpu.memory_space<vmem>>, vector<16xf32>,
      tpu.vector_store %arg5[%swap3A_1634, %swap3A_1635], %broadcast_in_dim3A_8 {strides = array<i32>} : memref<32x1024xf32, #tpu.memory_space<vmem>>, vector<16xf32>,
      %swap3A_1637 = arith.index_cast %scan3A_14 : i32 to index
      %swap3A_1638 = arith.constant 208 : index
      %swap3A_1639 = tpu.vector_load %arg5[%swap3A_1637, %swap3A_1638] {strides = array<i32>} : memref<32x1024xf32, #tpu.memory_space<vmem>>, vector<16xf32>,
      tpu.vector_store %arg5[%swap3A_1637, %swap3A_1638], %broadcast_in_dim3A_8 {strides = array<i32>} : memref<32x1024xf32, #tpu.memory_space<vmem>>, vector<16xf32>,
      %swap3A_1640 = arith.index_cast %scan3A_14 : i32 to index
      %swap3A_1641 = arith.constant 224 : index
      %swap3A_1642 = tpu.vector_load %arg5[%swap3A_1640, %swap3A_1641] {strides = array<i32>} : memref<32x1024xf32, #tpu.memory_space<vmem>>, vector<16xf32>,
      tpu.vector_store %arg5[%swap3A_1640, %swap3A_1641], %broadcast_in_dim3A_8 {strides = array<i32>} : memref<32x1024xf32, #tpu.memory_space<vmem>>, vector<16xf32>,
      %swap3A_1643 = arith.index_cast %scan3A_14 : i32 to index
      %swap3A_1644 = arith.constant 240 : index
      %swap3A_1645 = tpu.vector_load %arg5[%swap3A_1643, %swap3A_1644] {strides = array<i32>} : memref<32x1024xf32, #tpu.memory_space<vmem>>, vector<16xf32>,
      tpu.vector_store %arg5[%swap3A_1643, %swap3A_1644], %broadcast_in_dim3A_8 {strides = array<i32>} : memref<32x1024xf32, #tpu.memory_space<vmem>>, vector<16xf32>,
      %swap3A_1646 = arith.index_cast %scan3A_14 : i32 to index
      %swap3A_1647 = arith.constant 256 : index
      %swap3A_1648 = tpu.vector_load %arg5[%swap3A_1646, %swap3A_1647] {strides = array<i32>} : memref<32x1024xf32, #tpu.memory_space<vmem>>, vector<16xf32>,
      tpu.vector_store %arg5[%swap3A_1646, %swap3A_1647], %broadcast_in_dim3A_8 {strides = array<i32>} : memref<32x1024xf32, #tpu.memory_space<vmem>>, vector<16xf32>,
      %swap3A_1649 = arith.index_cast %scan3A_14 : i32 to index
      %swap3A_1650 = arith.constant 272 : index
      %swap3A_1651 = tpu.vector_load %arg5[%swap3A_1649, %swap3A_1650] {strides = array<i32>} : memref<32x1024xf32, #tpu.memory_space<vmem>>, vector<16xf32>,
      tpu.vector_store %arg5[%swap3A_1649, %swap3A_1650], %broadcast_in_dim3A_8 {strides = array<i32>} : memref<32x1024xf32, #tpu.memory_space<vmem>>, vector<16xf32>,
      %swap3A_1652 = arith.index_cast %scan3A_14 : i32 to index
      %swap3A_1653 = arith.constant 288 : index
      %swap3A_1654 = tpu.vector_load %arg5[%swap3A_1652, %swap3A_1653] {strides = array<i32>} : memref<32x1024xf32, #tpu.memory_space<vmem>>, vector<16xf32>,
      tpu.vector_store %arg5[%swap3A_1652, %swap3A_1653], %broadcast_in_dim3A_8 {strides = array<i32>} : memref<32x1024xf32, #tpu.memory_space<vmem>>, vector<16xf32>,
      %swap3A_1655 = arith.index_cast %scan3A_14 : i32 to index
      %swap3A_1656 = arith.constant 304 : index
      %swap3A_1657 = tpu.vector_load %arg5[%swap3A_1655, %swap3A_1656] {strides = array<i32>} : memref<32x1024xf32, #tpu.memory_space<vmem>>, vector<16xf32>,
      tpu.vector_store %arg5[%swap3A_1655, %swap3A_1656], %broadcast_in_dim3A_8 {strides = array<i32>} : memref<32x1024xf32, #tpu.memory_space<vmem>>, vector<16xf32>,
      %swap3A_1658 = arith.index_cast %scan3A_14 : i32 to index
      %swap3A_1659 = arith.constant 320 : index
      %swap3A_1660 = tpu.vector_load %arg5[%swap3A_1658, %swap3A_1659] {strides = array<i32>} : memref<32x1024xf32, #tpu.memory_space<vmem>>, vector<16xf32>,
      tpu.vector_store %arg5[%swap3A_1658, %swap3A_1659], %broadcast_in_dim3A_8 {strides = array<i32>} : memref<32x1024xf32, #tpu.memory_space<vmem>>, vector<16xf32>,
      %swap3A_1661 = arith.index_cast %scan3A_14 : i32 to index
      %swap3A_1662 = arith.constant 336 : index
      %swap3A_1663 = tpu.vector_load %arg5[%swap3A_1661, %swap3A_1662] {strides = array<i32>} : memref<32x1024xf32, #tpu.memory_space<vmem>>, vector<16xf32>,
      tpu.vector_store %arg5[%swap3A_1661, %swap3A_1662], %broadcast_in_dim3A_8 {strides = array<i32>} : memref<32x1024xf32, #tpu.memory_space<vmem>>, vector<16xf32>,
      %swap3A_1664 = arith.index_cast %scan3A_14 : i32 to index
      %swap3A_1665 = arith.constant 352 : index
      %swap3A_1666 = tpu.vector_load %arg5[%swap3A_1664, %swap3A_1665] {strides = array<i32>} : memref<32x1024xf32, #tpu.memory_space<vmem>>, vector<16xf32>,
      tpu.vector_store %arg5[%swap3A_1664, %swap3A_1665], %broadcast_in_dim3A_8 {strides = array<i32>} : memref<32x1024xf32, #tpu.memory_space<vmem>>, vector<16xf32>,
      %swap3A_1667 = arith.index_cast %scan3A_14 : i32 to index
      %swap3A_1668 = arith.constant 368 : index
      %swap3A_1669 = tpu.vector_load %arg5[%swap3A_1667, %swap3A_1668] {strides = array<i32>} : memref<32x1024xf32, #tpu.memory_space<vmem>>, vector<16xf32>,
      tpu.vector_store %arg5[%swap3A_1667, %swap3A_1668], %broadcast_in_dim3A_8 {strides = array<i32>} : memref<32x1024xf32, #tpu.memory_space<vmem>>, vector<16xf32>,
      %swap3A_1670 = arith.index_cast %scan3A_14 : i32 to index
      %swap3A_1671 = arith.constant 384 : index
      %swap3A_1672 = tpu.vector_load %arg5[%swap3A_1670, %swap3A_1671] {strides = array<i32>} : memref<32x1024xf32, #tpu.memory_space<vmem>>, vector<16xf32>,
      tpu.vector_store %arg5[%swap3A_1670, %swap3A_1671], %broadcast_in_dim3A_8 {strides = array<i32>} : memref<32x1024xf32, #tpu.memory_space<vmem>>, vector<16xf32>,
      %swap3A_1673 = arith.index_cast %scan3A_14 : i32 to index
      %swap3A_1674 = arith.constant 400 : index
      %swap3A_1675 = tpu.vector_load %arg5[%swap3A_1673, %swap3A_1674] {strides = array<i32>} : memref<32x1024xf32, #tpu.memory_space<vmem>>, vector<16xf32>,
      tpu.vector_store %arg5[%swap3A_1673, %swap3A_1674], %broadcast_in_dim3A_8 {strides = array<i32>} : memref<32x1024xf32, #tpu.memory_space<vmem>>, vector<16xf32>,
      %swap3A_1676 = arith.index_cast %scan3A_14 : i32 to index
      %swap3A_1677 = arith.constant 416 : index
      %swap3A_1678 = tpu.vector_load %arg5[%swap3A_1676, %swap3A_1677] {strides = array<i32>} : memref<32x1024xf32, #tpu.memory_space<vmem>>, vector<16xf32>,
      tpu.vector_store %arg5[%swap3A_1676, %swap3A_1677], %broadcast_in_dim3A_8 {strides = array<i32>} : memref<32x1024xf32, #tpu.memory_space<vmem>>, vector<16xf32>,
      %swap3A_1679 = arith.index_cast %scan3A_14 : i32 to index
      %swap3A_1680 = arith.constant 432 : index
      %swap3A_1681 = tpu.vector_load %arg5[%swap3A_1679, %swap3A_1680] {strides = array<i32>} : memref<32x1024xf32, #tpu.memory_space<vmem>>, vector<16xf32>,
      tpu.vector_store %arg5[%swap3A_1679, %swap3A_1680], %broadcast_in_dim3A_8 {strides = array<i32>} : memref<32x1024xf32, #tpu.memory_space<vmem>>, vector<16xf32>,
      %swap3A_1682 = arith.index_cast %scan3A_14 : i32 to index
      %swap3A_1683 = arith.constant 448 : index
      %swap3A_1684 = tpu.vector_load %arg5[%swap3A_1682, %swap3A_1683] {strides = array<i32>} : memref<32x1024xf32, #tpu.memory_space<vmem>>, vector<16xf32>,
      tpu.vector_store %arg5[%swap3A_1682, %swap3A_1683], %broadcast_in_dim3A_8 {strides = array<i32>} : memref<32x1024xf32, #tpu.memory_space<vmem>>, vector<16xf32>,
      %swap3A_1685 = arith.index_cast %scan3A_14 : i32 to index
      %swap3A_1686 = arith.constant 464 : index
      %swap3A_1687 = tpu.vector_load %arg5[%swap3A_1685, %swap3A_1686] {strides = array<i32>} : memref<32x1024xf32, #tpu.memory_space<vmem>>, vector<16xf32>,
      tpu.vector_store %arg5[%swap3A_1685, %swap3A_1686], %broadcast_in_dim3A_8 {strides = array<i32>} : memref<32x1024xf32, #tpu.memory_space<vmem>>, vector<16xf32>,
      %swap3A_1688 = arith.index_cast %scan3A_14 : i32 to index
      %swap3A_1689 = arith.constant 480 : index
      %swap3A_1690 = tpu.vector_load %arg5[%swap3A_1688, %swap3A_1689] {strides = array<i32>} : memref<32x1024xf32, #tpu.memory_space<vmem>>, vector<16xf32>,
      tpu.vector_store %arg5[%swap3A_1688, %swap3A_1689], %broadcast_in_dim3A_8 {strides = array<i32>} : memref<32x1024xf32, #tpu.memory_space<vmem>>, vector<16xf32>,
      %swap3A_1691 = arith.index_cast %scan3A_14 : i32 to index
      %swap3A_1692 = arith.constant 496 : index
      %swap3A_1693 = tpu.vector_load %arg5[%swap3A_1691, %swap3A_1692] {strides = array<i32>} : memref<32x1024xf32, #tpu.memory_space<vmem>>, vector<16xf32>,
      tpu.vector_store %arg5[%swap3A_1691, %swap3A_1692], %broadcast_in_dim3A_8 {strides = array<i32>} : memref<32x1024xf32, #tpu.memory_space<vmem>>, vector<16xf32>,
      %swap3A_1694 = arith.index_cast %scan3A_14 : i32 to index
      %swap3A_1695 = arith.constant 512 : index
      %swap3A_1696 = tpu.vector_load %arg5[%swap3A_1694, %swap3A_1695] {strides = array<i32>} : memref<32x1024xf32, #tpu.memory_space<vmem>>, vector<16xf32>,
      tpu.vector_store %arg5[%swap3A_1694, %swap3A_1695], %broadcast_in_dim3A_8 {strides = array<i32>} : memref<32x1024xf32, #tpu.memory_space<vmem>>, vector<16xf32>,
      %swap3A_1697 = arith.index_cast %scan3A_14 : i32 to index
      %swap3A_1698 = arith.constant 528 : index
      %swap3A_1699 = tpu.vector_load %arg5[%swap3A_1697, %swap3A_1698] {strides = array<i32>} : memref<32x1024xf32, #tpu.memory_space<vmem>>, vector<16xf32>,
      tpu.vector_store %arg5[%swap3A_1697, %swap3A_1698], %broadcast_in_dim3A_8 {strides = array<i32>} : memref<32x1024xf32, #tpu.memory_space<vmem>>, vector<16xf32>,
      %swap3A_1700 = arith.index_cast %scan3A_14 : i32 to index
      %swap3A_1701 = arith.constant 544 : index
      %swap3A_1702 = tpu.vector_load %arg5[%swap3A_1700, %swap3A_1701] {strides = array<i32>} : memref<32x1024xf32, #tpu.memory_space<vmem>>, vector<16xf32>,
      tpu.vector_store %arg5[%swap3A_1700, %swap3A_1701], %broadcast_in_dim3A_8 {strides = array<i32>} : memref<32x1024xf32, #tpu.memory_space<vmem>>, vector<16xf32>,
      %swap3A_1703 = arith.index_cast %scan3A_14 : i32 to index
      %swap3A_1704 = arith.constant 560 : index
      %swap3A_1705 = tpu.vector_load %arg5[%swap3A_1703, %swap3A_1704] {strides = array<i32>} : memref<32x1024xf32, #tpu.memory_space<vmem>>, vector<16xf32>,
      tpu.vector_store %arg5[%swap3A_1703, %swap3A_1704], %broadcast_in_dim3A_8 {strides = array<i32>} : memref<32x1024xf32, #tpu.memory_space<vmem>>, vector<16xf32>,
      %swap3A_1706 = arith.index_cast %scan3A_14 : i32 to index
      %swap3A_1707 = arith.constant 576 : index
      %swap3A_1708 = tpu.vector_load %arg5[%swap3A_1706, %swap3A_1707] {strides = array<i32>} : memref<32x1024xf32, #tpu.memory_space<vmem>>, vector<16xf32>,
      tpu.vector_store %arg5[%swap3A_1706, %swap3A_1707], %broadcast_in_dim3A_8 {strides = array<i32>} : memref<32x1024xf32, #tpu.memory_space<vmem>>, vector<16xf32>,
      %swap3A_1709 = arith.index_cast %scan3A_14 : i32 to index
      %swap3A_1710 = arith.constant 592 : index
      %swap3A_1711 = tpu.vector_load %arg5[%swap3A_1709, %swap3A_1710] {strides = array<i32>} : memref<32x1024xf32, #tpu.memory_space<vmem>>, vector<16xf32>,
      tpu.vector_store %arg5[%swap3A_1709, %swap3A_1710], %broadcast_in_dim3A_8 {strides = array<i32>} : memref<32x1024xf32, #tpu.memory_space<vmem>>, vector<16xf32>,
      %swap3A_1712 = arith.index_cast %scan3A_14 : i32 to index
      %swap3A_1713 = arith.constant 608 : index
      %swap3A_1714 = tpu.vector_load %arg5[%swap3A_1712, %swap3A_1713] {strides = array<i32>} : memref<32x1024xf32, #tpu.memory_space<vmem>>, vector<16xf32>,
      tpu.vector_store %arg5[%swap3A_1712, %swap3A_1713], %broadcast_in_dim3A_8 {strides = array<i32>} : memref<32x1024xf32, #tpu.memory_space<vmem>>, vector<16xf32>,
      %swap3A_1715 = arith.index_cast %scan3A_14 : i32 to index
      %swap3A_1716 = arith.constant 624 : index
      %swap3A_1717 = tpu.vector_load %arg5[%swap3A_1715, %swap3A_1716] {strides = array<i32>} : memref<32x1024xf32, #tpu.memory_space<vmem>>, vector<16xf32>,
      tpu.vector_store %arg5[%swap3A_1715, %swap3A_1716], %broadcast_in_dim3A_8 {strides = array<i32>} : memref<32x1024xf32, #tpu.memory_space<vmem>>, vector<16xf32>,
      %swap3A_1718 = arith.index_cast %scan3A_14 : i32 to index
      %swap3A_1719 = arith.constant 640 : index
      %swap3A_1720 = tpu.vector_load %arg5[%swap3A_1718, %swap3A_1719] {strides = array<i32>} : memref<32x1024xf32, #tpu.memory_space<vmem>>, vector<16xf32>,
      tpu.vector_store %arg5[%swap3A_1718, %swap3A_1719], %broadcast_in_dim3A_8 {strides = array<i32>} : memref<32x1024xf32, #tpu.memory_space<vmem>>, vector<16xf32>,
      %swap3A_1721 = arith.index_cast %scan3A_14 : i32 to index
      %swap3A_1722 = arith.constant 656 : index
      %swap3A_1723 = tpu.vector_load %arg5[%swap3A_1721, %swap3A_1722] {strides = array<i32>} : memref<32x1024xf32, #tpu.memory_space<vmem>>, vector<16xf32>,
      tpu.vector_store %arg5[%swap3A_1721, %swap3A_1722], %broadcast_in_dim3A_8 {strides = array<i32>} : memref<32x1024xf32, #tpu.memory_space<vmem>>, vector<16xf32>,
      %swap3A_1724 = arith.index_cast %scan3A_14 : i32 to index
      %swap3A_1725 = arith.constant 672 : index
      %swap3A_1726 = tpu.vector_load %arg5[%swap3A_1724, %swap3A_1725] {strides = array<i32>} : memref<32x1024xf32, #tpu.memory_space<vmem>>, vector<16xf32>,
      tpu.vector_store %arg5[%swap3A_1724, %swap3A_1725], %broadcast_in_dim3A_8 {strides = array<i32>} : memref<32x1024xf32, #tpu.memory_space<vmem>>, vector<16xf32>,
      %swap3A_1727 = arith.index_cast %scan3A_14 : i32 to index
      %swap3A_1728 = arith.constant 688 : index
      %swap3A_1729 = tpu.vector_load %arg5[%swap3A_1727, %swap3A_1728] {strides = array<i32>} : memref<32x1024xf32, #tpu.memory_space<vmem>>, vector<16xf32>,
      tpu.vector_store %arg5[%swap3A_1727, %swap3A_1728], %broadcast_in_dim3A_8 {strides = array<i32>} : memref<32x1024xf32, #tpu.memory_space<vmem>>, vector<16xf32>,
      %swap3A_1730 = arith.index_cast %scan3A_14 : i32 to index
      %swap3A_1731 = arith.constant 704 : index
      %swap3A_1732 = tpu.vector_load %arg5[%swap3A_1730, %swap3A_1731] {strides = array<i32>} : memref<32x1024xf32, #tpu.memory_space<vmem>>, vector<16xf32>,
      tpu.vector_store %arg5[%swap3A_1730, %swap3A_1731], %broadcast_in_dim3A_8 {strides = array<i32>} : memref<32x1024xf32, #tpu.memory_space<vmem>>, vector<16xf32>,
      %swap3A_1733 = arith.index_cast %scan3A_14 : i32 to index
      %swap3A_1734 = arith.constant 720 : index
      %swap3A_1735 = tpu.vector_load %arg5[%swap3A_1733, %swap3A_1734] {strides = array<i32>} : memref<32x1024xf32, #tpu.memory_space<vmem>>, vector<16xf32>,
      tpu.vector_store %arg5[%swap3A_1733, %swap3A_1734], %broadcast_in_dim3A_8 {strides = array<i32>} : memref<32x1024xf32, #tpu.memory_space<vmem>>, vector<16xf32>,
      %swap3A_1736 = arith.index_cast %scan3A_14 : i32 to index
      %swap3A_1737 = arith.constant 736 : index
      %swap3A_1738 = tpu.vector_load %arg5[%swap3A_1736, %swap3A_1737] {strides = array<i32>} : memref<32x1024xf32, #tpu.memory_space<vmem>>, vector<16xf32>,
      tpu.vector_store %arg5[%swap3A_1736, %swap3A_1737], %broadcast_in_dim3A_8 {strides = array<i32>} : memref<32x1024xf32, #tpu.memory_space<vmem>>, vector<16xf32>,
      %swap3A_1739 = arith.index_cast %scan3A_14 : i32 to index
      %swap3A_1740 = arith.constant 752 : index
      %swap3A_1741 = tpu.vector_load %arg5[%swap3A_1739, %swap3A_1740] {strides = array<i32>} : memref<32x1024xf32, #tpu.memory_space<vmem>>, vector<16xf32>,
      tpu.vector_store %arg5[%swap3A_1739, %swap3A_1740], %broadcast_in_dim3A_8 {strides = array<i32>} : memref<32x1024xf32, #tpu.memory_space<vmem>>, vector<16xf32>,
      %swap3A_1742 = arith.index_cast %scan3A_14 : i32 to index
      %swap3A_1743 = arith.constant 768 : index
      %swap3A_1744 = tpu.vector_load %arg5[%swap3A_1742, %swap3A_1743] {strides = array<i32>} : memref<32x1024xf32, #tpu.memory_space<vmem>>, vector<16xf32>,
      tpu.vector_store %arg5[%swap3A_1742, %swap3A_1743], %broadcast_in_dim3A_8 {strides = array<i32>} : memref<32x1024xf32, #tpu.memory_space<vmem>>, vector<16xf32>,
      %swap3A_1745 = arith.index_cast %scan3A_14 : i32 to index
      %swap3A_1746 = arith.constant 784 : index
      %swap3A_1747 = tpu.vector_load %arg5[%swap3A_1745, %swap3A_1746] {strides = array<i32>} : memref<32x1024xf32, #tpu.memory_space<vmem>>, vector<16xf32>,
      tpu.vector_store %arg5[%swap3A_1745, %swap3A_1746], %broadcast_in_dim3A_8 {strides = array<i32>} : memref<32x1024xf32, #tpu.memory_space<vmem>>, vector<16xf32>,
      %swap3A_1748 = arith.index_cast %scan3A_14 : i32 to index
      %swap3A_1749 = arith.constant 800 : index
      %swap3A_1750 = tpu.vector_load %arg5[%swap3A_1748, %swap3A_1749] {strides = array<i32>} : memref<32x1024xf32, #tpu.memory_space<vmem>>, vector<16xf32>,
      tpu.vector_store %arg5[%swap3A_1748, %swap3A_1749], %broadcast_in_dim3A_8 {strides = array<i32>} : memref<32x1024xf32, #tpu.memory_space<vmem>>, vector<16xf32>,
      %swap3A_1751 = arith.index_cast %scan3A_14 : i32 to index
      %swap3A_1752 = arith.constant 816 : index
      %swap3A_1753 = tpu.vector_load %arg5[%swap3A_1751, %swap3A_1752] {strides = array<i32>} : memref<32x1024xf32, #tpu.memory_space<vmem>>, vector<16xf32>,
      tpu.vector_store %arg5[%swap3A_1751, %swap3A_1752], %broadcast_in_dim3A_8 {strides = array<i32>} : memref<32x1024xf32, #tpu.memory_space<vmem>>, vector<16xf32>,
      %swap3A_1754 = arith.index_cast %scan3A_14 : i32 to index
      %swap3A_1755 = arith.constant 832 : index
      %swap3A_1756 = tpu.vector_load %arg5[%swap3A_1754, %swap3A_1755] {strides = array<i32>} : memref<32x1024xf32, #tpu.memory_space<vmem>>, vector<16xf32>,
      tpu.vector_store %arg5[%swap3A_1754, %swap3A_1755], %broadcast_in_dim3A_8 {strides = array<i32>} : memref<32x1024xf32, #tpu.memory_space<vmem>>, vector<16xf32>,
      %swap3A_1757 = arith.index_cast %scan3A_14 : i32 to index
      %swap3A_1758 = arith.constant 848 : index
      %swap3A_1759 = tpu.vector_load %arg5[%swap3A_1757, %swap3A_1758] {strides = array<i32>} : memref<32x1024xf32, #tpu.memory_space<vmem>>, vector<16xf32>,
      tpu.vector_store %arg5[%swap3A_1757, %swap3A_1758], %broadcast_in_dim3A_8 {strides = array<i32>} : memref<32x1024xf32, #tpu.memory_space<vmem>>, vector<16xf32>,
      %swap3A_1760 = arith.index_cast %scan3A_14 : i32 to index
      %swap3A_1761 = arith.constant 864 : index
      %swap3A_1762 = tpu.vector_load %arg5[%swap3A_1760, %swap3A_1761] {strides = array<i32>} : memref<32x1024xf32, #tpu.memory_space<vmem>>, vector<16xf32>,
      tpu.vector_store %arg5[%swap3A_1760, %swap3A_1761], %broadcast_in_dim3A_8 {strides = array<i32>} : memref<32x1024xf32, #tpu.memory_space<vmem>>, vector<16xf32>,
      %swap3A_1763 = arith.index_cast %scan3A_14 : i32 to index
      %swap3A_1764 = arith.constant 880 : index
      %swap3A_1765 = tpu.vector_load %arg5[%swap3A_1763, %swap3A_1764] {strides = array<i32>} : memref<32x1024xf32, #tpu.memory_space<vmem>>, vector<16xf32>,
      tpu.vector_store %arg5[%swap3A_1763, %swap3A_1764], %broadcast_in_dim3A_8 {strides = array<i32>} : memref<32x1024xf32, #tpu.memory_space<vmem>>, vector<16xf32>,
      %swap3A_1766 = arith.index_cast %scan3A_14 : i32 to index
      %swap3A_1767 = arith.constant 896 : index
      %swap3A_1768 = tpu.vector_load %arg5[%swap3A_1766, %swap3A_1767] {strides = array<i32>} : memref<32x1024xf32, #tpu.memory_space<vmem>>, vector<16xf32>,
      tpu.vector_store %arg5[%swap3A_1766, %swap3A_1767], %broadcast_in_dim3A_8 {strides = array<i32>} : memref<32x1024xf32, #tpu.memory_space<vmem>>, vector<16xf32>,
      %swap3A_1769 = arith.index_cast %scan3A_14 : i32 to index
      %swap3A_1770 = arith.constant 912 : index
      %swap3A_1771 = tpu.vector_load %arg5[%swap3A_1769, %swap3A_1770] {strides = array<i32>} : memref<32x1024xf32, #tpu.memory_space<vmem>>, vector<16xf32>,
      tpu.vector_store %arg5[%swap3A_1769, %swap3A_1770], %broadcast_in_dim3A_8 {strides = array<i32>} : memref<32x1024xf32, #tpu.memory_space<vmem>>, vector<16xf32>,
      %swap3A_1772 = arith.index_cast %scan3A_14 : i32 to index
      %swap3A_1773 = arith.constant 928 : index
      %swap3A_1774 = tpu.vector_load %arg5[%swap3A_1772, %swap3A_1773] {strides = array<i32>} : memref<32x1024xf32, #tpu.memory_space<vmem>>, vector<16xf32>,
      tpu.vector_store %arg5[%swap3A_1772, %swap3A_1773], %broadcast_in_dim3A_8 {strides = array<i32>} : memref<32x1024xf32, #tpu.memory_space<vmem>>, vector<16xf32>,
      %swap3A_1775 = arith.index_cast %scan3A_14 : i32 to index
      %swap3A_1776 = arith.constant 944 : index
      %swap3A_1777 = tpu.vector_load %arg5[%swap3A_1775, %swap3A_1776] {strides = array<i32>} : memref<32x1024xf32, #tpu.memory_space<vmem>>, vector<16xf32>,
      tpu.vector_store %arg5[%swap3A_1775, %swap3A_1776], %broadcast_in_dim3A_8 {strides = array<i32>} : memref<32x1024xf32, #tpu.memory_space<vmem>>, vector<16xf32>,
      %swap3A_1778 = arith.index_cast %scan3A_14 : i32 to index
      %swap3A_1779 = arith.constant 960 : index
      %swap3A_1780 = tpu.vector_load %arg5[%swap3A_1778, %swap3A_1779] {strides = array<i32>} : memref<32x1024xf32, #tpu.memory_space<vmem>>, vector<16xf32>,
      tpu.vector_store %arg5[%swap3A_1778, %swap3A_1779], %broadcast_in_dim3A_8 {strides = array<i32>} : memref<32x1024xf32, #tpu.memory_space<vmem>>, vector<16xf32>,
      %swap3A_1781 = arith.index_cast %scan3A_14 : i32 to index
      %swap3A_1782 = arith.constant 976 : index
      %swap3A_1783 = tpu.vector_load %arg5[%swap3A_1781, %swap3A_1782] {strides = array<i32>} : memref<32x1024xf32, #tpu.memory_space<vmem>>, vector<16xf32>,
      tpu.vector_store %arg5[%swap3A_1781, %swap3A_1782], %broadcast_in_dim3A_8 {strides = array<i32>} : memref<32x1024xf32, #tpu.memory_space<vmem>>, vector<16xf32>,
      %swap3A_1784 = arith.index_cast %scan3A_14 : i32 to index
      %swap3A_1785 = arith.constant 992 : index
      %swap3A_1786 = tpu.vector_load %arg5[%swap3A_1784, %swap3A_1785] {strides = array<i32>} : memref<32x1024xf32, #tpu.memory_space<vmem>>, vector<16xf32>,
      tpu.vector_store %arg5[%swap3A_1784, %swap3A_1785], %broadcast_in_dim3A_8 {strides = array<i32>} : memref<32x1024xf32, #tpu.memory_space<vmem>>, vector<16xf32>,
      %swap3A_1787 = arith.index_cast %scan3A_14 : i32 to index
      %swap3A_1788 = arith.constant 1008 : index
      %swap3A_1789 = tpu.vector_load %arg5[%swap3A_1787, %swap3A_1788] {strides = array<i32>} : memref<32x1024xf32, #tpu.memory_space<vmem>>, vector<16xf32>,
      tpu.vector_store %arg5[%swap3A_1787, %swap3A_1788], %broadcast_in_dim3A_8 {strides = array<i32>} : memref<32x1024xf32, #tpu.memory_space<vmem>>, vector<16xf32>,
      %mul3A_1790 = arith.constant 0 : i32
      %mul3A_1791 = vector.broadcast %mul3A_1790 : i32 to vector<16xi32>
      %mul3A_1792 = arith.muli %iota3A, %mul3A_1791 : vector<16xi32>
      %add3A_1793 = vector.broadcast %scan3A_14 : i32 to vector<16xi32>
      %add3A_1794 = arith.addi %mul3A_1792, %add3A_1793 : vector<16xi32>
      tpu.vector_store_idx %arg5[%add3A_1794, %and3A_1598], %convert_element_type3A masked %lt3A_7 : memref<32x1024xf32, #tpu.memory_space<vmem>>[vector<16xi32>, vector<16xi32>], vector<16xf32>, vector<16xi1>
    }
    %scan3A_13 = arith.constant 32 : i32
    "tpu.region"() ({
      %run_scoped3A = tpu.sem_alloc : memref<!tpu.dma_semaphore, #tpu.memory_space<semaphore_mem>>
      %dma_start3A = arith.constant 0 : i32
      %dma_start3A_14 = tpu.memref_slice %arg3[%mul3A_2, %dma_start3A] : memref<1024x1024xf32, #tpu.memory_space<hbm>> -> memref<32x1024xf32, #tpu.memory_space<hbm>>
      %dma_start3A_15 = arith.constant 0 : i32
      %dma_start3A_16 = tpu.memref_slice %arg3[%mul3A_2, %dma_start3A_15] : memref<1024x1024xf32, #tpu.memory_space<hbm>> -> memref<32x1024xf32, #tpu.memory_space<hbm>>
      tpu.enqueue_dma source(%arg5 : memref<32x1024xf32, #tpu.memory_space<vmem>>) target(%dma_start3A_16 : memref<32x1024xf32, #tpu.memory_space<hbm>>) target_semaphore(%run_scoped3A : memref<!tpu.dma_semaphore, #tpu.memory_space<semaphore_mem>>)
      %dma_wait3A = arith.constant 0 : i32
      %dma_wait3A_17 = tpu.memref_slice %arg3[%mul3A_2, %dma_wait3A] : memref<1024x1024xf32, #tpu.memory_space<hbm>> -> memref<32x1024xf32, #tpu.memory_space<hbm>>
      %dma_wait3A_18 = arith.constant 0 : i32
      %dma_wait3A_19 = tpu.memref_slice %arg3[%mul3A_2, %dma_wait3A_18] : memref<1024x1024xf32, #tpu.memory_space<hbm>> -> memref<32x1024xf32, #tpu.memory_space<hbm>>
      tpu.wait_dma2 semaphore(%run_scoped3A : memref<!tpu.dma_semaphore, #tpu.memory_space<semaphore_mem>>) src(%arg5 : memref<32x1024xf32, #tpu.memory_space<vmem>>) dst(%dma_wait3A_19 : memref<32x1024xf32, #tpu.memory_space<hbm>>)
      tpu.yield
    }) : () -> ()
    return
  }
}

module attributes {stable_mosaic.version = 14 : i64} {
  func.func @_kernel_c(%arg0: memref<1024x512xf32, #tpu.memory_space<vmem>>, %arg1: memref<1024x1024xf32, #tpu.memory_space<vmem>>, %arg2: memref<1024x1024xf32, #tpu.memory_space<vmem>>, %arg3: memref<1x1xf32, #tpu.memory_space<vmem>>) attributes {dimension_semantics = [], scalar_prefetch = 0 : i64, scratch_operands = 0 : i64, tpu.core_type = #tpu.core_type<tc>} {
    %get3A = arith.constant 0 : index
    %get3A_0 = arith.constant 0 : index
    %get3A_1 = vector.load %arg0[%get3A, %get3A_0] : memref<1024x512xf32, #tpu.memory_space<vmem>>, vector<1024x512xf32>
    %mul3A = arith.mulf %get3A_1, %get3A_1 : vector<1024x512xf32>
    %reduce_sum3A = arith.constant dense<0.000000e+00> : vector<1024xf32>
    %reduce_sum3A_2 = vector.multi_reduction <add>, %mul3A, %reduce_sum3A [1] : vector<1024x512xf32> to vector<1024xf32>
    %broadcast_in_dim3A = vector.shape_cast %reduce_sum3A_2 : vector<1024xf32> to vector<1024x1xf32>
    %sqrt3A = math.sqrt %broadcast_in_dim3A : vector<1024x1xf32>
    %max3A = arith.constant 9.99999996E-13 : f32
    %max3A_3 = vector.broadcast %max3A : f32 to vector<1024x1xf32>
    %max3A_4 = arith.maximumf %sqrt3A, %max3A_3 : vector<1024x1xf32>
    %div3A = vector.broadcast %max3A_4 : vector<1024x1xf32> to vector<1024x512xf32>
    %div3A_5 = arith.divf %get3A_1, %div3A : vector<1024x512xf32>
    %dot_general3A = arith.constant dense<0.000000e+00> : vector<1024x1024xf32>
    %dot_general3A_6 = tpu.matmul %div3A_5, %div3A_5, %dot_general3A {dimension_numbers = #tpu.dot_dimension_numbers<[1], [1], [0], [0], [0, 0, 1, 0], [], []>, transpose_lhs_hint = false} : vector<1024x512xf32>, vector<1024x512xf32>, vector<1024x1024xf32> -> vector<1024x1024xf32>
    %mul3A_7 = arith.constant 2.000000e+00 : f32
    %mul3A_8 = vector.broadcast %mul3A_7 : f32 to vector<1024x1024xf32>
    %mul3A_9 = arith.mulf %mul3A_8, %dot_general3A_6 : vector<1024x1024xf32>
    %sub3A = arith.constant 2.000000e+00 : f32
    %sub3A_10 = vector.broadcast %sub3A : f32 to vector<1024x1024xf32>
    %sub3A_11 = arith.subf %sub3A_10, %mul3A_9 : vector<1024x1024xf32>
    %max3A_12 = arith.constant 0.000000e+00 : f32
    %max3A_13 = vector.broadcast %max3A_12 : f32 to vector<1024x1024xf32>
    %max3A_14 = arith.maximumf %sub3A_11, %max3A_13 : vector<1024x1024xf32>
    %gt3A = arith.constant 9.99999996E-13 : f32
    %gt3A_15 = vector.broadcast %gt3A : f32 to vector<1024x1024xf32>
    %gt3A_16 = arith.cmpf ogt, %max3A_14, %gt3A_15 : vector<1024x1024xf32>
    %max3A_17 = arith.constant 9.99999996E-13 : f32
    %max3A_18 = vector.broadcast %max3A_17 : f32 to vector<1024x1024xf32>
    %max3A_19 = arith.maximumf %max3A_14, %max3A_18 : vector<1024x1024xf32>
    %sqrt3A_20 = math.sqrt %max3A_19 : vector<1024x1024xf32>
    %jit3A = arith.constant 0.000000e+00 : f32
    %broadcast_in_dim3A_21 = vector.broadcast %jit3A : f32 to vector<1024x1024xf32>
    %select_n3A = arith.select %gt3A_16, %sqrt3A_20, %broadcast_in_dim3A_21 : vector<1024x1024xi1>, vector<1024x1024xf32>
    %reduce_sum3A_22 = arith.constant dense<0.000000e+00> : vector<1024xf32>
    %reduce_sum3A_23 = vector.multi_reduction <add>, %select_n3A, %reduce_sum3A_22 [1] : vector<1024x1024xf32> to vector<1024xf32>
    %broadcast_in_dim3A_24 = vector.shape_cast %reduce_sum3A_23 : vector<1024xf32> to vector<1024x1xf32>
    %div3A_25 = arith.constant 1.024000e+03 : f32
    %div3A_26 = vector.broadcast %div3A_25 : f32 to vector<1024x1xf32>
    %div3A_27 = arith.divf %broadcast_in_dim3A_24, %div3A_26 : vector<1024x1xf32>
    %div3A_28 = vector.broadcast %div3A_27 : vector<1024x1xf32> to vector<1024x1024xf32>
    %div3A_29 = arith.divf %select_n3A, %div3A_28 : vector<1024x1024xf32>
    %get3A_30 = arith.constant 0 : index
    %get3A_31 = arith.constant 0 : index
    %get3A_32 = vector.load %arg2[%get3A_30, %get3A_31] : memref<1024x1024xf32, #tpu.memory_space<vmem>>, vector<1024x1024xf32>
    %get3A_33 = arith.constant 0 : index
    %get3A_34 = arith.constant 0 : index
    %get3A_35 = vector.load %arg1[%get3A_33, %get3A_34] : memref<1024x1024xf32, #tpu.memory_space<vmem>>, vector<1024x1024xf32>
    %gt3A_36 = arith.constant 5.000000e-01 : f32
    %gt3A_37 = vector.broadcast %gt3A_36 : f32 to vector<1024x1024xf32>
    %gt3A_38 = arith.cmpf ogt, %get3A_32, %gt3A_37 : vector<1024x1024xf32>
    %convert_element_type3A = arith.extui %gt3A_38 : vector<1024x1024xi1> to vector<1024x1024xi32>
    %convert_element_type3A_39 = arith.sitofp %convert_element_type3A : vector<1024x1024xi32> to vector<1024x1024xf32>
    %gt3A_40 = arith.constant 5.000000e-01 : f32
    %gt3A_41 = vector.broadcast %gt3A_40 : f32 to vector<1024x1024xf32>
    %gt3A_42 = arith.cmpf ogt, %get3A_32, %gt3A_41 : vector<1024x1024xf32>
    %lt3A = arith.constant 5.500000e+00 : f32
    %lt3A_43 = vector.broadcast %lt3A : f32 to vector<1024x1024xf32>
    %lt3A_44 = arith.cmpf olt, %get3A_32, %lt3A_43 : vector<1024x1024xf32>
    %and3A = arith.andi %gt3A_42, %lt3A_44 : vector<1024x1024xi1>
    %convert_element_type3A_45 = arith.extui %and3A : vector<1024x1024xi1> to vector<1024x1024xi32>
    %convert_element_type3A_46 = arith.sitofp %convert_element_type3A_45 : vector<1024x1024xi32> to vector<1024x1024xf32>
    %transpose3A = tpu.transpose %convert_element_type3A_39, [1, 0] : vector<1024x1024xf32> -> vector<1024x1024xf32>
    %mul3A_47 = arith.mulf %convert_element_type3A_39, %transpose3A : vector<1024x1024xf32>
    %reduce_sum3A_48 = arith.constant dense<0.000000e+00> : vector<1024xf32>
    %reduce_sum3A_49 = vector.multi_reduction <add>, %mul3A_47, %reduce_sum3A_48 [0] : vector<1024x1024xf32> to vector<1024xf32>
    %dot_general3A_50 = arith.constant dense<0.000000e+00> : vector<1024x1024xf32>
    %dot_general3A_51 = tpu.matmul %mul3A_47, %mul3A_47, %dot_general3A_50 {dimension_numbers = #tpu.dot_dimension_numbers<[1], [0], [0], [1], [0, 0, 1, 1], [], []>, transpose_lhs_hint = false} : vector<1024x1024xf32>, vector<1024x1024xf32>, vector<1024x1024xf32> -> vector<1024x1024xf32>
    %max3A_52 = arith.constant 1.000000e+00 : f32
    %max3A_53 = vector.broadcast %max3A_52 : f32 to vector<1024xf32>
    %max3A_54 = arith.maximumf %reduce_sum3A_49, %max3A_53 : vector<1024xf32>
    %div3A_55 = arith.constant 1.000000e-01 : f32
    %div3A_56 = vector.broadcast %div3A_55 : f32 to vector<1024xf32>
    %div3A_57 = arith.divf %div3A_56, %max3A_54 : vector<1024xf32>
    %mul3A_58 = arith.mulf %mul3A_47, %dot_general3A_51 : vector<1024x1024xf32>
    %broadcast_in_dim3A_59 = vector.shape_cast %div3A_57 : vector<1024xf32> to vector<1024x1xf32>
    %mul3A_60 = vector.broadcast %broadcast_in_dim3A_59 : vector<1024x1xf32> to vector<1024x1024xf32>
    %mul3A_61 = arith.mulf %mul3A_58, %mul3A_60 : vector<1024x1024xf32>
    %dot_general3A_62 = arith.constant dense<0.000000e+00> : vector<1024x1024xf32>
    %dot_general3A_63 = tpu.matmul %convert_element_type3A_46, %mul3A_61, %dot_general3A_62 {dimension_numbers = #tpu.dot_dimension_numbers<[1], [0], [0], [1], [0, 0, 1, 1], [], []>, transpose_lhs_hint = false} : vector<1024x1024xf32>, vector<1024x1024xf32>, vector<1024x1024xf32> -> vector<1024x1024xf32>
    %sub3A_64 = arith.constant 1.000000e+00 : f32
    %sub3A_65 = vector.broadcast %sub3A_64 : f32 to vector<1024x1024xf32>
    %sub3A_66 = arith.subf %sub3A_65, %div3A_29 : vector<1024x1024xf32>
    %max3A_67 = arith.constant 0.000000e+00 : f32
    %max3A_68 = vector.broadcast %max3A_67 : f32 to vector<1024x1024xf32>
    %max3A_69 = arith.maximumf %sub3A_66, %max3A_68 : vector<1024x1024xf32>
    %mul3A_70 = arith.mulf %max3A_69, %max3A_69 : vector<1024x1024xf32>
    %mul3A_71 = arith.mulf %div3A_29, %div3A_29 : vector<1024x1024xf32>
    %sub3A_72 = arith.subf %mul3A_71, %mul3A_70 : vector<1024x1024xf32>
    %mul3A_73 = arith.constant 5.000000e-01 : f32
    %mul3A_74 = vector.broadcast %mul3A_73 : f32 to vector<1024x1024xf32>
    %mul3A_75 = arith.mulf %mul3A_74, %sub3A_72 : vector<1024x1024xf32>
    %mul3A_76 = arith.mulf %mul3A_75, %get3A_35 : vector<1024x1024xf32>
    %add3A = arith.addf %mul3A_70, %mul3A_76 : vector<1024x1024xf32>
    %transpose3A_77 = tpu.transpose %mul3A_75, [1, 0] : vector<1024x1024xf32> -> vector<1024x1024xf32>
    %add3A_78 = arith.addf %mul3A_75, %transpose3A_77 : vector<1024x1024xf32>
    %mul3A_79 = arith.mulf %add3A_78, %dot_general3A_63 : vector<1024x1024xf32>
    %add3A_80 = arith.addf %add3A, %mul3A_79 : vector<1024x1024xf32>
    %iota3A = tpu.iota {dimensions = array<i32: 0>} : vector<1024x1024xi32>
    %iota3A_81 = tpu.iota {dimensions = array<i32: 1>} : vector<1024x1024xi32>
    %eq3A = arith.cmpi eq, %iota3A, %iota3A_81 : vector<1024x1024xi32>
    %jit3A_82 = arith.constant 0.000000e+00 : f32
    %broadcast_in_dim3A_83 = vector.broadcast %jit3A_82 : f32 to vector<1024x1024xf32>
    %select_n3A_84 = arith.select %eq3A, %broadcast_in_dim3A_83, %add3A_80 : vector<1024x1024xi1>, vector<1024x1024xf32>
    %reduce_sum3A_85 = vector.shape_cast %select_n3A_84 : vector<1024x1024xf32> to vector<1x1024x1024xf32>
    %reduce_sum3A_86 = arith.constant dense<0.000000e+00> : vector<1xf32>
    %reduce_sum3A_87 = vector.multi_reduction <add>, %reduce_sum3A_85, %reduce_sum3A_86 [1, 2] : vector<1x1024x1024xf32> to vector<1xf32>
    %reduce_sum3A_88 = vector.shape_cast %reduce_sum3A_87 : vector<1xf32> to vector<1x1x1xf32>
    %reduce_sum3A_89 = vector.extract %reduce_sum3A_88[0, 0, 0] : f32 from vector<1x1x1xf32>
    %div3A_90 = arith.constant 0x497FC000 : f32
    %div3A_91 = arith.divf %reduce_sum3A_89, %div3A_90 : f32
    %reshape3A = vector.broadcast %div3A_91 : f32 to vector<1x1xf32>
    %swap3A = arith.constant 0 : index
    %swap3A_92 = arith.constant 0 : index
    %swap3A_93 = vector.load %arg3[%swap3A, %swap3A_92] : memref<1x1xf32, #tpu.memory_space<vmem>>, vector<1x1xf32>
    tpu.vector_store %arg3[%swap3A, %swap3A_92], %reshape3A {strides = array<i32>} : memref<1x1xf32, #tpu.memory_space<vmem>>, vector<1x1xf32>,
    return
  }
}

module attributes {stable_mosaic.version = 14 : i64} {
  func.func @_kernel_a(%arg0: memref<1024x512xf32, #tpu.memory_space<vmem>>, %arg1: memref<1024x1xi32, #tpu.memory_space<vmem>>, %arg2: memref<1x1024xi32, #tpu.memory_space<vmem>>, %arg3: memref<1024x1024xi32, #tpu.memory_space<vmem>>, %arg4: memref<1024x1024xf32, #tpu.memory_space<vmem>>) attributes {dimension_semantics = [], scalar_prefetch = 0 : i64, scratch_operands = 0 : i64, tpu.core_type = #tpu.core_type<tc>} {
    %get3A = arith.constant 0 : index
    %get3A_0 = arith.constant 0 : index
    %get3A_1 = vector.load %arg0[%get3A, %get3A_0] : memref<1024x512xf32, #tpu.memory_space<vmem>>, vector<1024x512xf32>
    %mul3A = arith.mulf %get3A_1, %get3A_1 : vector<1024x512xf32>
    %reduce_sum3A = arith.constant dense<0.000000e+00> : vector<1024xf32>
    %reduce_sum3A_2 = vector.multi_reduction <add>, %mul3A, %reduce_sum3A [1] : vector<1024x512xf32> to vector<1024xf32>
    %broadcast_in_dim3A = vector.shape_cast %reduce_sum3A_2 : vector<1024xf32> to vector<1024x1xf32>
    %sqrt3A = math.sqrt %broadcast_in_dim3A : vector<1024x1xf32>
    %max3A = arith.constant 9.99999996E-13 : f32
    %max3A_3 = vector.broadcast %max3A : f32 to vector<1024x1xf32>
    %max3A_4 = arith.maximumf %sqrt3A, %max3A_3 : vector<1024x1xf32>
    %div3A = vector.broadcast %max3A_4 : vector<1024x1xf32> to vector<1024x512xf32>
    %div3A_5 = arith.divf %get3A_1, %div3A : vector<1024x512xf32>
    %dot_general3A = arith.constant dense<0.000000e+00> : vector<1024x1024xf32>
    %dot_general3A_6 = tpu.matmul %div3A_5, %div3A_5, %dot_general3A {dimension_numbers = #tpu.dot_dimension_numbers<[1], [1], [0], [0], [0, 0, 1, 0], [], []>, transpose_lhs_hint = false} : vector<1024x512xf32>, vector<1024x512xf32>, vector<1024x1024xf32> -> vector<1024x1024xf32>
    %mul3A_7 = arith.constant 2.000000e+00 : f32
    %mul3A_8 = vector.broadcast %mul3A_7 : f32 to vector<1024x1024xf32>
    %mul3A_9 = arith.mulf %mul3A_8, %dot_general3A_6 : vector<1024x1024xf32>
    %sub3A = arith.constant 2.000000e+00 : f32
    %sub3A_10 = vector.broadcast %sub3A : f32 to vector<1024x1024xf32>
    %sub3A_11 = arith.subf %sub3A_10, %mul3A_9 : vector<1024x1024xf32>
    %max3A_12 = arith.constant 0.000000e+00 : f32
    %max3A_13 = vector.broadcast %max3A_12 : f32 to vector<1024x1024xf32>
    %max3A_14 = arith.maximumf %sub3A_11, %max3A_13 : vector<1024x1024xf32>
    %le3A = arith.constant 9.99999996E-13 : f32
    %le3A_15 = vector.broadcast %le3A : f32 to vector<1024x1024xf32>
    %le3A_16 = arith.cmpf ole, %max3A_14, %le3A_15 : vector<1024x1024xf32>
    %neg3A = arith.constant 0.000000e+00 : f32
    %neg3A_17 = vector.broadcast %neg3A : f32 to vector<1024x1024xf32>
    %neg3A_18 = arith.subf %neg3A_17, %max3A_14 : vector<1024x1024xf32>
    %div3A_19 = arith.constant 1.000000e+00 : f32
    %div3A_20 = vector.broadcast %div3A_19 : f32 to vector<1024x1024xf32>
    %div3A_21 = arith.divf %neg3A_18, %div3A_20 : vector<1024x1024xf32>
    %exp3A = math.exp %div3A_21 : vector<1024x1024xf32>
    %jit3A = arith.constant 1.000000e+00 : f32
    %broadcast_in_dim3A_22 = vector.broadcast %jit3A : f32 to vector<1024x1024xf32>
    %select_n3A = arith.select %le3A_16, %broadcast_in_dim3A_22, %exp3A : vector<1024x1024xi1>, vector<1024x1024xf32>
    %swap3A = arith.constant 0 : index
    %swap3A_23 = arith.constant 0 : index
    %swap3A_24 = vector.load %arg4[%swap3A, %swap3A_23] : memref<1024x1024xf32, #tpu.memory_space<vmem>>, vector<1024x1024xf32>
    tpu.vector_store %arg4[%swap3A, %swap3A_23], %select_n3A {strides = array<i32>} : memref<1024x1024xf32, #tpu.memory_space<vmem>>, vector<1024x1024xf32>,
    %get3A_25 = arith.constant 0 : index
    %get3A_26 = arith.constant 0 : index
    %get3A_27 = vector.load %arg1[%get3A_25, %get3A_26] : memref<1024x1xi32, #tpu.memory_space<vmem>>, vector<1024x1xi32>
    %get3A_28 = arith.constant 0 : index
    %get3A_29 = arith.constant 0 : index
    %get3A_30 = vector.load %arg2[%get3A_28, %get3A_29] : memref<1x1024xi32, #tpu.memory_space<vmem>>, vector<1x1024xi32>
    %eq3A = vector.broadcast %get3A_27 : vector<1024x1xi32> to vector<1024x1024xi32>
    %eq3A_31 = vector.broadcast %get3A_30 : vector<1x1024xi32> to vector<1024x1024xi32>
    %eq3A_32 = arith.cmpi eq, %eq3A, %eq3A_31 : vector<1024x1024xi32>
    %iota3A = tpu.iota {dimensions = array<i32: 1>} : vector<1024x1024xi32>
    %bitcast_convert_type3A = tpu.bitcast %max3A_14 : vector<1024x1024xf32> -> vector<1024x1024xi32>
    %or3A = arith.ori %eq3A_32, %le3A_16 : vector<1024x1024xi1>
    %not3A = arith.constant 1023 : i32
    %not3A_33 = arith.constant -1 : i32
    %not3A_34 = arith.xori %not3A, %not3A_33 : i32
    %and3A = vector.broadcast %not3A_34 : i32 to vector<1024x1024xi32>
    %and3A_35 = arith.andi %bitcast_convert_type3A, %and3A : vector<1024x1024xi32>
    %jit3A_36 = arith.constant 0 : i32
    %broadcast_in_dim3A_37 = vector.broadcast %jit3A_36 : i32 to vector<1024x1024xi32>
    %select_n3A_38 = arith.select %or3A, %broadcast_in_dim3A_37, %and3A_35 : vector<1024x1024xi1>, vector<1024x1024xi32>
    %or3A_39 = arith.ori %select_n3A_38, %iota3A : vector<1024x1024xi32>
    %swap3A_40 = arith.constant 0 : index
    %swap3A_41 = arith.constant 0 : index
    %swap3A_42 = vector.load %arg3[%swap3A_40, %swap3A_41] : memref<1024x1024xi32, #tpu.memory_space<vmem>>, vector<1024x1024xi32>
    tpu.vector_store %arg3[%swap3A_40, %swap3A_41], %or3A_39 {strides = array<i32>} : memref<1024x1024xi32, #tpu.memory_space<vmem>>, vector<1024x1024xi32>,
    return
  }
}

</mosaic_0001>

<sc_bundles>
// kernel: kernel.5.cloned.1.call-start
scs
__scs_entry_jumppad:
0x0: {  	(pc) =	sbr.rel $0x88, $3  }
0x1: {  	(tag) =	ssettag $0x0;
	lr =	simm.s32 $0x1  }
0x2: {  	[smem:$0x3F9E] =	sst lr;
	_ =	strace $0xD0000000  }
0x3: {  	_ = 	snop  }
0x4: {  	_ = 	snop  }
0x5: {  	_ = 	snop  }
0x6: {  	_ = 	snop  }
0x7: {  	_ = 	snop  }
__scs_overlays_trampoline_lowered:
0x8: {  	[smem:$0x3FAD] =	sst s0  }
0x9: {  	[smem:$0x3FAE] =	sst s1  }
0xa: {  	[smem:$0x3FAF] =	sst s2  }
0xb: {  	[smem:$0x3FB0] =	sst s3  }
0xc: {  	[smem:$0x3FB1] =	sst s4  }
0xd: {  	[smem:$0x3FB2] =	sst s5  }
0xe: {  	[smem:$0x3FB3] =	sst s6  }
0xf: {  	[smem:$0x3FB4] =	sst s7  }
0x10: {  	[smem:$0x3FB5] =	sst s8  }
0x11: {  	[smem:$0x3FB6] =	sst s9;
	s0 =	simm.s32 @!p0 $0x0  }
0x12: {  	s1 =	sld [smem:$0x3F9C];
	s0 =	simm.s32 @p0 $0x1  }
0x13: {  	[smem:$0x3FB7] =	sst s0;
	s0 =	simm.s32 @!p1 $0x0  }
0x14: {  	s2 =	sld [smem:$0x3F9B];
	s0 =	simm.s32 @p1 $0x1  }
0x15: {  	[smem:$0x3FB8] =	sst s0;
	s0 =	simm.s32 @!p2 $0x0  }
0x16: {  	s3 =	sld [smem:$0x3FDB];
	s0 =	simm.s32 @p2 $0x1  }
0x17: {  	s4 =	simm.s32 $0x1BF5;
	[smem:$0x3FBA] =	sst s0  }
0x18: {  	s0 =	sld [smem:$0x3F9D];
	_ =	swait.ge [sflag:s4], $0x0  }
0x19: {  	s7 =	sld [smem:$0x3F9E]  }
0x1a: {  	s8 =	sadd.s32 $0xFFFFE003, lr  }
0x1b: {  	s9 =	sadd.s32 $0xFFFFFEF7, lr;
	s5 =	simm.s32 $0xFFFFFFFF;
	p2 =	slt.u32 s8, $0xFFFFF086  }
0x1c: {  	p1 =	slt.u32 s9, $0xF7A;
	s5 =	simm.s32 @!p2 $0x0  }
0x1d: {  	s5 =	simm.s32 @p1 $0x1;
	p0 =	seq.s32 s7, s2  }
0x1e: {  	s7 =	smul.u32 @!p0 $0xF7A, s2;
	p2 =	seq.s32 @!p0 s5, $0x0  }
0x1f: {  	s9 =	smul.u32 $0xF7A, s1;
	s8 =	simm.s32 @!p0 $0x1BF5;
	p2 =	por !p2, p0  }
0x20: {  	[sflag:s8] =	ssyncset.s32 @!p0 $0xFFFFF086;
	s6 =	sadd.s32 @!p0 s3, s7;
	s7 =	simm.s32 @!p0 $0x108  }
0x21: {  	s3 =	sadd.s32 s3, s9;
	s6 =	sadd.s32 @!p0 $0x88, s6;
	s7 =	simm.s32 @p2 $0x1082  }
0x22: {  	[simem:s7], [sflag:s8] =	dma.local @!p0 [hbm:s6], $0xF7A  }
0x23: {  	s9 =	sor.u32 $0xD0000000, s2;
	s6 =	simm.s32 $0x108;
	_ =	swait.ge @!p0 [sflag:s8], $0x0  }
0x24: {  	s3 =	sadd.s32 $0x88, s3;
	s6 =	simm.s32 @!p1 $0x1082;
	[sflag:s4] =	ssyncset.s32 $0xFFFFF086  }
0x25: {  	[simem:s6], [sflag:s4] =	dma.local [hbm:s3], $0xF7A  }
0x26: {  	[smem:$0x3F9E] =	sst s1;
	(tag) =	ssettag s2;
	_ =	strace s9  }
0x27: {  	s1 =	sld [smem:$0x3FAE]  }
0x28: {  	s2 =	sld [smem:$0x3FAF]  }
0x29: {  	s4 =	sld [smem:$0x3FB1]  }
0x2a: {  	p0 =	seq.s32 s5, $0x0;
	s5 =	sld [smem:$0x3FB2]  }
0x2b: {  	s6 =	sld [smem:$0x3FB3]  }
0x2c: {  	s7 =	sld [smem:$0x3FB4]  }
0x2d: {  	s3 =	simm.s32 $0x108;
	s8 =	sld [smem:$0x3FB5]  }
0x2e: {  	s3 =	simm.s32 @!p0 $0x1082;
	s9 =	sld [smem:$0x3FB6]  }
0x2f: {  	lr =	sadd.s32 s0, s3;
	s0 =	sld [smem:$0x3FAD]  }
0x30: {  	s3 =	sld [smem:$0x3FB0]  }
0x31: {  	[smem:$0x3FB9] =	sst s10  }
0x32: {  	s10 =	sld [smem:$0x3FB7];
	_ =	sdelay $0x3  }
0x33: {  	p0 =	seq.s32 s10, $0x1;
	s10 =	sld [smem:$0x3FB9];
	_ =	sdelay $0x3  }
0x34: {  	[smem:$0x3FB9] =	sst s10  }
0x35: {  	s10 =	sld [smem:$0x3FB8];
	_ =	sdelay $0x3  }
0x36: {  	p1 =	seq.s32 s10, $0x1;
	s10 =	sld [smem:$0x3FB9];
	_ =	sdelay $0x3  }
0x37: {  	[smem:$0x3FB9] =	sst s10  }
0x38: {  	s10 =	sld [smem:$0x3FBA]  }
0x39: {  	_ = 	snop;
	(pc) =	sbr.ind lr, $3  }
0x3a: {  	_ = 	snop  }
0x3b: {  	_ = 	snop  }
0x3c: {  	p2 =	seq.s32 s10, $0x1;
	s10 =	sld [smem:$0x3FB9]  }
0x3d: {  	_ =	shalt  }
0x3e: {  	_ =	shalt  }
0x3f: {  	_ =	shalt  }
0x40: {  	_ =	shalt  }
0x41: {  	_ =	shalt  }
0x42: {  	_ =	shalt  }
0x43: {  	_ =	shalt  }
0x44: {  	_ =	shalt  }
0x45: {  	_ =	shalt  }
0x46: {  	_ =	shalt  }
0x47: {  	_ =	shalt  }
0x48: {  	_ =	shalt  }
0x49: {  	_ =	shalt  }
0x4a: {  	_ =	shalt  }
0x4b: {  	_ =	shalt  }
0x4c: {  	_ =	shalt  }
0x4d: {  	_ =	shalt  }
0x4e: {  	_ =	shalt  }
0x4f: {  	_ =	shalt  }
0x50: {  	_ =	shalt  }
0x51: {  	_ =	shalt  }
0x52: {  	_ =	shalt  }
0x53: {  	_ =	shalt  }
0x54: {  	_ =	shalt  }
0x55: {  	_ =	shalt  }
0x56: {  	_ =	shalt  }
0x57: {  	_ =	shalt  }
0x58: {  	_ =	shalt  }
0x59: {  	_ =	shalt  }
0x5a: {  	_ =	shalt  }
0x5b: {  	_ =	shalt  }
0x5c: {  	_ =	shalt  }
0x5d: {  	_ =	shalt  }
0x5e: {  	_ =	shalt  }
0x5f: {  	_ =	shalt  }
0x60: {  	_ =	shalt  }
0x61: {  	_ =	shalt  }
0x62: {  	_ =	shalt  }
0x63: {  	_ =	shalt  }
0x64: {  	_ =	shalt  }
0x65: {  	_ =	shalt  }
0x66: {  	_ =	shalt  }
0x67: {  	_ =	shalt  }
0x68: {  	_ =	shalt  }
0x69: {  	_ =	shalt  }
0x6a: {  	_ =	shalt  }
0x6b: {  	_ =	shalt  }
0x6c: {  	_ =	shalt  }
0x6d: {  	_ =	shalt  }
0x6e: {  	_ =	shalt  }
0x6f: {  	_ =	shalt  }
0x70: {  	_ =	shalt  }
0x71: {  	_ =	shalt  }
0x72: {  	_ =	shalt  }
0x73: {  	_ =	shalt  }
0x74: {  	_ =	shalt  }
0x75: {  	_ =	shalt  }
0x76: {  	_ =	shalt  }
0x77: {  	_ =	shalt  }
0x78: {  	_ =	shalt  }
0x79: {  	_ =	shalt  }
0x7a: {  	_ =	shalt  }
0x7b: {  	_ =	shalt  }
0x7c: {  	_ =	shalt  }
0x7d: {  	_ =	shalt  }
0x7e: {  	_ =	shalt  }
0x7f: {  	_ =	shalt  }
0x80: {  	_ =	shalt  }
0x81: {  	_ =	shalt  }
0x82: {  	_ =	shalt  }
0x83: {  	_ =	shalt  }
0x84: {  	_ =	shalt  }
0x85: {  	_ =	shalt  }
0x86: {  	_ =	shalt  }
0x87: {  	_ =	shalt  }
.Lfunc_end0:
.L_simem_size_0:
called_computation_lowered:
.L_overlay_start_0:
0x88: {  	s2 =	sld [smem:$0x3FD9]  }
0x89: {  	s3 =	sld [smem:$0x3FFE];
	_ =	sdelay $0x1  }
0x8a: {  	s1 =	srdreg.scid  }
0x8b: {  	s0 =	sand.u32 $0x1, s1  }
0x8c: {  	s16 =	sshll.u32 s0, $0xA;
	s2 =	sadd.s32 s3, s2  }
0x8d: {  	s2 =	sadd.s32 s2, s16  }
0x8e: {  	[smem:$0x3FC5] =	sst s2  }
0x8f: {  	_ = 	snop  }
0x90: {  	(tm) =	ssettm $0x1  }
0x91: {  	s17 =	sld [smem:$0x3FFB];
	_ =	sdelay $0x3  }
0x92: {  	_ =	strace s17  }
0x93: {  	s2 =	sld [smem:$0x3FFC];
	_ =	sdelay $0x3  }
0x94: {  	_ =	strace s2  }
0x95: {  	s2 =	sld [smem:$0x3FFD];
	_ =	sdelay $0x3  }
0x96: {  	_ =	strace s2  }
0x97: {  	_ =	strace $0x8FFFFFFF  }
0x98: {  	s18 =	sld [smem:$0x3FDB];
	_ =	sdelay $0x1  }
0x99: {  	s19 =	simm.s32 $_scs_section_size  }
0x9a: {  	s4 =	simm.s32 $_size__tile_overlayer_lowered;
	s5 =	simm.s32 $_tile_overlayer_lowered  }
0x9b: {  	s22 =	simm.s32 $0x1BFF;
	s21 =	sshll.u32 s5, $0x1;
	s2 =	sadd.s32 s19, s18  }
0x9c: {  	s6 =	simm.s32 $0x0;
	s20 =	sshll.u32 s4, $0x1;
	s4 =	sadd.s32 s21, s2  }
0x9d: {  	[timem:s6], [sflag:s22] =	dma.local [hbm:s4], s20  }
0x9e: {  	_ =	swait.ge [sflag:s22], s20  }
0x9f: {  	s3 =	ssub.s32 $0x0, s20;
	[sflag:s22] =	ssyncset.done $0x0  }
0xa0: {  	[sflag:s22] =	ssyncadd.s32 s3;
	_ =	sdelay $0x1  }
0xa1: {  	s23 =	simm.s32 $0x1B8B  }
0xa2: {  	_ =	swait.ge [sflag:s23], $0x1  }
0xa3: {  	[sflag:s23] =	ssyncset.done $0x0  }
0xa4: {  	s25 =	simm.s32 $0x1B8E;
	s24 =	sld [smem:$0x3FFE];
	[sflag:s23] =	ssyncadd.s32 $0xFFFFFFFF  }
0xa5: {  	s26 =	simm.s32 $execute0_lowered;
	[smem:$0x3FD2] =	sst s25  }
0xa6: {  	s4 =	sshll.u32 s26, $0x1;
	_ =	strace $0x80000046;
	[dreg:$0x1] =	wrdreg $0xFFFFFFFF  }
0xa7: {  	s28 =	simm.s32 $_size_execute0_lowered;
	s2 =	sadd.s32 s2, s4;
	[dreg:$0x0] =	wrdreg $0x0  }
0xa8: {  	s4 =	sshll.u32 s28, $0x1;
	[dreg:$0x2] =	wrdreg s2  }
0xa9: {  	[dreg:$0x3] =	wrdreg s4  }
0xaa: {  	[dreg:$0x4] =	wrdreg $0xC0  }
0xab: {  	_ =	task [dreg:s6], $0x5FFFF  }
0xac: {  	[dreg:$0x1] =	wrdreg $0xFFFFFFFF  }
0xad: {  	[dreg:$0x0] =	wrdreg $0x60  }
0xae: {  	[dreg:$0x2] =	wrdreg s24  }
0xaf: {  	[dreg:$0x3] =	wrdreg $0x9  }
0xb0: {  	_ =	task.clear_ibuf [dreg:s6], $0x4FFFF;
	_ =	strace $0x90000046  }
0xb1: {  	s29 =	simm.s32 $0x9;
	_ =	strace $0x80000048  }
0xb2: {  	_ =	swait.ge [sflag:s29], $0x1  }
0xb3: {  	[sflag:s29] =	ssyncadd.s32 $0xFFFFFFFF  }
0xb4: {  	_ =	strace $0x90000048  }
0xb5: {  	_ =	sfence  }
0xb6: {  	s30 =	sld [smem:$0x0];
	_ =	sdelay $0x2  }
0xb7: {  	s31 =	sshll.u32 s1, $0xD;
	s1 =	sshrl.u32 s1, $0x2  }
0xb8: {  	s3 =	sand.u32 $0x4000, s31;
	s1 =	sadd.s32 s1, s30  }
0xb9: {  	s0 =	sor.u32 s3, s0;
	s1 =	sshll.u32 s1, $0x11  }
0xba: {  	s0 =	sor.u32 s1, s0  }
0xbb: {  	s0 =	sadd.s32 $0x8F2B, s0  }
0xbc: {  	[sflag:s0] =	ssyncadd.remote.s32 $0x1  }
0xbd: {  	_ =	sfence.sel $0xFFFF  }
0xbe: {  	[dreg:$0x0] =	wrdreg $0xFFFFFFFF;
	(pc) =	sbr.abs _section_cstart, $3  }
0xbf: {  	[dreg:$0x1] =	wrdreg $0xFFFFFFFF  }
0xc0: {  	_ =	task.clear_ibuf [dreg:s6], $0x2FFFF;
	_ =	strace $0x9FFFFFFF  }
0xc1: {  	(tm) =	ssettm $0x7FFFFFFF  }
tec
execute0_lowered:
.L_overlay_start_1:
0x0: {  	(tag) =	ssettag $0x1  }
0x1: {  	v0 =	vimm.f32 $1.600000000e+01;
	vm0 =	vcmask $0x300  }
0x2: {  	vm14 =	vcmask $0x704;
	v0 =	vsel vm0, $0x3F800000, v0  }
0x3: {  	vm15 =	vcmask $0xB08;
	v0 =	vsel vm14, $0x40000000, v0  }
0x4: {  	vm4 =	vcmask $0xF0C;
	v0 =	vsel vm15, $0x40400000, v0  }
0x5: {  	vm5 =	vcmask $0x1310;
	v0 =	vsel vm4, $0x40800000, v0  }
0x6: {  	vm6 =	vcmask $0x1714;
	v0 =	vsel vm5, $0x40A00000, v0  }
0x7: {  	vm7 =	vcmask $0x1B18;
	v0 =	vsel vm6, $0x40C00000, v0  }
0x8: {  	vm8 =	vcmask $0x1F1C;
	v0 =	vsel vm7, $0x40E00000, v0  }
0x9: {  	s3 =	rddreg [dreg:$0x0];
	vm9 =	vcmask $0x2320;
	v0 =	vsel vm8, $0x41000000, v0  }
0xa: {  	s0 =	rddreg [dreg:$0x1];
	s4 =	srdreg.scid;
	vm10 =	vcmask $0x2724;
	v0 =	vsel vm9, $0x41100000, v0  }
0xb: {  	s2 =	simm.s32 $0x0;
	s1 =	stileid.u32;
	vm11 =	vcmask $0x2B28;
	s4 =	sand.u32 $0x1, s4;
	v0 =	vsel vm10, $0x41200000, v0  }
0xc: {  	vm12 =	vcmask $0x2F2C;
	s7 =	simm.s32 $0x8000;
	s5 =	sshll.u32 s1, $0xD;
	s6 =	sshll.u32 s4, $0xC;
	v0 =	vsel vm11, $0x41300000, v0  }
0xd: {  	v1 =	vlaneseq.u32;
	vm13 =	vcmask $0x3330;
	s8 =	simm.s32 $0x0;
	s4 =	ssub.s32 $0x2, s4;
	s5 =	sor.u32 s6, s5;
	v0 =	vsel vm12, $0x41400000, v0  }
0xe: {  	[smem:$0x7FF] =	sst s2;
	v1 =	vmul.u32 $0xFFFFFFFF, v1;
	vm14 =	vcmask $0x3734;
	s31 =	sshrl.u32 s4, $0x1;
	s5 =	sadd.s32 s5, s3;
	v0 =	vsel vm13, $0x41500000, v0  }
0xf: {  	_ =	strace $0x80000047;
	vm15 =	vcmask $0x3B38;
	s6 =	ssub.s32 s4, s31;
	s3 =	sadd.s32 $0x1000, s5;
	v2 =	vsel vm14, $0x41600000, v0  }
0x10: {  	s4 =	sadd.s32 $0x21000, s5;
	s5 =	smax.u32 s6, $0x1;
	s6 =	simm.s32 $0x1;
	v0 =	vadd.s32 $0xF, v1;
	v1 =	vimm.f32 $0.0e+00;
	v2 =	vsel vm15, $0x41700000, v2  }
.LBB2_1:
0x11: {  	[tilespmem:s2], [sflag:$0x1] =	stream.linear.gather [hbm4b:s3+s2], $0x8000, $0x38;
	[tilespmem:$0x10000] =	vst v63  }
0x12: {  	_ =	swait.ge [sflag:s6], $0x8000  }
0x13: {  	s9 =	simm.s32 $0x0;
	s10 =	simm.s32 $0x0;
	[sflag:s6] =	ssyncset.done $0x0  }
0x14: {  	s11 =	simm.s32 $0x0;
	s12 =	simm.s32 $0x0;
	[sflag:s6] =	ssyncadd.s32 $0xFFFF8000  }
.LBB2_2:
0x15: {  	s13 =	sand.u32 $0x6000, s10;
	s14 =	sand.u32 $0x380, s11  }
0x16: {  	s13 =	sor.u32 s14, s13  }
0x17: {  	v3 =	vld [tilespmem:s13+$0x0]  }
0x18: {  	v4 =	vld [tilespmem:s13+$0x10]  }
0x19: {  	v5 =	vld [tilespmem:s13+$0x20]  }
0x1a: {  	v6 =	vld [tilespmem:s13+$0x30]  }
0x1b: {  	v7 =	vld [tilespmem:s13+$0x40]  }
0x1c: {  	v9 =	vld [tilespmem:s13+$0x50]  }
0x1d: {  	v26 =	vld [tilespmem:s13+$0x60]  }
0x1e: {  	v27 =	vld [tilespmem:s13+$0x70]  }
0x1f: {  	v28 =	vld [tilespmem:s13+$0x400];
	v8 =	vxor.u32 $0x80000000, v3  }
0x20: {  	v29 =	vld [tilespmem:s13+$0x410];
	(xrf1) =	vsort.ascd.msk.u32 $0xffff, v8, v3;
	v3 =	vxor.u32 $0x80000000, v4  }
0x21: {  	v30 =	vld [tilespmem:s13+$0x420];
	(xrf1) =	vsort.ascd.msk.u32 $0xffff, v3, v4;
	v3 =	vxor.u32 $0x80000000, v5  }
0x22: {  	v31 =	vld [tilespmem:s13+$0x430];
	(xrf1) =	vsort.ascd.msk.u32 $0xffff, v3, v5;
	v3 =	vxor.u32 $0x80000000, v6  }
0x23: {  	v32 =	vld [tilespmem:s13+$0x440];
	(xrf1) =	vsort.ascd.msk.u32 $0xffff, v3, v6;
	v3 =	vxor.u32 $0x80000000, v7  }
0x24: {  	v33 =	vld [tilespmem:s13+$0x450];
	(xrf1) =	vsort.ascd.msk.u32 $0xffff, v3, v7;
	v3 =	vxor.u32 $0x80000000, v9  }
0x25: {  	v34 =	vld [tilespmem:s13+$0x460];
	(xrf1) =	vsort.ascd.msk.u32 $0xffff, v3, v9;
	v3 =	vxor.u32 $0x80000000, v26  }
0x26: {  	v35 =	vld [tilespmem:s13+$0x470];
	(xrf1) =	vsort.ascd.msk.u32 $0xffff, v3, v26;
	v3 =	vxor.u32 $0x80000000, v27  }
0x27: {  	v36 =	vld [tilespmem:s13+$0x800];
	(xrf1) =	vsort.ascd.msk.u32 $0xffff, v3, v27;
	v3 =	vxor.u32 $0x80000000, v28  }
0x28: {  	v37 =	vld [tilespmem:s13+$0x810];
	(xrf1) =	vsort.ascd.msk.u32 $0xffff, v3, v28;
	v3 =	vxor.u32 $0x80000000, v29  }
0x29: {  	v38 =	vld [tilespmem:s13+$0x820];
	(xrf1) =	vsort.ascd.msk.u32 $0xffff, v3, v29;
	v3 =	vxor.u32 $0x80000000, v30  }
0x2a: {  	v39 =	vld [tilespmem:s13+$0x830];
	(xrf1) =	vsort.ascd.msk.u32 $0xffff, v3, v30;
	v3 =	vxor.u32 $0x80000000, v31  }
0x2b: {  	v40 =	vld [tilespmem:s13+$0x840];
	(xrf1) =	vsort.ascd.msk.u32 $0xffff, v3, v31;
	v3 =	vxor.u32 $0x80000000, v32  }
0x2c: {  	v41 =	vld [tilespmem:s13+$0x850];
	(xrf1) =	vsort.ascd.msk.u32 $0xffff, v3, v32;
	v3 =	vxor.u32 $0x80000000, v33  }
0x2d: {  	v42 =	vld [tilespmem:s13+$0x860];
	(xrf1) =	vsort.ascd.msk.u32 $0xffff, v3, v33;
	v3 =	vxor.u32 $0x80000000, v34  }
0x2e: {  	v43 =	vld [tilespmem:s13+$0x870];
	v10, _, _ =	vpop (xrf1);
	(xrf1) =	vsort.ascd.msk.u32 $0xffff, v3, v34;
	v3 =	vxor.u32 $0x80000000, v35  }
0x2f: {  	v44 =	vld [tilespmem:s13+$0xC00];
	v11, _, _ =	vpop (xrf1);
	(xrf1) =	vsort.ascd.msk.u32 $0xffff, v3, v35;
	v3 =	vxor.u32 $0x80000000, v36  }
0x30: {  	v45 =	vld [tilespmem:s13+$0xC10];
	v12, _, _ =	vpop (xrf1);
	(xrf1) =	vsort.ascd.msk.u32 $0xffff, v3, v36;
	v3 =	vxor.u32 $0x80000000, v37  }
0x31: {  	v46 =	vld [tilespmem:s13+$0xC20];
	v13, _, _ =	vpop (xrf1);
	(xrf1) =	vsort.ascd.msk.u32 $0xffff, v3, v37;
	v3 =	vxor.u32 $0x80000000, v38  }
0x32: {  	v47 =	vld [tilespmem:s13+$0xC30];
	v14, _, _ =	vpop (xrf1);
	(xrf1) =	vsort.ascd.msk.u32 $0xffff, v3, v38;
	v3 =	vxor.u32 $0x80000000, v39  }
0x33: {  	v48 =	vld [tilespmem:s13+$0xC40];
	v15, _, _ =	vpop (xrf1);
	(xrf1) =	vsort.ascd.msk.u32 $0xffff, v3, v39;
	v3 =	vxor.u32 $0x80000000, v40  }
0x34: {  	v49 =	vld [tilespmem:s13+$0xC50];
	v16, _, _ =	vpop (xrf1);
	(xrf1) =	vsort.ascd.msk.u32 $0xffff, v3, v40;
	v3 =	vxor.u32 $0x80000000, v41  }
0x35: {  	v50 =	vld [tilespmem:s13+$0xC60];
	v18, _, _ =	vpop (xrf1);
	(xrf1) =	vsort.ascd.msk.u32 $0xffff, v3, v41;
	v3 =	vxor.u32 $0x80000000, v42  }
0x36: {  	v51 =	vld [tilespmem:s13+$0xC70];
	v19, _, _ =	vpop (xrf1);
	(xrf1) =	vsort.ascd.msk.u32 $0xffff, v3, v42;
	v3 =	vxor.u32 $0x80000000, v43  }
0x37: {  	v52 =	vld [tilespmem:s13+$0x1000];
	v20, _, _ =	vpop (xrf1);
	(xrf1) =	vsort.ascd.msk.u32 $0xffff, v3, v43;
	v3 =	vxor.u32 $0x80000000, v44  }
0x38: {  	v53 =	vld [tilespmem:s13+$0x1010];
	v21, _, _ =	vpop (xrf1);
	(xrf1) =	vsort.ascd.msk.u32 $0xffff, v3, v44;
	v3 =	vxor.u32 $0x80000000, v45  }
0x39: {  	v54 =	vld [tilespmem:s13+$0x1020];
	v22, _, _ =	vpop (xrf1);
	(xrf1) =	vsort.ascd.msk.u32 $0xffff, v3, v45;
	v3 =	vxor.u32 $0x80000000, v46  }
0x3a: {  	v55 =	vld [tilespmem:s13+$0x1030];
	v23, _, _ =	vpop (xrf1);
	(xrf1) =	vsort.ascd.msk.u32 $0xffff, v3, v46;
	v3 =	vxor.u32 $0x80000000, v47  }
0x3b: {  	v56 =	vld [tilespmem:s13+$0x1040];
	v24, _, _ =	vpop (xrf1);
	(xrf1) =	vsort.ascd.msk.u32 $0xffff, v3, v47;
	v3 =	vxor.u32 $0x80000000, v48  }
0x3c: {  	v57 =	vld [tilespmem:s13+$0x1050];
	v26, _, _ =	vpop (xrf1);
	(xrf1) =	vsort.ascd.msk.u32 $0xffff, v3, v48;
	v3 =	vxor.u32 $0x80000000, v49  }
0x3d: {  	v58 =	vld [tilespmem:s13+$0x1060];
	v27, _, _ =	vpop (xrf1);
	(xrf1) =	vsort.ascd.msk.u32 $0xffff, v3, v49;
	v3 =	vxor.u32 $0x80000000, v50  }
0x3e: {  	v59 =	vld [tilespmem:s13+$0x1070];
	v28, _, _ =	vpop (xrf1);
	(xrf1) =	vsort.ascd.msk.u32 $0xffff, v3, v50;
	v3 =	vxor.u32 $0x80000000, v51  }
0x3f: {  	v60 =	vld [tilespmem:s13+$0x1400];
	v29, _, _ =	vpop (xrf1);
	(xrf1) =	vsort.ascd.msk.u32 $0xffff, v3, v51;
	v3 =	vxor.u32 $0x80000000, v52  }
0x40: {  	v61 =	vld [tilespmem:s13+$0x1410];
	v30, _, _ =	vpop (xrf1);
	(xrf1) =	vsort.ascd.msk.u32 $0xffff, v3, v52;
	v3 =	vxor.u32 $0x80000000, v53  }
0x41: {  	v62 =	vld [tilespmem:s13+$0x1420];
	v25 =	vxor.u32 $0x80000000, v10;
	v31, _, _ =	vpop (xrf1);
	(xrf1) =	vsort.ascd.msk.u32 $0xffff, v3, v53;
	v3 =	vxor.u32 $0x80000000, v54  }
0x42: {  	v63 =	vld [tilespmem:s13+$0x1430];
	v45 =	vxor.u32 $0x80000000, v16;
	v46 =	vxor.u32 $0x80000000, v14;
	v32, _, _ =	vpop (xrf1);
	(xrf1) =	vsort.ascd.msk.u32 $0xffff, v3, v54;
	v3 =	vxor.u32 $0x80000000, v55  }
0x43: {  	v17 =	vld [tilespmem:s13+$0x1440];
	v42 =	vxor.u32 $0x80000000, v23;
	v49 =	vxor.u32 $0x80000000, v20;
	v34, _, _ =	vpop (xrf1);
	(xrf1) =	vsort.ascd.msk.u32 $0xffff, v3, v55;
	v3 =	vxor.u32 $0x80000000, v56  }
0x44: {  	v5 =	vld [tilespmem:s13+$0x1860];
	v50 =	vxor.u32 $0x80000000, v22;
	v48 =	vxor.u32 $0x80000000, v27;
	v40, _, _ =	vpop (xrf1);
	(xrf1) =	vsort.ascd.msk.u32 $0xffff, v3, v56;
	v3 =	vxor.u32 $0x80000000, v57  }
0x45: {  	v20 =	vld [tilespmem:s13+$0x1850];
	v49 =	vperm.xlane v49, v0;
	v51 =	vxor.u32 $0x80000000, v18;
	v41, _, _ =	vpop (xrf1);
	(xrf1) =	vsort.ascd.msk.u32 $0xffff, v3, v57;
	v3 =	vxor.u32 $0x80000000, v58  }
0x46: {  	v6 =	vld [tilespmem:s13+$0x1830];
	v50 =	vperm.xlane v50, v0;
	v48 =	vperm.xlane v48, v0;
	v53, _, _ =	vpop (xrf1);
	(xrf1) =	vsort.ascd.msk.u32 $0xffff, v3, v58;
	v3 =	vxor.u32 $0x80000000, v59  }
0x47: {  	v33 =	vld [tilespmem:s13+$0x1450];
	v52 =	vxor.u32 $0x80000000, v24;
	v43 =	vxor.u32 $0x80000000, v29;
	v54, _, _ =	vpop (xrf1);
	(xrf1) =	vsort.ascd.msk.u32 $0xffff, v3, v59;
	v3 =	vxor.u32 $0x80000000, v60  }
0x48: {  	v35 =	vld [tilespmem:s13+$0x1460];
	v51 =	vperm.xlane v51, v0;
	v52 =	vperm.xlane v52, v0;
	v55, _, _ =	vpop (xrf1);
	(xrf1) =	vsort.ascd.msk.u32 $0xffff, v3, v60;
	v3 =	vxor.u32 $0x80000000, v61  }
0x49: {  	v36 =	vld [tilespmem:s13+$0x1470];
	v43 =	vperm.xlane v43, v0;
	v44 =	vxor.u32 $0x80000000, v31;
	v56, _, _ =	vpop (xrf1);
	(xrf1) =	vsort.ascd.msk.u32 $0xffff, v3, v61;
	v3 =	vxor.u32 $0x80000000, v62  }
0x4a: {  	v37 =	vld [tilespmem:s13+$0x1800];
	v27 =	vxor.u32 $0x80000000, v20;
	vm4 =	vlt.s32 v45, v51;
	v57, _, _ =	vpop (xrf1);
	(xrf1) =	vsort.ascd.msk.u32 $0xffff, v3, v62;
	v3 =	vxor.u32 $0x80000000, v63  }
0x4b: {  	v38 =	vld [tilespmem:s13+$0x1810];
	v45 =	vsel vm4, v45, v51;
	vm7 =	vlt.s32 v42, v52;
	v58, _, _ =	vpop (xrf1);
	(xrf1) =	vsort.ascd.msk.u32 $0xffff, v3, v63;
	v3 =	vxor.u32 $0x80000000, v17  }
0x4c: {  	v39 =	vld [tilespmem:s13+$0x1820];
	v44 =	vperm.xlane v44, v0;
	v47 =	vxor.u32 $0x80000000, v34;
	v10, _, _ =	vpop (xrf1);
	(xrf1) =	vsort.ascd.msk.u32 $0xffff, v3, v17;
	v3 =	vxor.u32 $0x80000000, v33  }
0x4d: {  	v59 =	vxor.u32 $0x80000000, v11;
	v31 =	vxor.u32 $0x80000000, v53;
	v53 =	vld [tilespmem:s13+$0x1870];
	v11, _, _ =	vpop (xrf1);
	(xrf1) =	vsort.ascd.msk.u32 $0xffff, v3, v33;
	v3 =	vxor.u32 $0x80000000, v35  }
0x4e: {  	v42 =	vsel vm7, v42, v52;
	v63 =	vld [tilespmem:s13+$0x1840];
	v17 =	vxor.u32 $0x80000000, v12;
	v12, _, _ =	vpop (xrf1);
	(xrf1) =	vsort.ascd.msk.u32 $0xffff, v3, v35;
	v3 =	vxor.u32 $0x80000000, v36  }
0x4f: {  	v47 =	vperm.xlane v47, v0;
	v60 =	vxor.u32 $0x80000000, v13;
	v13, _, _ =	vpop (xrf1);
	(xrf1) =	vsort.ascd.msk.u32 $0xffff, v3, v36;
	v3 =	vxor.u32 $0x80000000, v37  }
0x50: {  	v61 =	vxor.u32 $0x80000000, v15;
	v62 =	vxor.u32 $0x80000000, v5;
	v9, _, _ =	vpop (xrf1);
	(xrf1) =	vsort.ascd.msk.u32 $0xffff, v3, v37;
	v3 =	vxor.u32 $0x80000000, v38  }
0x51: {  	v34 =	vxor.u32 $0x80000000, v56;
	v18 =	vxor.u32 $0x80000000, v57;
	v14, _, _ =	vpop (xrf1);
	(xrf1) =	vsort.ascd.msk.u32 $0xffff, v3, v38;
	v3 =	vxor.u32 $0x80000000, v39  }
0x52: {  	v34 =	vperm.xlane v34, v0;
	v22 =	vxor.u32 $0x80000000, v53;
	v4, _, _ =	vpop (xrf1);
	(xrf1) =	vsort.ascd.msk.u32 $0xffff, v3, v39;
	v3 =	vxor.u32 $0x80000000, v6  }
0x53: {  	v33 =	vxor.u32 $0x80000000, v19;
	v19 =	vxor.u32 $0x80000000, v10;
	v15, _, _ =	vpop (xrf1);
	(xrf1) =	vsort.ascd.msk.u32 $0xffff, v3, v6;
	v3 =	vxor.u32 $0x80000000, v63  }
0x54: {  	s31 =	sand.u32 $0x7, s9;
	v35 =	vxor.u32 $0x80000000, v21;
	v29 =	vxor.u32 $0x80000000, v11;
	vm5 =	vlt.s32 v33, v49  }
0x55: {  	s14 =	sshll.u32 s31, $0x7;
	v36 =	vxor.u32 $0x80000000, v30;
	v30 =	vxor.u32 $0x80000000, v40;
	v40 =	vxor.u32 $0x80000000, v41;
	v6, _, _ =	vpop (xrf1)  }
0x56: {  	s21 =	sadd.s32 s14, s10;
	v41 =	vxor.u32 $0x80000000, v54;
	v33 =	vsel vm5, v33, v49;
	vm6 =	vlt.s32 v35, v50;
	(xrf1) =	vsort.ascd.msk.u32 $0xffff, v3, v63;
	v3, _, _ =	vpop (xrf1)  }
0x57: {  	s14 =	sor.u32 $0x1C00, s21;
	v37 =	vxor.u32 $0x80000000, v32;
	v32 =	vxor.u32 $0x80000000, v58;
	vm10 =	vlt.s32 v36, v44;
	v16, _, _ =	vpop (xrf1)  }
0x58: {  	s15 =	sor.u32 $0x1C10, s21;
	v40 =	vperm.xlane v40, v0;
	v41 =	vperm.xlane v41, v0;
	(xrf1) =	vsort.ascd.msk.u32 $0xffff, v27, v20;
	v27 =	vxor.u32 $0x80000000, v55;
	v55 =	vld [tilespmem:s14+$0x0];
	v7, _, _ =	vpop (xrf1)  }
0x59: {  	s16 =	sor.u32 $0x1C20, s21;
	v56 =	vld [tilespmem:s15+$0x0];
	v38 =	vxor.u32 $0x80000000, v28;
	v28 =	vxor.u32 $0x80000000, v13;
	v10 =	vxor.u32 $0x80000000, v9;
	v63, _, _ =	vpop (xrf1)  }
0x5a: {  	v57 =	vld [tilespmem:s16+$0x0];
	v44 =	vsel vm10, v36, v44;
	vm11 =	vlt.s32 v37, v47;
	v32 =	vperm.xlane v32, v0;
	v54, _, _ =	vpop (xrf1)  }
0x5b: {  	s17 =	sor.u32 $0x1C30, s21;
	v39 =	vxor.u32 $0x80000000, v26;
	v26 =	vxor.u32 $0x80000000, v14;
	vm9 =	vlt.s32 v38, v43;
	(xrf1) =	vsort.ascd.msk.u32 $0xffff, v62, v5;
	v9, _, _ =	vpop (xrf1)  }
0x5c: {  	v58 =	vld [tilespmem:s17+$0x0];
	v11 =	vxor.u32 $0x80000000, v4;
	v23 =	vxor.u32 $0x80000000, v15;
	v8 =	vxor.u32 $0x80000000, v16;
	v4, _, _ =	vpop (xrf1)  }
0x5d: {  	s18 =	sor.u32 $0x1C40, s21;
	v5 =	vxor.u32 $0x80000000, v63;
	v16 =	vxor.u32 $0x80000000, v54;
	(xrf1) =	vsort.ascd.msk.u32 $0xffff, v22, v53;
	v54 =	vxor.u32 $0x80000000, v55;
	v62, _, _ =	vpop (xrf1)  }
0x5e: {  	s19 =	sor.u32 $0x1C50, s21;
	v53 =	vld [tilespmem:s18+$0x0];
	v13 =	vxor.u32 $0x80000000, v4;
	(xrf1) =	vsort.ascd.msk.u32 $0xffff, v54, v55;
	v63, _, _ =	vpop (xrf1);
	v4 =	vxor.u32 $0x80000000, v62;
	v62 =	vxor.u32 $0x80000000, v56  }
0x5f: {  	s20 =	sor.u32 $0x1C60, s21;
	v20 =	vxor.u32 $0x80000000, v12;
	v55 =	vld [tilespmem:s19+$0x0];
	v14 =	vxor.u32 $0x80000000, v63;
	(xrf1) =	vsort.ascd.msk.u32 $0xffff, v62, v56;
	v63 =	vxor.u32 $0x80000000, v57  }
0x60: {  	s21 =	sor.u32 $0x1C70, s21;
	v24 =	vxor.u32 $0x80000000, v3;
	v3 =	vxor.u32 $0x80000000, v9;
	v9, _, _ =	vpop (xrf1);
	v56 =	vperm.xlane v59, v0;
	(xrf1) =	vsort.ascd.msk.u32 $0xffff, v63, v57;
	v57 =	vld [tilespmem:s20+$0x0]  }
0x61: {  	v12 =	vxor.u32 $0x80000000, v6;
	v21 =	vxor.u32 $0x80000000, v7;
	v54 =	vld [tilespmem:s21+$0x0];
	v62 =	vxor.u32 $0x80000000, v58;
	v6, _, _ =	vpop (xrf1)  }
0x62: {  	v7 =	vxor.u32 $0x80000000, v9;
	v22, _, _ =	vpop (xrf1);
	v15 =	vxor.u32 $0x80000000, v6;
	vm0 =	vlt.s32 v25, v56  }
0x63: {  	v59 =	vxor.u32 $0x80000000, v53;
	v9, _, _ =	vpop (xrf1);
	v6 =	vxor.u32 $0x80000000, v22;
	(xrf1) =	vsort.ascd.msk.u32 $0xffff, v62, v58;
	v58 =	vperm.xlane v60, v0  }
0x64: {  	v60 =	vperm.xlane v61, v0;
	v61 =	vxor.u32 $0x80000000, v55;
	v63, _, _ =	vpop (xrf1);
	v22 =	vxor.u32 $0x80000000, v9;
	(xrf1) =	vsort.ascd.msk.u32 $0xffff, v59, v53  }
0x65: {  	v9 =	vxor.u32 $0x80000000, v63;
	vm14 =	vlt.s32 v17, v58;
	(xrf1) =	vsort.ascd.msk.u32 $0xffff, v61, v55;
	v63 =	vxor.u32 $0x80000000, v57  }
0x66: {  	v56 =	vsel vm0, v25, v56;
	v53 =	vsel vm14, v17, v58;
	v58 =	vxor.u32 $0x80000000, v54;
	(xrf1) =	vsort.ascd.msk.u32 $0xffff, v63, v57  }
0x67: {  	vm12 =	vlt.s32 v30, v40;
	v59 =	vxor.u32 $0x80000000, v56;
	vm15 =	vlt.s32 v46, v60;
	(xrf1) =	vsort.ascd.msk.u32 $0xffff, v58, v54  }
0x68: {  	vm13 =	vlt.s32 v31, v41;
	v25, _, _ =	vpop (xrf1);
	v46 =	vsel vm15, v46, v60;
	v60 =	vxor.u32 $0x80000000, v53;
	(xrf1) =	vsort.ascd.msk.u32 $0xffff, v59, v56  }
0x69: {  	v28 =	vperm.xlane v28, v0;
	vm8 =	vlt.s32 v39, v48;
	v62, _, _ =	vpop (xrf1);
	v61 =	vxor.u32 $0x80000000, v46;
	(xrf1) =	vsort.ascd.msk.u32 $0xffff, v60, v53  }
0x6a: {  	v38 =	vsel vm9, v38, v43;
	v17 =	vxor.u32 $0x80000000, v62;
	v62 =	vxor.u32 $0x80000000, v45;
	(xrf1) =	vsort.ascd.msk.u32 $0xffff, v61, v46  }
0x6b: {  	v40 =	vsel vm12, v30, v40;
	v54 =	vxor.u32 $0x80000000, v33;
	v53 =	vsel vm6, v35, v50;
	(xrf1) =	vsort.ascd.msk.u32 $0xffff, v62, v45  }
0x6c: {  	v31 =	vsel vm13, v31, v41;
	v23 =	vperm.xlane v23, v0;
	v63, _, _ =	vpop (xrf1);
	v56 =	vxor.u32 $0x80000000, v53;
	(xrf1) =	vsort.ascd.msk.u32 $0xffff, v54, v33  }
0x6d: {  	v26 =	vperm.xlane v26, v0;
	v21 =	vperm.xlane v21, v0;
	v58 =	vxor.u32 $0x80000000, v42;
	v55, _, _ =	vpop (xrf1);
	(xrf1) =	vsort.ascd.msk.u32 $0xffff, v56, v53  }
0x6e: {  	v51 =	vxor.u32 $0x80000000, v44;
	vm7 =	vlt.s32 v11, v23;
	vm5 =	vlt.s32 v20, v28;
	v57, _, _ =	vpop (xrf1);
	(xrf1) =	vsort.ascd.msk.u32 $0xffff, v58, v42  }
0x6f: {  	v24 =	vperm.xlane v24, v0;
	vm9 =	vlt.s32 v8, v21;
	v16 =	vperm.xlane v16, v0  }
0x70: {  	v11 =	vsel vm7, v11, v23;
	v8 =	vsel vm9, v8, v21;
	v14 =	vperm.xlane v14, v0;
	v59, _, _ =	vpop (xrf1)  }
0x71: {  	vm10 =	vlt.s32 v5, v16;
	v13 =	vperm.xlane v13, v0;
	v60 =	vsel vm8, v39, v48;
	v61, _, _ =	vpop (xrf1)  }
0x72: {  	vm12 =	vlt.s32 v4, v14;
	v45 =	vxor.u32 $0x80000000, v63;
	v62 =	vxor.u32 $0x80000000, v60;
	v63, _, _ =	vpop (xrf1)  }
0x73: {  	v5 =	vsel vm10, v5, v16;
	v4 =	vsel vm12, v4, v14;
	v48 =	vxor.u32 $0x80000000, v38;
	(xrf1) =	vsort.ascd.msk.u32 $0xffff, v62, v60;
	v49, _, _ =	vpop (xrf1)  }
0x74: {  	v16 =	vxor.u32 $0x80000000, v5;
	v22 =	vperm.xlane v22, v0;
	v50 =	vsel vm11, v37, v47;
	(xrf1) =	vsort.ascd.msk.u32 $0xffff, v48, v38;
	v52, _, _ =	vpop (xrf1)  }
0x75: {  	v23 =	vxor.u32 $0x80000000, v4;
	vm14 =	vlt.s32 v27, v34;
	v53 =	vxor.u32 $0x80000000, v50;
	(xrf1) =	vsort.ascd.msk.u32 $0xffff, v51, v44;
	v54, _, _ =	vpop (xrf1)  }
0x76: {  	v35 =	vxor.u32 $0x80000000, v55;
	v42 =	vxor.u32 $0x80000000, v57;
	v57 =	vxor.u32 $0x80000000, v40;
	(xrf1) =	vsort.ascd.msk.u32 $0xffff, v53, v50;
	v55, _, _ =	vpop (xrf1)  }
0x77: {  	vm15 =	vlt.s32 v18, v32;
	v33 =	vxor.u32 $0x80000000, v59;
	v59 =	vxor.u32 $0x80000000, v31;
	(xrf1) =	vsort.ascd.msk.u32 $0xffff, v57, v40;
	v56, _, _ =	vpop (xrf1)  }
0x78: {  	v25 =	vxor.u32 $0x80000000, v25;
	v34 =	vsel vm14, v27, v34;
	v18 =	vsel vm15, v18, v32;
	v58, _, _ =	vpop (xrf1);
	(xrf1) =	vsort.ascd.msk.u32 $0xffff, v59, v31  }
0x79: {  	vm14 =	vlt.s32 v6, v22;
	vm6 =	vlt.s32 v10, v26;
	vm8 =	vlt.s32 v12, v24;
	v60, _, _ =	vpop (xrf1)  }
0x7a: {  	vm11 =	vlt.s32 v3, v13;
	v62 =	vxor.u32 $0x80000000, v34;
	v39 =	vxor.u32 $0x80000000, v61;
	v61, _, _ =	vpop (xrf1)  }
0x7b: {  	v12 =	vsel vm8, v12, v24;
	v24 =	vperm.xlane v25, v0;
	v48 =	vxor.u32 $0x80000000, v18;
	(xrf1) =	vsort.ascd.msk.u32 $0xffff, v62, v34;
	v41, _, _ =	vpop (xrf1)  }
0x7c: {  	v3 =	vsel vm11, v3, v13;
	v36 =	vxor.u32 $0x80000000, v63;
	v63 =	vperm.xlane v29, v0;
	v47, _, _ =	vpop (xrf1);
	(xrf1) =	vsort.ascd.msk.u32 $0xffff, v48, v18  }
0x7d: {  	v10 =	vsel vm6, v10, v26;
	v21 =	vxor.u32 $0x80000000, v3;
	vm15 =	vlt.s32 v9, v24  }
0x7e: {  	v46 =	vperm.xlane v42, v0;
	v38 =	vxor.u32 $0x80000000, v49;
	vm4 =	vlt.s32 v19, v63  }
0x7f: {  	v49 =	vsel vm5, v20, v28;
	v28 =	vperm.xlane v45, v0;
	v19 =	vsel vm4, v19, v63  }
0x80: {  	v45 =	vsel vm15, v9, v24;
	vm5 =	vlt.s32 v35, v46;
	v50 =	vxor.u32 $0x80000000, v19  }
0x81: {  	v37 =	vxor.u32 $0x80000000, v52;
	v52 =	vxor.u32 $0x80000000, v49;
	v63 =	vperm.xlane v15, v0;
	(xrf1) =	vsort.ascd.msk.u32 $0xffff, v50, v19;
	v51, _, _ =	vpop (xrf1)  }
0x82: {  	vm4 =	vlt.s32 v17, v28;
	v44 =	vxor.u32 $0x80000000, v56;
	v56 =	vxor.u32 $0x80000000, v10;
	(xrf1) =	vsort.ascd.msk.u32 $0xffff, v52, v49;
	v53, _, _ =	vpop (xrf1)  }
0x83: {  	v43 =	vxor.u32 $0x80000000, v54;
	v57 =	vxor.u32 $0x80000000, v11;
	v40 =	vsel vm14, v6, v22;
	(xrf1) =	vsort.ascd.msk.u32 $0xffff, v56, v10;
	v54, _, _ =	vpop (xrf1)  }
0x84: {  	v13 =	vsel vm4, v17, v28;
	v30 =	vxor.u32 $0x80000000, v55;
	v59 =	vxor.u32 $0x80000000, v12;
	(xrf1) =	vsort.ascd.msk.u32 $0xffff, v57, v11;
	v55, _, _ =	vpop (xrf1)  }
0x85: {  	v27 =	vxor.u32 $0x80000000, v58;
	v29 =	vxor.u32 $0x80000000, v61;
	v61 =	vxor.u32 $0x80000000, v8;
	(xrf1) =	vsort.ascd.msk.u32 $0xffff, v59, v12;
	v58, _, _ =	vpop (xrf1)  }
0x86: {  	vm13 =	vlt.s32 v7, v63;
	v14 =	vxor.u32 $0x80000000, v40;
	v31 =	vxor.u32 $0x80000000, v60;
	v60, _, _ =	vpop (xrf1);
	(xrf1) =	vsort.ascd.msk.u32 $0xffff, v61, v8  }
0x87: {  	v34 =	vxor.u32 $0x80000000, v41;
	v48 =	vperm.xlane v39, v0;
	v32 =	vxor.u32 $0x80000000, v47;
	(xrf1) =	vsort.ascd.msk.u32 $0xffff, v16, v5  }
0x88: {  	v50 =	vperm.xlane v38, v0;
	v49 =	vxor.u32 $0x80000000, v45;
	(xrf1) =	vsort.ascd.msk.u32 $0xffff, v21, v3;
	v3 =	vsel vm13, v7, v63  }
0x89: {  	v52 =	vxor.u32 $0x80000000, v13;
	vm6 =	vlt.s32 v33, v48;
	v62, _, _ =	vpop (xrf1);
	(xrf1) =	vsort.ascd.msk.u32 $0xffff, v23, v4;
	v26 =	vxor.u32 $0x80000000, v3  }
0x8a: {  	v18 =	vxor.u32 $0x80000000, v51;
	v9 =	vsel vm6, v33, v48;
	vm7 =	vlt.s32 v36, v50;
	v25, _, _ =	vpop (xrf1);
	(xrf1) =	vsort.ascd.msk.u32 $0xffff, v26, v3  }
0x8b: {  	v56 =	vperm.xlane v44, v0;
	v19 =	vxor.u32 $0x80000000, v53;
	v53 =	vperm.xlane v43, v0  }
0x8c: {  	v15 =	vsel vm7, v36, v50;
	v18 =	vperm.xlane v18, v0;
	v20 =	vxor.u32 $0x80000000, v54  }
0x8d: {  	vm9 =	vlt.s32 v30, v56;
	vm8 =	vlt.s32 v37, v53;
	v59 =	vperm.xlane v31, v0  }
0x8e: {  	v17 =	vsel vm9, v30, v56;
	vm12 =	vlt.s32 v32, v18;
	v20 =	vperm.xlane v20, v0  }
0x8f: {  	v10 =	vxor.u32 $0x80000000, v55;
	v18 =	vsel vm12, v32, v18;
	vm10 =	vlt.s32 v27, v59;
	v41, _, _ =	vpop (xrf1)  }
0x90: {  	v39 =	vxor.u32 $0x80000000, v17;
	v44 =	vxor.u32 $0x80000000, v18;
	v30 =	vsel vm10, v27, v59;
	v47, _, _ =	vpop (xrf1)  }
0x91: {  	v8 =	vxor.u32 $0x80000000, v58;
	v61 =	vperm.xlane v34, v0;
	v34 =	vxor.u32 $0x80000000, v15;
	(xrf1) =	vsort.ascd.msk.u32 $0xffff, v14, v40;
	v51, _, _ =	vpop (xrf1)  }
0x92: {  	v11 =	vxor.u32 $0x80000000, v60;
	v16 =	vsel vm8, v37, v53;
	v8 =	vperm.xlane v8, v0;
	(xrf1) =	vsort.ascd.msk.u32 $0xffff, v49, v45;
	v54, _, _ =	vpop (xrf1)  }
0x93: {  	v12 =	vxor.u32 $0x80000000, v62;
	v7 =	vsel vm5, v35, v46;
	vm11 =	vlt.s32 v29, v61;
	v55, _, _ =	vpop (xrf1)  }
0x94: {  	vm13 =	vlt.s32 v19, v20;
	v58 =	vxor.u32 $0x80000000, v7;
	v21 =	vsel vm11, v29, v61;
	(xrf1) =	vsort.ascd.msk.u32 $0xffff, v52, v13;
	v57, _, _ =	vpop (xrf1)  }
0x95: {  	v63 =	vxor.u32 $0x80000000, v9;
	v19 =	vsel vm13, v19, v20;
	vm14 =	vlt.s32 v10, v8;
	(xrf1) =	vsort.ascd.msk.u32 $0xffff, v58, v7;
	v62, _, _ =	vpop (xrf1)  }
0x96: {  	v36 =	vxor.u32 $0x80000000, v16;
	v12 =	vperm.xlane v12, v0;
	v8 =	vsel vm14, v10, v8;
	(xrf1) =	vsort.ascd.msk.u32 $0xffff, v63, v9;
	v31, _, _ =	vpop (xrf1)  }
0x97: {  	v43 =	vxor.u32 $0x80000000, v21;
	v46 =	vxor.u32 $0x80000000, v19;
	v3 =	vxor.u32 $0x80000000, v25;
	v33, _, _ =	vpop (xrf1);
	(xrf1) =	vsort.ascd.msk.u32 $0xffff, v34, v15  }
0x98: {  	vm15 =	vlt.s32 v11, v12;
	v5 =	vxor.u32 $0x80000000, v41;
	v41 =	vxor.u32 $0x80000000, v30;
	v35, _, _ =	vpop (xrf1);
	(xrf1) =	vsort.ascd.msk.u32 $0xffff, v36, v16  }
0x99: {  	v11 =	vsel vm15, v11, v12;
	v5 =	vperm.xlane v5, v0;
	v6 =	vxor.u32 $0x80000000, v51  }
0x9a: {  	v4 =	vxor.u32 $0x80000000, v47;
	v47 =	vxor.u32 $0x80000000, v8;
	v6 =	vperm.xlane v6, v0  }
0x9b: {  	v48 =	vxor.u32 $0x80000000, v11;
	vm4 =	vlt.s32 v3, v5;
	v14 =	vxor.u32 $0x80000000, v55  }
0x9c: {  	v3 =	vsel vm4, v3, v5;
	vm5 =	vlt.s32 v4, v6;
	v49 =	vperm.xlane v14, v0  }
0x9d: {  	v13 =	vxor.u32 $0x80000000, v54;
	v51 =	vxor.u32 $0x80000000, v3;
	v4 =	vsel vm5, v4, v6;
	(xrf1) =	vsort.ascd.msk.u32 $0xffff, v39, v17  }
0x9e: {  	v52 =	vxor.u32 $0x80000000, v4;
	vm6 =	vlt.s32 v13, v49;
	v28 =	vxor.u32 $0x80000000, v62;
	(xrf1) =	vsort.ascd.msk.u32 $0xffff, v41, v30  }
0x9f: {  	v60 =	vxor.u32 $0x80000000, v57;
	v53 =	vsel vm6, v13, v49;
	v9 =	vperm.xlane v28, v0;
	v38, _, _ =	vpop (xrf1);
	(xrf1) =	vsort.ascd.msk.u32 $0xffff, v43, v21  }
0xa0: {  	v56 =	vxor.u32 $0x80000000, v53;
	v23 =	vxor.u32 $0x80000000, v31;
	v37 =	vxor.u32 $0x80000000, v33;
	v42, _, _ =	vpop (xrf1);
	(xrf1) =	vsort.ascd.msk.u32 $0xffff, v44, v18  }
0xa1: {  	vm7 =	vlt.s32 v60, v9;
	v54 =	vperm.xlane v37, v0;
	v40 =	vxor.u32 $0x80000000, v38;
	(xrf1) =	vsort.ascd.msk.u32 $0xffff, v46, v19  }
0xa2: {  	v15 =	vxor.u32 $0x80000000, v35;
	v57 =	vsel vm7, v60, v9;
	v45, _, _ =	vpop (xrf1);
	v58 =	vperm.xlane v40, v0;
	(xrf1) =	vsort.ascd.msk.u32 $0xffff, v47, v8  }
0xa3: {  	v10 =	vxor.u32 $0x80000000, v42;
	vm8 =	vlt.s32 v23, v54;
	v12 =	vxor.u32 $0x80000000, v45;
	v50, _, _ =	vpop (xrf1);
	(xrf1) =	vsort.ascd.msk.u32 $0xffff, v48, v11  }
0xa4: {  	v60 =	vxor.u32 $0x80000000, v57;
	vm9 =	vlt.s32 v15, v58;
	v62 =	vperm.xlane v12, v0;
	(xrf1) =	vsort.ascd.msk.u32 $0xffff, v51, v3;
	v55, _, _ =	vpop (xrf1)  }
0xa5: {  	v8 =	vsel vm8, v23, v54;
	v15 =	vsel vm9, v15, v58;
	(xrf1) =	vsort.ascd.msk.u32 $0xffff, v52, v4;
	v59 =	vxor.u32 $0x80000000, v55;
	v61, _, _ =	vpop (xrf1)  }
0xa6: {  	v14 =	vxor.u32 $0x80000000, v8;
	vm10 =	vlt.s32 v10, v62;
	(xrf1) =	vsort.ascd.msk.u32 $0xffff, v56, v53;
	v16 =	vperm.xlane v59, v0;
	v63, _, _ =	vpop (xrf1)  }
0xa7: {  	v3 =	vxor.u32 $0x80000000, v50;
	v19 =	vsel vm10, v10, v62;
	(xrf1) =	vsort.ascd.msk.u32 $0xffff, v60, v57;
	v17 =	vxor.u32 $0x80000000, v63  }
0xa8: {  	v18 =	vxor.u32 $0x80000000, v15;
	(xrf1) =	vsort.ascd.msk.u32 $0xffff, v14, v8;
	vm11 =	vlt.s32 v3, v16;
	v9 =	vperm.xlane v17, v0  }
0xa9: {  	v20 =	vxor.u32 $0x80000000, v19;
	(xrf1) =	vsort.ascd.msk.u32 $0xffff, v18, v15;
	v6 =	vxor.u32 $0x80000000, v61;
	v3 =	vsel vm11, v3, v16  }
0xaa: {  	(xrf1) =	vsort.ascd.msk.u32 $0xffff, v20, v19;
	v21 =	vxor.u32 $0x80000000, v3;
	vm12 =	vlt.s32 v6, v9  }
0xab: {  	v22, _, _ =	vpop (xrf1);
	(xrf1) =	vsort.ascd.msk.u32 $0xffff, v21, v3;
	v3 =	vsel vm12, v6, v9  }
0xac: {  	v23, _, _ =	vpop (xrf1);
	v6 =	vxor.u32 $0x80000000, v3  }
0xad: {  	v24, _, _ =	vpop (xrf1);
	(xrf1) =	vsort.ascd.msk.u32 $0xffff, v6, v3  }
0xae: {  	v4 =	vxor.u32 $0x80000000, v23  }
0xaf: {  	v4 =	vperm.xlane v4, v0;
	v3, _, _ =	vpop (xrf1)  }
0xb0: {  	v5 =	vxor.u32 $0x80000000, v22;
	v25, _, _ =	vpop (xrf1)  }
0xb1: {  	vm13 =	vlt.s32 v5, v4;
	v26, _, _ =	vpop (xrf1)  }
0xb2: {  	v4 =	vsel vm13, v5, v4;
	v3 =	vxor.u32 $0x80000000, v3;
	v27, _, _ =	vpop (xrf1)  }
0xb3: {  	v7 =	vxor.u32 $0x80000000, v24;
	v37 =	vxor.u32 $0x80000000, v4;
	v3 =	vperm.xlane v3, v0;
	v28, _, _ =	vpop (xrf1)  }
0xb4: {  	v6 =	vxor.u32 $0x80000000, v25;
	v8 =	vxor.u32 $0x80000000, v26;
	v9 =	vxor.u32 $0x80000000, v27;
	v29, _, _ =	vpop (xrf1)  }
0xb5: {  	vm14 =	vlt.s32 v7, v3;
	v8 =	vperm.xlane v8, v0;
	v10 =	vxor.u32 $0x80000000, v28;
	v30, _, _ =	vpop (xrf1)  }
0xb6: {  	v3 =	vsel vm14, v7, v3;
	v11 =	vxor.u32 $0x80000000, v29;
	v10 =	vperm.xlane v10, v0;
	v31, _, _ =	vpop (xrf1)  }
0xb7: {  	vm15 =	vlt.s32 v6, v8;
	v38 =	vxor.u32 $0x80000000, v3;
	v12 =	vxor.u32 $0x80000000, v30;
	v32, _, _ =	vpop (xrf1)  }
0xb8: {  	v6 =	vsel vm15, v6, v8;
	v13 =	vxor.u32 $0x80000000, v31;
	v12 =	vperm.xlane v12, v0;
	v33, _, _ =	vpop (xrf1)  }
0xb9: {  	vm4 =	vlt.s32 v9, v10;
	v40 =	vxor.u32 $0x80000000, v6;
	v14 =	vxor.u32 $0x80000000, v32;
	v34, _, _ =	vpop (xrf1)  }
0xba: {  	v9 =	vsel vm4, v9, v10;
	v15 =	vxor.u32 $0x80000000, v33;
	vm5 =	vlt.s32 v11, v12;
	v35, _, _ =	vpop (xrf1)  }
0xbb: {  	v39 =	vperm.xlane v14, v0;
	v41 =	vxor.u32 $0x80000000, v9;
	v5 =	vxor.u32 $0x80000000, v34;
	(xrf1) =	vsort.ascd.msk.u32 $0xffff, v37, v4;
	v36, _, _ =	vpop (xrf1)  }
0xbc: {  	(xrf1) =	vsort.ascd.msk.u32 $0xffff, v38, v3;
	v3 =	vsel vm5, v11, v12;
	v5 =	vperm.xlane v5, v0;
	v8 =	vxor.u32 $0x80000000, v36  }
0xbd: {  	v7 =	vxor.u32 $0x80000000, v35;
	vm6 =	vlt.s32 v13, v39;
	(xrf1) =	vsort.ascd.msk.u32 $0xffff, v40, v6;
	v42 =	vperm.xlane v8, v0  }
0xbe: {  	v43 =	vsel vm6, v13, v39;
	v44 =	vxor.u32 $0x80000000, v3;
	(xrf1) =	vsort.ascd.msk.u32 $0xffff, v41, v9;
	vm7 =	vlt.s32 v15, v5  }
0xbf: {  	(xrf1) =	vsort.ascd.msk.u32 $0xffff, v44, v3;
	v3 =	vxor.u32 $0x80000000, v43;
	v5 =	vsel vm7, v15, v5;
	vm8 =	vlt.s32 v7, v42  }
0xc0: {  	(xrf1) =	vsort.ascd.msk.u32 $0xffff, v3, v43;
	v3 =	vxor.u32 $0x80000000, v5;
	v45 =	vsel vm8, v7, v42  }
0xc1: {  	(xrf1) =	vsort.ascd.msk.u32 $0xffff, v3, v5;
	v3 =	vxor.u32 $0x80000000, v45  }
0xc2: {  	(xrf1) =	vsort.ascd.msk.u32 $0xffff, v3, v45;
	_ =	sdelay $0x6  }
0xc3: {  	v3, _, _ =	vpop (xrf1)  }
0xc4: {  	v46, _, _ =	vpop (xrf1)  }
0xc5: {  	v47, _, _ =	vpop (xrf1)  }
0xc6: {  	v4 =	vxor.u32 $0x80000000, v46;
	v48, _, _ =	vpop (xrf1)  }
0xc7: {  	v4 =	vperm.xlane v4, v0;
	v49, _, _ =	vpop (xrf1)  }
0xc8: {  	v3 =	vxor.u32 $0x80000000, v3;
	v50, _, _ =	vpop (xrf1)  }
0xc9: {  	v5 =	vxor.u32 $0x80000000, v47;
	v6 =	vxor.u32 $0x80000000, v48;
	vm9 =	vlt.s32 v3, v4;
	v51, _, _ =	vpop (xrf1)  }
0xca: {  	v6 =	vperm.xlane v6, v0;
	v7 =	vxor.u32 $0x80000000, v49;
	v8 =	vxor.u32 $0x80000000, v50;
	v52, _, _ =	vpop (xrf1)  }
0xcb: {  	v3 =	vsel vm9, v3, v4;
	v8 =	vperm.xlane v8, v0;
	v4 =	vxor.u32 $0x80000000, v52  }
0xcc: {  	v9 =	vxor.u32 $0x80000000, v51;
	vm10 =	vlt.s32 v5, v6;
	v4 =	vperm.xlane v4, v0  }
0xcd: {  	v53 =	vxor.u32 $0x80000000, v3;
	v5 =	vsel vm10, v5, v6;
	vm11 =	vlt.s32 v7, v8  }
0xce: {  	(xrf1) =	vsort.ascd.msk.u32 $0xffff, v53, v3;
	v54 =	vxor.u32 $0x80000000, v5;
	v3 =	vsel vm11, v7, v8;
	vm12 =	vlt.s32 v9, v4  }
0xcf: {  	(xrf1) =	vsort.ascd.msk.u32 $0xffff, v54, v5;
	v55 =	vxor.u32 $0x80000000, v3;
	v4 =	vsel vm12, v9, v4  }
0xd0: {  	(xrf1) =	vsort.ascd.msk.u32 $0xffff, v55, v3;
	v3 =	vxor.u32 $0x80000000, v4  }
0xd1: {  	[tilespmem:s13+$0x8000] =	vst v1;
	(xrf1) =	vsort.ascd.msk.u32 $0xffff, v3, v4  }
0xd2: {  	[tilespmem:s13+$0x8010] =	vst v1  }
0xd3: {  	[tilespmem:s13+$0x8020] =	vst v1  }
0xd4: {  	[tilespmem:s13+$0x8030] =	vst v1  }
0xd5: {  	[tilespmem:s13+$0x8040] =	vst v1  }
0xd6: {  	[tilespmem:s13+$0x8050] =	vst v1  }
0xd7: {  	[tilespmem:s13+$0x8060] =	vst v1  }
0xd8: {  	[tilespmem:s13+$0x8070] =	vst v1  }
0xd9: {  	[tilespmem:s13+$0x8400] =	vst v1  }
0xda: {  	[tilespmem:s13+$0x8410] =	vst v1  }
0xdb: {  	[tilespmem:s13+$0x8420] =	vst v1  }
0xdc: {  	[tilespmem:s13+$0x8430] =	vst v1;
	v3, _, _ =	vpop (xrf1)  }
0xdd: {  	[tilespmem:s13+$0x8440] =	vst v1;
	v56, _, _ =	vpop (xrf1)  }
0xde: {  	[tilespmem:s13+$0x8450] =	vst v1;
	v5, _, _ =	vpop (xrf1)  }
0xdf: {  	[tilespmem:s13+$0x8460] =	vst v1;
	v4 =	vxor.u32 $0x80000000, v56;
	v57, _, _ =	vpop (xrf1)  }
0xe0: {  	[tilespmem:s13+$0x8470] =	vst v1;
	v4 =	vperm.xlane v4, v0;
	v6 =	vxor.u32 $0x80000000, v57  }
0xe1: {  	[tilespmem:s13+$0x8800] =	vst v1;
	v3 =	vxor.u32 $0x80000000, v3;
	v6 =	vperm.xlane v6, v0  }
0xe2: {  	[tilespmem:s13+$0x8810] =	vst v1;
	v5 =	vxor.u32 $0x80000000, v5;
	vm13 =	vlt.s32 v3, v4  }
0xe3: {  	[tilespmem:s13+$0x8820] =	vst v1;
	v3 =	vsel vm13, v3, v4;
	vm14 =	vlt.s32 v5, v6  }
0xe4: {  	[tilespmem:s13+$0x8830] =	vst v1;
	v59 =	vxor.u32 $0x80000000, v3;
	v58 =	vsel vm14, v5, v6  }
0xe5: {  	[tilespmem:s13+$0x8840] =	vst v1;
	(xrf1) =	vsort.ascd.msk.u32 $0xffff, v59, v3;
	v3 =	vxor.u32 $0x80000000, v58  }
0xe6: {  	[tilespmem:s13+$0x8850] =	vst v1;
	(xrf1) =	vsort.ascd.msk.u32 $0xffff, v3, v58  }
0xe7: {  	[tilespmem:s13+$0x8860] =	vst v1  }
0xe8: {  	[tilespmem:s13+$0x8870] =	vst v1  }
0xe9: {  	[tilespmem:s13+$0x8C00] =	vst v1  }
0xea: {  	[tilespmem:s13+$0x8C10] =	vst v1  }
0xeb: {  	[tilespmem:s13+$0x8C20] =	vst v1  }
0xec: {  	[tilespmem:s13+$0x8C30] =	vst v1  }
0xed: {  	[tilespmem:s13+$0x8C40] =	vst v1  }
0xee: {  	[tilespmem:s13+$0x8C50] =	vst v1  }
0xef: {  	[tilespmem:s13+$0x8C60] =	vst v1  }
0xf0: {  	[tilespmem:s13+$0x8C70] =	vst v1  }
0xf1: {  	[tilespmem:s13+$0x9000] =	vst v1  }
0xf2: {  	[tilespmem:s13+$0x9010] =	vst v1  }
0xf3: {  	[tilespmem:s13+$0x9020] =	vst v1;
	v3, _, _ =	vpop (xrf1)  }
0xf4: {  	[tilespmem:s13+$0x9030] =	vst v1;
	v4, _, _ =	vpop (xrf1)  }
0xf5: {  	[tilespmem:s13+$0x9040] =	vst v1;
	v4 =	vxor.u32 $0x80000000, v4  }
0xf6: {  	[tilespmem:s13+$0x9050] =	vst v1;
	v4 =	vperm.xlane v4, v0  }
0xf7: {  	[tilespmem:s13+$0x9060] =	vst v1;
	v3 =	vxor.u32 $0x80000000, v3  }
0xf8: {  	[tilespmem:s13+$0x9070] =	vst v1;
	vm15 =	vlt.s32 v3, v4  }
0xf9: {  	[tilespmem:s13+$0x9400] =	vst v1;
	v3 =	vsel vm15, v3, v4  }
0xfa: {  	[tilespmem:s13+$0x9410] =	vst v1;
	v4 =	vxor.u32 $0x80000000, v3  }
0xfb: {  	[tilespmem:s13+$0x9420] =	vst v1;
	(xrf1) =	vsort.ascd.msk.u32 $0xffff, v4, v3  }
0xfc: {  	[tilespmem:s13+$0x9430] =	vst v1  }
0xfd: {  	[tilespmem:s13+$0x9440] =	vst v1  }
0xfe: {  	[tilespmem:s13+$0x9450] =	vst v1  }
0xff: {  	[tilespmem:s13+$0x9460] =	vst v1  }
0x100: {  	[tilespmem:s13+$0x9470] =	vst v1  }
0x101: {  	[tilespmem:s13+$0x9800] =	vst v1  }
0x102: {  	[tilespmem:s13+$0x9810] =	vst v1  }
0x103: {  	[tilespmem:s13+$0x9820] =	vst v1  }
0x104: {  	[tilespmem:s13+$0x9830] =	vst v1  }
0x105: {  	[tilespmem:s13+$0x9840] =	vst v1  }
0x106: {  	[tilespmem:s13+$0x9850] =	vst v1  }
0x107: {  	[tilespmem:s13+$0x9860] =	vst v1;
	v3 =	vmov s12  }
0x108: {  	[tilespmem:s13+$0x9870] =	vst v1;
	v60 =	vshll.u32 v3, $0xA;
	v3 =	vshll.u32 v3, $0x7  }
0x109: {  	[tilespmem:s14+$0x8000] =	vst v1;
	v4 =	vand.u32 $0x6000, v60;
	v3 =	vand.u32 $0x380, v3;
	v61, _, _ =	vpop (xrf1)  }
0x10a: {  	[tilespmem:s15+$0x8000] =	vst v1;
	v3 =	vor.u32 v4, v3;
	v62 =	vand.u32 $0x7F, v61;
	v5 =	vshll.u32 v61, $0x3  }
0x10b: {  	[tilespmem:s16+$0x8000] =	vst v1;
	v3 =	vor.u32 v62, v3;
	v63 =	vand.u32 $0x1C00, v5  }
0x10c: {  	p0 =	sne.s32 s12, $0x1F;
	[tilespmem:s17+$0x8000] =	vst v1;
	v3 =	vor.u32 v63, v3  }
.Ltmp0:
0x10d: {  	[tilespmem:s18+$0x8000] =	vst v1;
	(pc) =	sbr.rel @p0 .LBB2_2-.Ltmp0, $4  }
0x10e: {  	[tilespmem:s19+$0x8000] =	vst v1  }
0x10f: {  	[tilespmem:s20+$0x8000] =	vst v1  }
0x110: {  	s11 =	sadd.s32 $0x80, s11;
	[tilespmem:s21+$0x8000] =	vst v1  }
0x111: {  	s9 =	sadd.s32 $0x1, s9;
	s10 =	sadd.s32 $0x400, s10;
	s12 =	sadd.s32 $0x1, s12;
	[tilespmem:v3+s7+$0x0] =	vst.idx.msk $0x3ff, v2  }
0x112: {  	s8 =	sadd.s32 $0x1, s8  }
0x113: {  	p0 =	sne.s32 s8, s5  }
.Ltmp1:
0x114: {  	_ = 	snop;
	(pc) =	sbr.rel @p0 .LBB2_1-.Ltmp1, $4  }
0x115: {  	[hbm4b:s4+s2] =	stream.linear.scatter [tilespmem:s7], [sflag:$0x1], $0x8000, $0x38;
	[tilespmem:$0x10000] =	vst v63  }
0x116: {  	_ =	swait.ge [sflag:s6], $0x8000  }
0x117: {  	[sflag:s6] =	ssyncset.done $0x0  }
0x118: {  	[sflag:s6] =	ssyncadd.s32 $0xFFFF8000  }
0x119: {  	_ =	sfence.sel $0x180000  }
0x11a: {  	[bflag:$0x0] =	sbarrier.arrive $0xFFFF  }
0x11b: {  	p0 =	sne.s32 s1, $0x0;
	_ =	strace $0x90000047  }
0x11c: {  	s0 =	sadd.s32 @!p0 $0x100000, s0;
	[bflag:$0x2] =	sbarrier.arrive $0xFFFF  }
0x11d: {  	[sflag:s0] =	ssyncadd.tile.s32 @!p0 $0x1;
	_ =	shalt  }
.Lfunc_end2:
_tile_overlayer_lowered:
.L_overlay_start_2:
0x11e: {  	(tag) =	ssettag $0x2  }
0x11f: {  	s0 =	rddreg [dreg:$0x0];
	s2 =	stileid.u32  }
0x120: {  	s1 =	rddreg [dreg:$0x1];
	p0 =	sne.s32 s2, $0x0  }
0x121: {  	s3 =	rddreg [dreg:$0x2];
	[bflag:$0x3] =	sbarrier.arrive $0xFFFF;
	s2 =	simm.s32 @!p0 $0x1C01  }
0x122: {  	[timem:s3], [sflag:s2] =	dma.local @!p0 [hbm:s0], s1  }
0x123: {  	s0 =	simm.s32 @!p0 $0x1  }
0x124: {  	_ =	swait.ge @!p0 [sflag:s0], s1  }
0x125: {  	s1 =	ssub.s32 @!p0 $0x0, s1;
	[sflag:s0] =	ssyncset.done @!p0 $0x0  }
0x126: {  	[sflag:s0] =	ssyncadd.s32 @!p0 s1  }
0x127: {  	[bflag:$0x3] =	sbarrier.arrive $0xFFFF  }
0x128: {  	_ =	shalt  }

</sc_bundles>
